<compile_context>
chip_gen: v7x
topology: tpu7x:2x2x1
jax: 0.10.2.dev20260603
libtpu: 0.0.44.dev20260713+nightly
codegen_flags: <defaults>
</compile_context>

<pallas_src>
import functools

import jax
import jax.numpy as jnp
from jax import lax
from jax.experimental import pallas as pl
from jax.experimental.pallas import tpu as pltpu
from jax.experimental.pallas import tpu_sc as plsc

V = 8192
N = 8192
NC = 2
NS = 16
NW = NC * NS
PER_W = N // NW
CH = 1
NCH = PER_W // CH
NBUF = 8
LOOK = 4
LANES = 16
VPI = 8
INNER = V // (LANES * VPI)


def _sc_body(xc_hbm, tgtb_hbm, table_hbm, out_hbm, sums_hbm, picked_hbm,
             idx_v, tgtb_v, rows_v, sums_v, picked_v, *sems):
    sem_g = sems[:NBUF]
    sem_s = sems[NBUF:]
    wid = lax.axis_index("s") * NC + lax.axis_index("c")
    base = wid * PER_W

    pltpu.sync_copy(xc_hbm.at[wid], idx_v)
    pltpu.sync_copy(tgtb_hbm.at[wid], tgtb_v)

    def fire_gather(c, b):
        pltpu.async_copy(table_hbm.at[idx_v.at[c]], rows_v.at[b], sem_g[b])

    def wait_gather(b):
        pltpu.make_async_copy(table_hbm.at[pl.ds(0, CH)], rows_v.at[b],
                              sem_g[b]).wait()

    def fire_scatter(c, b):
        pltpu.async_copy(rows_v.at[b], out_hbm.at[pl.ds(base + c * CH, CH)],
                         sem_s[b])

    def wait_scatter(b):
        pltpu.make_async_copy(rows_v.at[b], out_hbm.at[pl.ds(0, CH)],
                              sem_s[b]).wait()

    for c in range(LOOK):
        fire_gather(c, c)

    iota = lax.broadcasted_iota(jnp.int32, (LANES,), 0)

    def compute_chunk(c, b):
        for r in range(CH):
            tok = c * CH + r
            slot = pl.multiple_of(tok * LANES, LANES)
            t_splat = tgtb_v[pl.ds(slot, LANES)]
            t_u = [t_splat - iota - u * LANES for u in range(VPI)]
            zero = jnp.zeros((LANES,), jnp.float32)

            def inner(j, carry):
                a0, a1, a2, a3, p, col = carry
                for u in range(VPI):
                    v = rows_v[b, r, pl.ds((j * VPI + u) * LANES, LANES)]
                    e = jnp.exp(v)
                    if u % 4 == 0:
                        a0 = a0 + e
                    elif u % 4 == 1:
                        a1 = a1 + e
                    elif u % 4 == 2:
                        a2 = a2 + e
                    else:
                        a3 = a3 + e
                    p = jnp.where(col == t_u[u], v, p)
                col = col + LANES * VPI
                return a0, a1, a2, a3, p, col

            a0, a1, a2, a3, p, _ = lax.fori_loop(
                0, INNER, inner,
                (zero, zero, zero, zero, zero,
                 jnp.zeros((LANES,), jnp.int32)))
            sums_v[pl.ds(slot, LANES)] = (a0 + a1) + (a2 + a3)
            picked_v[pl.ds(slot, LANES)] = p

    @pl.loop(0, NCH, step=NBUF)
    def _(c0):
        for bi in range(NBUF):
            c = c0 + bi
            bn = (bi + LOOK) % NBUF

            @pl.when(c + LOOK - NBUF >= 0)
            def _():
                wait_scatter(bn)

            @pl.when(c + LOOK < NCH)
            def _():
                fire_gather(c + LOOK, bn)

            wait_gather(bi)
            compute_chunk(c, bi)
            fire_scatter(c, bi)

    for c in range(NCH + LOOK - NBUF, NCH):
        wait_scatter(c % NBUF)

    pltpu.sync_copy(sums_v, sums_hbm.at[wid])
    pltpu.sync_copy(picked_v, picked_hbm.at[wid])


_sc_call = functools.partial(
    pl.kernel,
    out_type=(
        jax.ShapeDtypeStruct((N, V), jnp.float32),
        jax.ShapeDtypeStruct((NW, PER_W * LANES), jnp.float32),
        jax.ShapeDtypeStruct((NW, PER_W * LANES), jnp.float32),
    ),
    mesh=plsc.VectorSubcoreMesh(core_axis_name="c", subcore_axis_name="s"),
    scratch_types=(
        [pltpu.VMEM((NCH, CH), jnp.int32),
         pltpu.VMEM((PER_W * LANES,), jnp.int32),
         pltpu.VMEM((NBUF, CH, V), jnp.float32),
         pltpu.VMEM((PER_W * LANES,), jnp.float32),
         pltpu.VMEM((PER_W * LANES,), jnp.float32)]
        + [pltpu.SemaphoreType.DMA] * (2 * NBUF)
    ),
)(_sc_body)


def _loss_body(sums_ref, picked_ref, out_ref):
    s = jnp.sum(sums_ref[...], axis=1, keepdims=True)
    lse_total = jnp.sum(jnp.log(s))
    picked_total = jnp.sum(picked_ref[...])
    out_ref[...] = jnp.full((1, 1), (lse_total - picked_total) / N,
                            jnp.float32)


_loss_call = pl.pallas_call(
    _loss_body,
    out_shape=jax.ShapeDtypeStruct((1, 1), jnp.float32),
)


def kernel(x, targets, table):
    xc = x.reshape(NW, NCH, CH)
    tgtb = jnp.broadcast_to(targets.reshape(N, 1),
                            (N, LANES)).reshape(NW, PER_W * LANES)
    logits, sums, picked = _sc_call(xc, tgtb, table)
    loss = _loss_call(sums.reshape(N, LANES), picked.reshape(N, LANES))
    return (logits, loss.reshape(()))

# --- scband reference (transcript-rebuilt; emitter-appended) ---
"""Pipeline reference for scband-bigram-63247688401354 (READ-ONLY COPY).

The authoritative reference and input builder live on the scoring server;
editing this copy changes nothing except your own understanding.
"""

import jax, jax.numpy as jnp
import numpy as np

VOCAB = 8192
B = 16
T = 512


def setup_inputs(seed: int = 0) -> dict:
    key = jax.random.key(seed)
    k1, k2, k3 = jax.random.split(key, 3)
    # learned parameter: nn.Embedding(vocab_size, vocab_size) weight
    table = jax.random.normal(k1, (VOCAB, VOCAB), dtype=jnp.float32) * 0.02
    x = jax.random.randint(k2, (B, T), 0, VOCAB, dtype=jnp.int32)
    targets = jax.random.randint(k3, (B, T), 0, VOCAB, dtype=jnp.int32)
    return {"x": x, "targets": targets, "table": table}


def reference(x, targets, table):
    # embedding lookup: logits[b, t, :] = table[x[b, t], :]
    logits = jnp.take(table, x, axis=0)  # [B, T, VOCAB]
    Bx, Tx, C = logits.shape
    logits2 = logits.reshape(Bx * Tx, C)
    t = targets.reshape(-1)
    # F.cross_entropy: mean over tokens of (logsumexp - logit_at_target)
    lse = jax.scipy.special.logsumexp(logits2, axis=-1)
    picked = jnp.take_along_axis(logits2, t[:, None], axis=1)[:, 0]
    loss = jnp.mean(lse - picked)
    return (logits2, loss)

if __name__ == "__main__":
    import jax
    _d = setup_inputs()
    print(jax.jit(kernel)(*tuple(_d.values())))

</pallas_src>

<mosaic_0001>
#map = affine_map<(d0, d1) -> (0, 0, 0)>
#map1 = affine_map<(d0, d1) -> (0, 0)>
module attributes {stable_mosaic.version = 14 : i64} {
  func.func @_sc_body(%arg0: i32, %arg1: i32, %arg2: memref<32x256x1xi32, #tpu.memory_space<hbm>>, %arg3: memref<32x4096xi32, #tpu.memory_space<hbm>>, %arg4: memref<8192x8192xf32, #tpu.memory_space<hbm>>, %arg5: memref<8192x8192xf32, #tpu.memory_space<hbm>>, %arg6: memref<32x4096xf32, #tpu.memory_space<hbm>>, %arg7: memref<32x4096xf32, #tpu.memory_space<hbm>>, %arg8: memref<256x1xi32, #tpu.memory_space<vmem>>, %arg9: memref<4096xi32, #tpu.memory_space<vmem>>, %arg10: memref<8x1x8192xf32, #tpu.memory_space<vmem>>, %arg11: memref<4096xf32, #tpu.memory_space<vmem>>, %arg12: memref<4096xf32, #tpu.memory_space<vmem>>, %arg13: memref<!tpu.dma_semaphore, #tpu.memory_space<semaphore_mem>>, %arg14: memref<!tpu.dma_semaphore, #tpu.memory_space<semaphore_mem>>, %arg15: memref<!tpu.dma_semaphore, #tpu.memory_space<semaphore_mem>>, %arg16: memref<!tpu.dma_semaphore, #tpu.memory_space<semaphore_mem>>, %arg17: memref<!tpu.dma_semaphore, #tpu.memory_space<semaphore_mem>>, %arg18: memref<!tpu.dma_semaphore, #tpu.memory_space<semaphore_mem>>, %arg19: memref<!tpu.dma_semaphore, #tpu.memory_space<semaphore_mem>>, %arg20: memref<!tpu.dma_semaphore, #tpu.memory_space<semaphore_mem>>, %arg21: memref<!tpu.dma_semaphore, #tpu.memory_space<semaphore_mem>>, %arg22: memref<!tpu.dma_semaphore, #tpu.memory_space<semaphore_mem>>, %arg23: memref<!tpu.dma_semaphore, #tpu.memory_space<semaphore_mem>>, %arg24: memref<!tpu.dma_semaphore, #tpu.memory_space<semaphore_mem>>, %arg25: memref<!tpu.dma_semaphore, #tpu.memory_space<semaphore_mem>>, %arg26: memref<!tpu.dma_semaphore, #tpu.memory_space<semaphore_mem>>, %arg27: memref<!tpu.dma_semaphore, #tpu.memory_space<semaphore_mem>>, %arg28: memref<!tpu.dma_semaphore, #tpu.memory_space<semaphore_mem>>) attributes {dimension_semantics = [#tpu.dimension_semantics<core_parallel>, #tpu.dimension_semantics<subcore_parallel>], iteration_bounds = array<i64: 2, 16>, scalar_prefetch = 0 : i64, scratch_operands = 21 : i64, tpu.core_type = #tpu.core_type<sc_vector_subcore>, window_params = [{transform_indices = #map}, {transform_indices = #map1}, {transform_indices = #map1}, {transform_indices = #map1}, {transform_indices = #map1}, {transform_indices = #map1}]} {
    %mul3A = arith.constant 2 : i32
    %mul3A_0 = arith.muli %arg1, %mul3A : i32
    %add3A = arith.addi %mul3A_0, %arg0 : i32
    %mul3A_1 = arith.constant 256 : i32
    %mul3A_2 = arith.muli %add3A, %mul3A_1 : i32
    "tpu.region"() ({
      %run_scoped3A = tpu.sem_alloc : memref<!tpu.dma_semaphore, #tpu.memory_space<semaphore_mem>>
      %dma_start3A_113 = arith.constant 0 : i32
      %dma_start3A_114 = arith.constant 0 : i32
      %dma_start3A_115 = tpu.memref_slice %arg2[%add3A, %dma_start3A_113, %dma_start3A_114] : memref<32x256x1xi32, #tpu.memory_space<hbm>> -> memref<1x256x1xi32, #tpu.memory_space<hbm>>
      %dma_start3A_116 = tpu.memref_squeeze %dma_start3A_115 : memref<1x256x1xi32, #tpu.memory_space<hbm>> -> memref<256x1xi32, #tpu.memory_space<hbm>>
      %dma_start3A_117 = arith.constant 0 : i32
      %dma_start3A_118 = arith.constant 0 : i32
      %dma_start3A_119 = tpu.memref_slice %arg2[%add3A, %dma_start3A_117, %dma_start3A_118] : memref<32x256x1xi32, #tpu.memory_space<hbm>> -> memref<1x256x1xi32, #tpu.memory_space<hbm>>
      %dma_start3A_120 = tpu.memref_squeeze %dma_start3A_119 : memref<1x256x1xi32, #tpu.memory_space<hbm>> -> memref<256x1xi32, #tpu.memory_space<hbm>>
      tpu.enqueue_dma source(%dma_start3A_120 : memref<256x1xi32, #tpu.memory_space<hbm>>) target(%arg8 : memref<256x1xi32, #tpu.memory_space<vmem>>) target_semaphore(%run_scoped3A : memref<!tpu.dma_semaphore, #tpu.memory_space<semaphore_mem>>)
      %dma_wait3A_121 = arith.constant 0 : i32
      %dma_wait3A_122 = arith.constant 0 : i32
      %dma_wait3A_123 = tpu.memref_slice %arg2[%add3A, %dma_wait3A_121, %dma_wait3A_122] : memref<32x256x1xi32, #tpu.memory_space<hbm>> -> memref<1x256x1xi32, #tpu.memory_space<hbm>>
      %dma_wait3A_124 = tpu.memref_squeeze %dma_wait3A_123 : memref<1x256x1xi32, #tpu.memory_space<hbm>> -> memref<256x1xi32, #tpu.memory_space<hbm>>
      %dma_wait3A_125 = arith.constant 0 : i32
      %dma_wait3A_126 = arith.constant 0 : i32
      %dma_wait3A_127 = tpu.memref_slice %arg2[%add3A, %dma_wait3A_125, %dma_wait3A_126] : memref<32x256x1xi32, #tpu.memory_space<hbm>> -> memref<1x256x1xi32, #tpu.memory_space<hbm>>
      %dma_wait3A_128 = tpu.memref_squeeze %dma_wait3A_127 : memref<1x256x1xi32, #tpu.memory_space<hbm>> -> memref<256x1xi32, #tpu.memory_space<hbm>>
      tpu.wait_dma2 semaphore(%run_scoped3A : memref<!tpu.dma_semaphore, #tpu.memory_space<semaphore_mem>>) src(%dma_wait3A_128 : memref<256x1xi32, #tpu.memory_space<hbm>>) dst(%arg8 : memref<256x1xi32, #tpu.memory_space<vmem>>)
      tpu.yield
    }) : () -> ()
    "tpu.region"() ({
      %run_scoped3A = tpu.sem_alloc : memref<!tpu.dma_semaphore, #tpu.memory_space<semaphore_mem>>
      %dma_start3A_113 = arith.constant 0 : i32
      %dma_start3A_114 = tpu.memref_slice %arg3[%add3A, %dma_start3A_113] : memref<32x4096xi32, #tpu.memory_space<hbm>> -> memref<1x4096xi32, #tpu.memory_space<hbm>>
      %dma_start3A_115 = tpu.memref_squeeze %dma_start3A_114 : memref<1x4096xi32, #tpu.memory_space<hbm>> -> memref<4096xi32, #tpu.memory_space<hbm>>
      %dma_start3A_116 = arith.constant 0 : i32
      %dma_start3A_117 = tpu.memref_slice %arg3[%add3A, %dma_start3A_116] : memref<32x4096xi32, #tpu.memory_space<hbm>> -> memref<1x4096xi32, #tpu.memory_space<hbm>>
      %dma_start3A_118 = tpu.memref_squeeze %dma_start3A_117 : memref<1x4096xi32, #tpu.memory_space<hbm>> -> memref<4096xi32, #tpu.memory_space<hbm>>
      tpu.enqueue_dma source(%dma_start3A_118 : memref<4096xi32, #tpu.memory_space<hbm>>) target(%arg9 : memref<4096xi32, #tpu.memory_space<vmem>>) target_semaphore(%run_scoped3A : memref<!tpu.dma_semaphore, #tpu.memory_space<semaphore_mem>>)
      %dma_wait3A_119 = arith.constant 0 : i32
      %dma_wait3A_120 = tpu.memref_slice %arg3[%add3A, %dma_wait3A_119] : memref<32x4096xi32, #tpu.memory_space<hbm>> -> memref<1x4096xi32, #tpu.memory_space<hbm>>
      %dma_wait3A_121 = tpu.memref_squeeze %dma_wait3A_120 : memref<1x4096xi32, #tpu.memory_space<hbm>> -> memref<4096xi32, #tpu.memory_space<hbm>>
      %dma_wait3A_122 = arith.constant 0 : i32
      %dma_wait3A_123 = tpu.memref_slice %arg3[%add3A, %dma_wait3A_122] : memref<32x4096xi32, #tpu.memory_space<hbm>> -> memref<1x4096xi32, #tpu.memory_space<hbm>>
      %dma_wait3A_124 = tpu.memref_squeeze %dma_wait3A_123 : memref<1x4096xi32, #tpu.memory_space<hbm>> -> memref<4096xi32, #tpu.memory_space<hbm>>
      tpu.wait_dma2 semaphore(%run_scoped3A : memref<!tpu.dma_semaphore, #tpu.memory_space<semaphore_mem>>) src(%dma_wait3A_124 : memref<4096xi32, #tpu.memory_space<hbm>>) dst(%arg9 : memref<4096xi32, #tpu.memory_space<vmem>>)
      tpu.yield
    }) : () -> ()
    %dma_start3A = arith.constant 0 : i32
    %dma_start3A_3 = arith.constant 0 : i32
    %dma_start3A_4 = arith.constant 0 : i32
    %dma_start3A_5 = arith.constant 0 : i32
    %dma_start3A_6 = tpu.memref_slice %arg10[%dma_start3A_3, %dma_start3A_4, %dma_start3A_5] : memref<8x1x8192xf32, #tpu.memory_space<vmem>> -> memref<1x1x8192xf32, #tpu.memory_space<vmem>>
    %dma_start3A_7 = tpu.memref_squeeze %dma_start3A_6 : memref<1x1x8192xf32, #tpu.memory_space<vmem>> -> memref<1x8192xf32, #tpu.memory_space<vmem>>
    %dma_start3A_8 = arith.constant 0 : i32
    %dma_start3A_9 = tpu.memref_slice %arg8[%dma_start3A, %dma_start3A_8] : memref<256x1xi32, #tpu.memory_space<vmem>> -> memref<1x1xi32, #tpu.memory_space<vmem>>
    %dma_start3A_10 = tpu.memref_squeeze %dma_start3A_9 : memref<1x1xi32, #tpu.memory_space<vmem>> -> memref<1xi32, #tpu.memory_space<vmem>>
    %dma_start3A_11 = arith.constant 0 : i32
    %dma_start3A_12 = arith.constant 0 : i32
    %dma_start3A_13 = tpu.memref_slice %arg4[%dma_start3A_11, %dma_start3A_12] : memref<8192x8192xf32, #tpu.memory_space<hbm>> -> memref<8192x8192xf32, #tpu.memory_space<hbm>>
    tpu.enqueue_indirect_dma source(%dma_start3A_13 : memref<8192x8192xf32, #tpu.memory_space<hbm>>) target(%dma_start3A_7 : memref<1x8192xf32, #tpu.memory_space<vmem>>) offsets(%dma_start3A_10 : memref<1xi32, #tpu.memory_space<vmem>>) semaphore(%arg13 : memref<!tpu.dma_semaphore, #tpu.memory_space<semaphore_mem>>)
    %dma_start3A_14 = arith.constant 1 : i32
    %dma_start3A_15 = arith.constant 1 : i32
    %dma_start3A_16 = arith.constant 0 : i32
    %dma_start3A_17 = arith.constant 0 : i32
    %dma_start3A_18 = tpu.memref_slice %arg10[%dma_start3A_15, %dma_start3A_16, %dma_start3A_17] : memref<8x1x8192xf32, #tpu.memory_space<vmem>> -> memref<1x1x8192xf32, #tpu.memory_space<vmem>>
    %dma_start3A_19 = tpu.memref_squeeze %dma_start3A_18 : memref<1x1x8192xf32, #tpu.memory_space<vmem>> -> memref<1x8192xf32, #tpu.memory_space<vmem>>
    %dma_start3A_20 = arith.constant 0 : i32
    %dma_start3A_21 = tpu.memref_slice %arg8[%dma_start3A_14, %dma_start3A_20] : memref<256x1xi32, #tpu.memory_space<vmem>> -> memref<1x1xi32, #tpu.memory_space<vmem>>
    %dma_start3A_22 = tpu.memref_squeeze %dma_start3A_21 : memref<1x1xi32, #tpu.memory_space<vmem>> -> memref<1xi32, #tpu.memory_space<vmem>>
    %dma_start3A_23 = arith.constant 0 : i32
    %dma_start3A_24 = arith.constant 0 : i32
    %dma_start3A_25 = tpu.memref_slice %arg4[%dma_start3A_23, %dma_start3A_24] : memref<8192x8192xf32, #tpu.memory_space<hbm>> -> memref<8192x8192xf32, #tpu.memory_space<hbm>>
    tpu.enqueue_indirect_dma source(%dma_start3A_25 : memref<8192x8192xf32, #tpu.memory_space<hbm>>) target(%dma_start3A_19 : memref<1x8192xf32, #tpu.memory_space<vmem>>) offsets(%dma_start3A_22 : memref<1xi32, #tpu.memory_space<vmem>>) semaphore(%arg14 : memref<!tpu.dma_semaphore, #tpu.memory_space<semaphore_mem>>)
    %dma_start3A_26 = arith.constant 2 : i32
    %dma_start3A_27 = arith.constant 2 : i32
    %dma_start3A_28 = arith.constant 0 : i32
    %dma_start3A_29 = arith.constant 0 : i32
    %dma_start3A_30 = tpu.memref_slice %arg10[%dma_start3A_27, %dma_start3A_28, %dma_start3A_29] : memref<8x1x8192xf32, #tpu.memory_space<vmem>> -> memref<1x1x8192xf32, #tpu.memory_space<vmem>>
    %dma_start3A_31 = tpu.memref_squeeze %dma_start3A_30 : memref<1x1x8192xf32, #tpu.memory_space<vmem>> -> memref<1x8192xf32, #tpu.memory_space<vmem>>
    %dma_start3A_32 = arith.constant 0 : i32
    %dma_start3A_33 = tpu.memref_slice %arg8[%dma_start3A_26, %dma_start3A_32] : memref<256x1xi32, #tpu.memory_space<vmem>> -> memref<1x1xi32, #tpu.memory_space<vmem>>
    %dma_start3A_34 = tpu.memref_squeeze %dma_start3A_33 : memref<1x1xi32, #tpu.memory_space<vmem>> -> memref<1xi32, #tpu.memory_space<vmem>>
    %dma_start3A_35 = arith.constant 0 : i32
    %dma_start3A_36 = arith.constant 0 : i32
    %dma_start3A_37 = tpu.memref_slice %arg4[%dma_start3A_35, %dma_start3A_36] : memref<8192x8192xf32, #tpu.memory_space<hbm>> -> memref<8192x8192xf32, #tpu.memory_space<hbm>>
    tpu.enqueue_indirect_dma source(%dma_start3A_37 : memref<8192x8192xf32, #tpu.memory_space<hbm>>) target(%dma_start3A_31 : memref<1x8192xf32, #tpu.memory_space<vmem>>) offsets(%dma_start3A_34 : memref<1xi32, #tpu.memory_space<vmem>>) semaphore(%arg15 : memref<!tpu.dma_semaphore, #tpu.memory_space<semaphore_mem>>)
    %dma_start3A_38 = arith.constant 3 : i32
    %dma_start3A_39 = arith.constant 3 : i32
    %dma_start3A_40 = arith.constant 0 : i32
    %dma_start3A_41 = arith.constant 0 : i32
    %dma_start3A_42 = tpu.memref_slice %arg10[%dma_start3A_39, %dma_start3A_40, %dma_start3A_41] : memref<8x1x8192xf32, #tpu.memory_space<vmem>> -> memref<1x1x8192xf32, #tpu.memory_space<vmem>>
    %dma_start3A_43 = tpu.memref_squeeze %dma_start3A_42 : memref<1x1x8192xf32, #tpu.memory_space<vmem>> -> memref<1x8192xf32, #tpu.memory_space<vmem>>
    %dma_start3A_44 = arith.constant 0 : i32
    %dma_start3A_45 = tpu.memref_slice %arg8[%dma_start3A_38, %dma_start3A_44] : memref<256x1xi32, #tpu.memory_space<vmem>> -> memref<1x1xi32, #tpu.memory_space<vmem>>
    %dma_start3A_46 = tpu.memref_squeeze %dma_start3A_45 : memref<1x1xi32, #tpu.memory_space<vmem>> -> memref<1xi32, #tpu.memory_space<vmem>>
    %dma_start3A_47 = arith.constant 0 : i32
    %dma_start3A_48 = arith.constant 0 : i32
    %dma_start3A_49 = tpu.memref_slice %arg4[%dma_start3A_47, %dma_start3A_48] : memref<8192x8192xf32, #tpu.memory_space<hbm>> -> memref<8192x8192xf32, #tpu.memory_space<hbm>>
    tpu.enqueue_indirect_dma source(%dma_start3A_49 : memref<8192x8192xf32, #tpu.memory_space<hbm>>) target(%dma_start3A_43 : memref<1x8192xf32, #tpu.memory_space<vmem>>) offsets(%dma_start3A_46 : memref<1xi32, #tpu.memory_space<vmem>>) semaphore(%arg16 : memref<!tpu.dma_semaphore, #tpu.memory_space<semaphore_mem>>)
    %iota3A = tpu.iota {dimensions = array<i32: 0>} : vector<16xi32>
    %scan3A = arith.constant 0 : i32
    %scan3A_50 = arith.constant 32 : i32
    %scan3A_51 = arith.addi %scan3A, %scan3A_50 : i32
    %scan3A_52 = arith.constant 1 : i32
    scf.for %scan3A_113 = %scan3A to %scan3A_51 step %scan3A_52  : i32 {
      %mul3A_114 = arith.constant 8 : i32
      %mul3A_115 = arith.muli %scan3A_113, %mul3A_114 : i32
      %add3A_116 = arith.constant 0 : i32
      %add3A_117 = arith.addi %add3A_116, %mul3A_115 : i32
      %add3A_118 = arith.constant 0 : i32
      %add3A_119 = arith.addi %add3A_117, %add3A_118 : i32
      %add3A_120 = arith.constant 4 : i32
      %add3A_121 = arith.addi %add3A_119, %add3A_120 : i32
      %sub3A = arith.constant 8 : i32
      %sub3A_122 = arith.subi %add3A_121, %sub3A : i32
      %ge3A = arith.constant 0 : i32
      %ge3A_123 = arith.cmpi sge, %sub3A_122, %ge3A : i32
      %convert_element_type3A = arith.extui %ge3A_123 : i1 to i32
      %cond3A = arith.constant 0 : i32
      %cond3A_124 = arith.cmpi ne, %convert_element_type3A, %cond3A : i32
      scf.if %cond3A_124 {
        %dma_wait3A_1005 = arith.constant 4 : i32
        %dma_wait3A_1006 = arith.constant 0 : i32
        %dma_wait3A_1007 = arith.constant 0 : i32
        %dma_wait3A_1008 = tpu.memref_slice %arg10[%dma_wait3A_1005, %dma_wait3A_1006, %dma_wait3A_1007] : memref<8x1x8192xf32, #tpu.memory_space<vmem>> -> memref<1x1x8192xf32, #tpu.memory_space<vmem>>
        %dma_wait3A_1009 = tpu.memref_squeeze %dma_wait3A_1008 : memref<1x1x8192xf32, #tpu.memory_space<vmem>> -> memref<1x8192xf32, #tpu.memory_space<vmem>>
        %dma_wait3A_1010 = arith.constant 0 : i32
        %dma_wait3A_1011 = arith.constant 0 : i32
        %dma_wait3A_1012 = tpu.memref_slice %arg5[%dma_wait3A_1010, %dma_wait3A_1011] : memref<8192x8192xf32, #tpu.memory_space<hbm>> -> memref<1x8192xf32, #tpu.memory_space<hbm>>
        %dma_wait3A_1013 = arith.constant 0 : i32
        %dma_wait3A_1014 = arith.constant 0 : i32
        %dma_wait3A_1015 = tpu.memref_slice %arg5[%dma_wait3A_1013, %dma_wait3A_1014] : memref<8192x8192xf32, #tpu.memory_space<hbm>> -> memref<1x8192xf32, #tpu.memory_space<hbm>>
        %dma_wait3A_1016 = arith.constant 0 : i32
        %dma_wait3A_1017 = arith.constant 0 : i32
        %dma_wait3A_1018 = tpu.memref_slice %arg10[%dma_wait3A_1005, %dma_wait3A_1016, %dma_wait3A_1017] : memref<8x1x8192xf32, #tpu.memory_space<vmem>> -> memref<1x1x8192xf32, #tpu.memory_space<vmem>>
        %dma_wait3A_1019 = tpu.memref_squeeze %dma_wait3A_1018 : memref<1x1x8192xf32, #tpu.memory_space<vmem>> -> memref<1x8192xf32, #tpu.memory_space<vmem>>
        tpu.wait_dma2 semaphore(%arg25 : memref<!tpu.dma_semaphore, #tpu.memory_space<semaphore_mem>>) src(%dma_wait3A_1019 : memref<1x8192xf32, #tpu.memory_space<vmem>>) dst(%dma_wait3A_1015 : memref<1x8192xf32, #tpu.memory_space<hbm>>)
      } else {
      }
      %add3A_125 = arith.constant 4 : i32
      %add3A_126 = arith.addi %add3A_119, %add3A_125 : i32
      %lt3A = arith.constant 256 : i32
      %lt3A_127 = arith.cmpi slt, %add3A_126, %lt3A : i32
      %convert_element_type3A_128 = arith.extui %lt3A_127 : i1 to i32
      %cond3A_129 = arith.constant 0 : i32
      %cond3A_130 = arith.cmpi ne, %convert_element_type3A_128, %cond3A_129 : i32
      scf.if %cond3A_130 {
        %add3A_1005 = arith.constant 4 : i32
        %add3A_1006 = arith.addi %add3A_119, %add3A_1005 : i32
        %dma_start3A_1007 = arith.constant 4 : i32
        %dma_start3A_1008 = arith.constant 0 : i32
        %dma_start3A_1009 = arith.constant 0 : i32
        %dma_start3A_1010 = tpu.memref_slice %arg10[%dma_start3A_1007, %dma_start3A_1008, %dma_start3A_1009] : memref<8x1x8192xf32, #tpu.memory_space<vmem>> -> memref<1x1x8192xf32, #tpu.memory_space<vmem>>
        %dma_start3A_1011 = tpu.memref_squeeze %dma_start3A_1010 : memref<1x1x8192xf32, #tpu.memory_space<vmem>> -> memref<1x8192xf32, #tpu.memory_space<vmem>>
        %dma_start3A_1012 = arith.constant 0 : i32
        %dma_start3A_1013 = tpu.memref_slice %arg8[%add3A_1006, %dma_start3A_1012] : memref<256x1xi32, #tpu.memory_space<vmem>> -> memref<1x1xi32, #tpu.memory_space<vmem>>
        %dma_start3A_1014 = tpu.memref_squeeze %dma_start3A_1013 : memref<1x1xi32, #tpu.memory_space<vmem>> -> memref<1xi32, #tpu.memory_space<vmem>>
        %dma_start3A_1015 = arith.constant 0 : i32
        %dma_start3A_1016 = arith.constant 0 : i32
        %dma_start3A_1017 = tpu.memref_slice %arg4[%dma_start3A_1015, %dma_start3A_1016] : memref<8192x8192xf32, #tpu.memory_space<hbm>> -> memref<8192x8192xf32, #tpu.memory_space<hbm>>
        tpu.enqueue_indirect_dma source(%dma_start3A_1017 : memref<8192x8192xf32, #tpu.memory_space<hbm>>) target(%dma_start3A_1011 : memref<1x8192xf32, #tpu.memory_space<vmem>>) offsets(%dma_start3A_1014 : memref<1xi32, #tpu.memory_space<vmem>>) semaphore(%arg17 : memref<!tpu.dma_semaphore, #tpu.memory_space<semaphore_mem>>)
      } else {
      }
      %dma_wait3A_131 = arith.constant 0 : i32
      %dma_wait3A_132 = arith.constant 0 : i32
      %dma_wait3A_133 = arith.constant 0 : i32
      %dma_wait3A_134 = tpu.memref_slice %arg10[%dma_wait3A_131, %dma_wait3A_132, %dma_wait3A_133] : memref<8x1x8192xf32, #tpu.memory_space<vmem>> -> memref<1x1x8192xf32, #tpu.memory_space<vmem>>
      %dma_wait3A_135 = tpu.memref_squeeze %dma_wait3A_134 : memref<1x1x8192xf32, #tpu.memory_space<vmem>> -> memref<1x8192xf32, #tpu.memory_space<vmem>>
      %dma_wait3A_136 = arith.constant 0 : i32
      %dma_wait3A_137 = arith.constant 0 : i32
      %dma_wait3A_138 = tpu.memref_slice %arg4[%dma_wait3A_136, %dma_wait3A_137] : memref<8192x8192xf32, #tpu.memory_space<hbm>> -> memref<1x8192xf32, #tpu.memory_space<hbm>>
      %dma_wait3A_139 = arith.constant 0 : i32
      %dma_wait3A_140 = arith.constant 0 : i32
      %dma_wait3A_141 = tpu.memref_slice %arg10[%dma_wait3A_131, %dma_wait3A_139, %dma_wait3A_140] : memref<8x1x8192xf32, #tpu.memory_space<vmem>> -> memref<1x1x8192xf32, #tpu.memory_space<vmem>>
      %dma_wait3A_142 = tpu.memref_squeeze %dma_wait3A_141 : memref<1x1x8192xf32, #tpu.memory_space<vmem>> -> memref<1x8192xf32, #tpu.memory_space<vmem>>
      %dma_wait3A_143 = arith.constant 0 : i32
      %dma_wait3A_144 = arith.constant 0 : i32
      %dma_wait3A_145 = tpu.memref_slice %arg4[%dma_wait3A_143, %dma_wait3A_144] : memref<8192x8192xf32, #tpu.memory_space<hbm>> -> memref<1x8192xf32, #tpu.memory_space<hbm>>
      tpu.wait_dma2 semaphore(%arg13 : memref<!tpu.dma_semaphore, #tpu.memory_space<semaphore_mem>>) src(%dma_wait3A_145 : memref<1x8192xf32, #tpu.memory_space<hbm>>) dst(%dma_wait3A_142 : memref<1x8192xf32, #tpu.memory_space<vmem>>)
      %mul3A_146 = arith.constant 1 : i32
      %mul3A_147 = arith.muli %add3A_119, %mul3A_146 : i32
      %add3A_148 = arith.constant 0 : i32
      %add3A_149 = arith.addi %mul3A_147, %add3A_148 : i32
      %mul3A_150 = arith.constant 16 : i32
      %mul3A_151 = arith.muli %add3A_149, %mul3A_150 : i32
      %multiple_of3A = tpu.assume_multiple %mul3A_151, 16 : i32
      %get3A = arith.index_cast %multiple_of3A : i32 to index
      %get3A_152 = tpu.vector_load %arg9[%get3A] {strides = array<i32>} : memref<4096xi32, #tpu.memory_space<vmem>>, vector<16xi32>,
      %get3A_153 = vector.shape_cast %get3A_152 : vector<16xi32> to vector<16xi32>
      %sub3A_154 = arith.subi %get3A_153, %iota3A : vector<16xi32>
      %sub3A_155 = arith.constant 0 : i32
      %sub3A_156 = vector.broadcast %sub3A_155 : i32 to vector<16xi32>
      %sub3A_157 = arith.subi %sub3A_154, %sub3A_156 : vector<16xi32>
      %sub3A_158 = arith.subi %get3A_153, %iota3A : vector<16xi32>
      %sub3A_159 = arith.constant 16 : i32
      %sub3A_160 = vector.broadcast %sub3A_159 : i32 to vector<16xi32>
      %sub3A_161 = arith.subi %sub3A_158, %sub3A_160 : vector<16xi32>
      %sub3A_162 = arith.subi %get3A_153, %iota3A : vector<16xi32>
      %sub3A_163 = arith.constant 32 : i32
      %sub3A_164 = vector.broadcast %sub3A_163 : i32 to vector<16xi32>
      %sub3A_165 = arith.subi %sub3A_162, %sub3A_164 : vector<16xi32>
      %sub3A_166 = arith.subi %get3A_153, %iota3A : vector<16xi32>
      %sub3A_167 = arith.constant 48 : i32
      %sub3A_168 = vector.broadcast %sub3A_167 : i32 to vector<16xi32>
      %sub3A_169 = arith.subi %sub3A_166, %sub3A_168 : vector<16xi32>
      %sub3A_170 = arith.subi %get3A_153, %iota3A : vector<16xi32>
      %sub3A_171 = arith.constant 64 : i32
      %sub3A_172 = vector.broadcast %sub3A_171 : i32 to vector<16xi32>
      %sub3A_173 = arith.subi %sub3A_170, %sub3A_172 : vector<16xi32>
      %sub3A_174 = arith.subi %get3A_153, %iota3A : vector<16xi32>
      %sub3A_175 = arith.constant 80 : i32
      %sub3A_176 = vector.broadcast %sub3A_175 : i32 to vector<16xi32>
      %sub3A_177 = arith.subi %sub3A_174, %sub3A_176 : vector<16xi32>
      %sub3A_178 = arith.subi %get3A_153, %iota3A : vector<16xi32>
      %sub3A_179 = arith.constant 96 : i32
      %sub3A_180 = vector.broadcast %sub3A_179 : i32 to vector<16xi32>
      %sub3A_181 = arith.subi %sub3A_178, %sub3A_180 : vector<16xi32>
      %sub3A_182 = arith.subi %get3A_153, %iota3A : vector<16xi32>
      %sub3A_183 = arith.constant 112 : i32
      %sub3A_184 = vector.broadcast %sub3A_183 : i32 to vector<16xi32>
      %sub3A_185 = arith.subi %sub3A_182, %sub3A_184 : vector<16xi32>
      %broadcast_in_dim3A = arith.constant 0.000000e+00 : f32
      %broadcast_in_dim3A_186 = vector.broadcast %broadcast_in_dim3A : f32 to vector<16xf32>
      %broadcast_in_dim3A_187 = arith.constant 0 : i32
      %broadcast_in_dim3A_188 = vector.broadcast %broadcast_in_dim3A_187 : i32 to vector<16xi32>
      %scan3A_189 = arith.constant 0 : i32
      %scan3A_190 = arith.constant 64 : i32
      %scan3A_191 = arith.addi %scan3A_189, %scan3A_190 : i32
      %scan3A_192 = arith.constant 1 : i32
      %scan3A_193:6 = scf.for %scan3A_1005 = %scan3A_189 to %scan3A_191 step %scan3A_192 iter_args(%scan3A_1006 = %broadcast_in_dim3A_186, %scan3A_1007 = %broadcast_in_dim3A_186, %scan3A_1008 = %broadcast_in_dim3A_186, %scan3A_1009 = %broadcast_in_dim3A_186, %scan3A_1010 = %broadcast_in_dim3A_186, %scan3A_1011 = %broadcast_in_dim3A_188) -> (vector<16xf32>, vector<16xf32>, vector<16xf32>, vector<16xf32>, vector<16xf32>, vector<16xi32>)  : i32 {
        %mul3A_1012 = arith.constant 8 : i32
        %mul3A_1013 = arith.muli %scan3A_1005, %mul3A_1012 : i32
        %add3A_1014 = arith.constant 0 : i32
        %add3A_1015 = arith.addi %mul3A_1013, %add3A_1014 : i32
        %mul3A_1016 = arith.constant 16 : i32
        %mul3A_1017 = arith.muli %add3A_1015, %mul3A_1016 : i32
        %get3A_1018 = arith.constant 0 : i32
        %get3A_1019 = arith.constant 0 : i32
        %get3A_1020 = arith.index_cast %get3A_1018 : i32 to index
        %get3A_1021 = arith.index_cast %get3A_1019 : i32 to index
        %get3A_1022 = arith.index_cast %mul3A_1017 : i32 to index
        %get3A_1023 = tpu.vector_load %arg10[%get3A_1020, %get3A_1021, %get3A_1022] {strides = array<i32>} : memref<8x1x8192xf32, #tpu.memory_space<vmem>>, vector<1x1x16xf32>,
        %get3A_1024 = vector.shape_cast %get3A_1023 : vector<1x1x16xf32> to vector<16xf32>
        %exp3A = math.exp %get3A_1024 : vector<16xf32>
        %add3A_1025 = arith.addf %scan3A_1006, %exp3A : vector<16xf32>
        %eq3A = arith.cmpi eq, %scan3A_1011, %sub3A_157 : vector<16xi32>
        %select_n3A = arith.select %eq3A, %get3A_1024, %scan3A_1010 : vector<16xi1>, vector<16xf32>
        %mul3A_1026 = arith.constant 8 : i32
        %mul3A_1027 = arith.muli %scan3A_1005, %mul3A_1026 : i32
        %add3A_1028 = arith.constant 1 : i32
        %add3A_1029 = arith.addi %mul3A_1027, %add3A_1028 : i32
        %mul3A_1030 = arith.constant 16 : i32
        %mul3A_1031 = arith.muli %add3A_1029, %mul3A_1030 : i32
        %get3A_1032 = arith.constant 0 : i32
        %get3A_1033 = arith.constant 0 : i32
        %get3A_1034 = arith.index_cast %get3A_1032 : i32 to index
        %get3A_1035 = arith.index_cast %get3A_1033 : i32 to index
        %get3A_1036 = arith.index_cast %mul3A_1031 : i32 to index
        %get3A_1037 = tpu.vector_load %arg10[%get3A_1034, %get3A_1035, %get3A_1036] {strides = array<i32>} : memref<8x1x8192xf32, #tpu.memory_space<vmem>>, vector<1x1x16xf32>,
        %get3A_1038 = vector.shape_cast %get3A_1037 : vector<1x1x16xf32> to vector<16xf32>
        %exp3A_1039 = math.exp %get3A_1038 : vector<16xf32>
        %add3A_1040 = arith.addf %scan3A_1007, %exp3A_1039 : vector<16xf32>
        %eq3A_1041 = arith.cmpi eq, %scan3A_1011, %sub3A_161 : vector<16xi32>
        %select_n3A_1042 = arith.select %eq3A_1041, %get3A_1038, %select_n3A : vector<16xi1>, vector<16xf32>
        %mul3A_1043 = arith.constant 8 : i32
        %mul3A_1044 = arith.muli %scan3A_1005, %mul3A_1043 : i32
        %add3A_1045 = arith.constant 2 : i32
        %add3A_1046 = arith.addi %mul3A_1044, %add3A_1045 : i32
        %mul3A_1047 = arith.constant 16 : i32
        %mul3A_1048 = arith.muli %add3A_1046, %mul3A_1047 : i32
        %get3A_1049 = arith.constant 0 : i32
        %get3A_1050 = arith.constant 0 : i32
        %get3A_1051 = arith.index_cast %get3A_1049 : i32 to index
        %get3A_1052 = arith.index_cast %get3A_1050 : i32 to index
        %get3A_1053 = arith.index_cast %mul3A_1048 : i32 to index
        %get3A_1054 = tpu.vector_load %arg10[%get3A_1051, %get3A_1052, %get3A_1053] {strides = array<i32>} : memref<8x1x8192xf32, #tpu.memory_space<vmem>>, vector<1x1x16xf32>,
        %get3A_1055 = vector.shape_cast %get3A_1054 : vector<1x1x16xf32> to vector<16xf32>
        %exp3A_1056 = math.exp %get3A_1055 : vector<16xf32>
        %add3A_1057 = arith.addf %scan3A_1008, %exp3A_1056 : vector<16xf32>
        %eq3A_1058 = arith.cmpi eq, %scan3A_1011, %sub3A_165 : vector<16xi32>
        %select_n3A_1059 = arith.select %eq3A_1058, %get3A_1055, %select_n3A_1042 : vector<16xi1>, vector<16xf32>
        %mul3A_1060 = arith.constant 8 : i32
        %mul3A_1061 = arith.muli %scan3A_1005, %mul3A_1060 : i32
        %add3A_1062 = arith.constant 3 : i32
        %add3A_1063 = arith.addi %mul3A_1061, %add3A_1062 : i32
        %mul3A_1064 = arith.constant 16 : i32
        %mul3A_1065 = arith.muli %add3A_1063, %mul3A_1064 : i32
        %get3A_1066 = arith.constant 0 : i32
        %get3A_1067 = arith.constant 0 : i32
        %get3A_1068 = arith.index_cast %get3A_1066 : i32 to index
        %get3A_1069 = arith.index_cast %get3A_1067 : i32 to index
        %get3A_1070 = arith.index_cast %mul3A_1065 : i32 to index
        %get3A_1071 = tpu.vector_load %arg10[%get3A_1068, %get3A_1069, %get3A_1070] {strides = array<i32>} : memref<8x1x8192xf32, #tpu.memory_space<vmem>>, vector<1x1x16xf32>,
        %get3A_1072 = vector.shape_cast %get3A_1071 : vector<1x1x16xf32> to vector<16xf32>
        %exp3A_1073 = math.exp %get3A_1072 : vector<16xf32>
        %add3A_1074 = arith.addf %scan3A_1009, %exp3A_1073 : vector<16xf32>
        %eq3A_1075 = arith.cmpi eq, %scan3A_1011, %sub3A_169 : vector<16xi32>
        %select_n3A_1076 = arith.select %eq3A_1075, %get3A_1072, %select_n3A_1059 : vector<16xi1>, vector<16xf32>
        %mul3A_1077 = arith.constant 8 : i32
        %mul3A_1078 = arith.muli %scan3A_1005, %mul3A_1077 : i32
        %add3A_1079 = arith.constant 4 : i32
        %add3A_1080 = arith.addi %mul3A_1078, %add3A_1079 : i32
        %mul3A_1081 = arith.constant 16 : i32
        %mul3A_1082 = arith.muli %add3A_1080, %mul3A_1081 : i32
        %get3A_1083 = arith.constant 0 : i32
        %get3A_1084 = arith.constant 0 : i32
        %get3A_1085 = arith.index_cast %get3A_1083 : i32 to index
        %get3A_1086 = arith.index_cast %get3A_1084 : i32 to index
        %get3A_1087 = arith.index_cast %mul3A_1082 : i32 to index
        %get3A_1088 = tpu.vector_load %arg10[%get3A_1085, %get3A_1086, %get3A_1087] {strides = array<i32>} : memref<8x1x8192xf32, #tpu.memory_space<vmem>>, vector<1x1x16xf32>,
        %get3A_1089 = vector.shape_cast %get3A_1088 : vector<1x1x16xf32> to vector<16xf32>
        %exp3A_1090 = math.exp %get3A_1089 : vector<16xf32>
        %add3A_1091 = arith.addf %add3A_1025, %exp3A_1090 : vector<16xf32>
        %eq3A_1092 = arith.cmpi eq, %scan3A_1011, %sub3A_173 : vector<16xi32>
        %select_n3A_1093 = arith.select %eq3A_1092, %get3A_1089, %select_n3A_1076 : vector<16xi1>, vector<16xf32>
        %mul3A_1094 = arith.constant 8 : i32
        %mul3A_1095 = arith.muli %scan3A_1005, %mul3A_1094 : i32
        %add3A_1096 = arith.constant 5 : i32
        %add3A_1097 = arith.addi %mul3A_1095, %add3A_1096 : i32
        %mul3A_1098 = arith.constant 16 : i32
        %mul3A_1099 = arith.muli %add3A_1097, %mul3A_1098 : i32
        %get3A_1100 = arith.constant 0 : i32
        %get3A_1101 = arith.constant 0 : i32
        %get3A_1102 = arith.index_cast %get3A_1100 : i32 to index
        %get3A_1103 = arith.index_cast %get3A_1101 : i32 to index
        %get3A_1104 = arith.index_cast %mul3A_1099 : i32 to index
        %get3A_1105 = tpu.vector_load %arg10[%get3A_1102, %get3A_1103, %get3A_1104] {strides = array<i32>} : memref<8x1x8192xf32, #tpu.memory_space<vmem>>, vector<1x1x16xf32>,
        %get3A_1106 = vector.shape_cast %get3A_1105 : vector<1x1x16xf32> to vector<16xf32>
        %exp3A_1107 = math.exp %get3A_1106 : vector<16xf32>
        %add3A_1108 = arith.addf %add3A_1040, %exp3A_1107 : vector<16xf32>
        %eq3A_1109 = arith.cmpi eq, %scan3A_1011, %sub3A_177 : vector<16xi32>
        %select_n3A_1110 = arith.select %eq3A_1109, %get3A_1106, %select_n3A_1093 : vector<16xi1>, vector<16xf32>
        %mul3A_1111 = arith.constant 8 : i32
        %mul3A_1112 = arith.muli %scan3A_1005, %mul3A_1111 : i32
        %add3A_1113 = arith.constant 6 : i32
        %add3A_1114 = arith.addi %mul3A_1112, %add3A_1113 : i32
        %mul3A_1115 = arith.constant 16 : i32
        %mul3A_1116 = arith.muli %add3A_1114, %mul3A_1115 : i32
        %get3A_1117 = arith.constant 0 : i32
        %get3A_1118 = arith.constant 0 : i32
        %get3A_1119 = arith.index_cast %get3A_1117 : i32 to index
        %get3A_1120 = arith.index_cast %get3A_1118 : i32 to index
        %get3A_1121 = arith.index_cast %mul3A_1116 : i32 to index
        %get3A_1122 = tpu.vector_load %arg10[%get3A_1119, %get3A_1120, %get3A_1121] {strides = array<i32>} : memref<8x1x8192xf32, #tpu.memory_space<vmem>>, vector<1x1x16xf32>,
        %get3A_1123 = vector.shape_cast %get3A_1122 : vector<1x1x16xf32> to vector<16xf32>
        %exp3A_1124 = math.exp %get3A_1123 : vector<16xf32>
        %add3A_1125 = arith.addf %add3A_1057, %exp3A_1124 : vector<16xf32>
        %eq3A_1126 = arith.cmpi eq, %scan3A_1011, %sub3A_181 : vector<16xi32>
        %select_n3A_1127 = arith.select %eq3A_1126, %get3A_1123, %select_n3A_1110 : vector<16xi1>, vector<16xf32>
        %mul3A_1128 = arith.constant 8 : i32
        %mul3A_1129 = arith.muli %scan3A_1005, %mul3A_1128 : i32
        %add3A_1130 = arith.constant 7 : i32
        %add3A_1131 = arith.addi %mul3A_1129, %add3A_1130 : i32
        %mul3A_1132 = arith.constant 16 : i32
        %mul3A_1133 = arith.muli %add3A_1131, %mul3A_1132 : i32
        %get3A_1134 = arith.constant 0 : i32
        %get3A_1135 = arith.constant 0 : i32
        %get3A_1136 = arith.index_cast %get3A_1134 : i32 to index
        %get3A_1137 = arith.index_cast %get3A_1135 : i32 to index
        %get3A_1138 = arith.index_cast %mul3A_1133 : i32 to index
        %get3A_1139 = tpu.vector_load %arg10[%get3A_1136, %get3A_1137, %get3A_1138] {strides = array<i32>} : memref<8x1x8192xf32, #tpu.memory_space<vmem>>, vector<1x1x16xf32>,
        %get3A_1140 = vector.shape_cast %get3A_1139 : vector<1x1x16xf32> to vector<16xf32>
        %exp3A_1141 = math.exp %get3A_1140 : vector<16xf32>
        %add3A_1142 = arith.addf %add3A_1074, %exp3A_1141 : vector<16xf32>
        %eq3A_1143 = arith.cmpi eq, %scan3A_1011, %sub3A_185 : vector<16xi32>
        %select_n3A_1144 = arith.select %eq3A_1143, %get3A_1140, %select_n3A_1127 : vector<16xi1>, vector<16xf32>
        %add3A_1145 = arith.constant 128 : i32
        %add3A_1146 = vector.broadcast %add3A_1145 : i32 to vector<16xi32>
        %add3A_1147 = arith.addi %scan3A_1011, %add3A_1146 : vector<16xi32>
        scf.yield %add3A_1091, %add3A_1108, %add3A_1125, %add3A_1142, %select_n3A_1144, %add3A_1147 : vector<16xf32>, vector<16xf32>, vector<16xf32>, vector<16xf32>, vector<16xf32>, vector<16xi32>
      }
      %scan3A_194 = arith.constant 64 : i32
      %add3A_195 = arith.addf %scan3A_193#0, %scan3A_193#1 : vector<16xf32>
      %add3A_196 = arith.addf %scan3A_193#2, %scan3A_193#3 : vector<16xf32>
      %add3A_197 = arith.addf %add3A_195, %add3A_196 : vector<16xf32>
      %swap3A = arith.index_cast %multiple_of3A : i32 to index
      %swap3A_198 = tpu.vector_load %arg11[%swap3A] {strides = array<i32>} : memref<4096xf32, #tpu.memory_space<vmem>>, vector<16xf32>,
      %swap3A_199 = vector.shape_cast %swap3A_198 : vector<16xf32> to vector<16xf32>
      %swap3A_200 = vector.shape_cast %add3A_197 : vector<16xf32> to vector<16xf32>
      tpu.vector_store %arg11[%swap3A], %swap3A_200 {strides = array<i32>} : memref<4096xf32, #tpu.memory_space<vmem>>, vector<16xf32>,
      %swap3A_201 = arith.index_cast %multiple_of3A : i32 to index
      %swap3A_202 = tpu.vector_load %arg12[%swap3A_201] {strides = array<i32>} : memref<4096xf32, #tpu.memory_space<vmem>>, vector<16xf32>,
      %swap3A_203 = vector.shape_cast %swap3A_202 : vector<16xf32> to vector<16xf32>
      %swap3A_204 = vector.shape_cast %scan3A_193#4 : vector<16xf32> to vector<16xf32>
      tpu.vector_store %arg12[%swap3A_201], %swap3A_204 {strides = array<i32>} : memref<4096xf32, #tpu.memory_space<vmem>>, vector<16xf32>,
      %mul3A_205 = arith.constant 1 : i32
      %mul3A_206 = arith.muli %add3A_119, %mul3A_205 : i32
      %add3A_207 = arith.addi %mul3A_2, %mul3A_206 : i32
      %dma_start3A_208 = arith.constant 0 : i32
      %dma_start3A_209 = arith.constant 0 : i32
      %dma_start3A_210 = arith.constant 0 : i32
      %dma_start3A_211 = tpu.memref_slice %arg10[%dma_start3A_208, %dma_start3A_209, %dma_start3A_210] : memref<8x1x8192xf32, #tpu.memory_space<vmem>> -> memref<1x1x8192xf32, #tpu.memory_space<vmem>>
      %dma_start3A_212 = tpu.memref_squeeze %dma_start3A_211 : memref<1x1x8192xf32, #tpu.memory_space<vmem>> -> memref<1x8192xf32, #tpu.memory_space<vmem>>
      %dma_start3A_213 = arith.constant 0 : i32
      %dma_start3A_214 = tpu.memref_slice %arg5[%add3A_207, %dma_start3A_213] : memref<8192x8192xf32, #tpu.memory_space<hbm>> -> memref<1x8192xf32, #tpu.memory_space<hbm>>
      %dma_start3A_215 = arith.constant 0 : i32
      %dma_start3A_216 = tpu.memref_slice %arg5[%add3A_207, %dma_start3A_215] : memref<8192x8192xf32, #tpu.memory_space<hbm>> -> memref<1x8192xf32, #tpu.memory_space<hbm>>
      %dma_start3A_217 = arith.constant 0 : i32
      %dma_start3A_218 = arith.constant 0 : i32
      %dma_start3A_219 = tpu.memref_slice %arg10[%dma_start3A_208, %dma_start3A_217, %dma_start3A_218] : memref<8x1x8192xf32, #tpu.memory_space<vmem>> -> memref<1x1x8192xf32, #tpu.memory_space<vmem>>
      %dma_start3A_220 = tpu.memref_squeeze %dma_start3A_219 : memref<1x1x8192xf32, #tpu.memory_space<vmem>> -> memref<1x8192xf32, #tpu.memory_space<vmem>>
      tpu.enqueue_dma source(%dma_start3A_220 : memref<1x8192xf32, #tpu.memory_space<vmem>>) target(%dma_start3A_216 : memref<1x8192xf32, #tpu.memory_space<hbm>>) target_semaphore(%arg21 : memref<!tpu.dma_semaphore, #tpu.memory_space<semaphore_mem>>)
      %add3A_221 = arith.constant 1 : i32
      %add3A_222 = arith.addi %add3A_117, %add3A_221 : i32
      %add3A_223 = arith.constant 4 : i32
      %add3A_224 = arith.addi %add3A_222, %add3A_223 : i32
      %sub3A_225 = arith.constant 8 : i32
      %sub3A_226 = arith.subi %add3A_224, %sub3A_225 : i32
      %ge3A_227 = arith.constant 0 : i32
      %ge3A_228 = arith.cmpi sge, %sub3A_226, %ge3A_227 : i32
      %convert_element_type3A_229 = arith.extui %ge3A_228 : i1 to i32
      %cond3A_230 = arith.constant 0 : i32
      %cond3A_231 = arith.cmpi ne, %convert_element_type3A_229, %cond3A_230 : i32
      scf.if %cond3A_231 {
        %dma_wait3A_1005 = arith.constant 5 : i32
        %dma_wait3A_1006 = arith.constant 0 : i32
        %dma_wait3A_1007 = arith.constant 0 : i32
        %dma_wait3A_1008 = tpu.memref_slice %arg10[%dma_wait3A_1005, %dma_wait3A_1006, %dma_wait3A_1007] : memref<8x1x8192xf32, #tpu.memory_space<vmem>> -> memref<1x1x8192xf32, #tpu.memory_space<vmem>>
        %dma_wait3A_1009 = tpu.memref_squeeze %dma_wait3A_1008 : memref<1x1x8192xf32, #tpu.memory_space<vmem>> -> memref<1x8192xf32, #tpu.memory_space<vmem>>
        %dma_wait3A_1010 = arith.constant 0 : i32
        %dma_wait3A_1011 = arith.constant 0 : i32
        %dma_wait3A_1012 = tpu.memref_slice %arg5[%dma_wait3A_1010, %dma_wait3A_1011] : memref<8192x8192xf32, #tpu.memory_space<hbm>> -> memref<1x8192xf32, #tpu.memory_space<hbm>>
        %dma_wait3A_1013 = arith.constant 0 : i32
        %dma_wait3A_1014 = arith.constant 0 : i32
        %dma_wait3A_1015 = tpu.memref_slice %arg5[%dma_wait3A_1013, %dma_wait3A_1014] : memref<8192x8192xf32, #tpu.memory_space<hbm>> -> memref<1x8192xf32, #tpu.memory_space<hbm>>
        %dma_wait3A_1016 = arith.constant 0 : i32
        %dma_wait3A_1017 = arith.constant 0 : i32
        %dma_wait3A_1018 = tpu.memref_slice %arg10[%dma_wait3A_1005, %dma_wait3A_1016, %dma_wait3A_1017] : memref<8x1x8192xf32, #tpu.memory_space<vmem>> -> memref<1x1x8192xf32, #tpu.memory_space<vmem>>
        %dma_wait3A_1019 = tpu.memref_squeeze %dma_wait3A_1018 : memref<1x1x8192xf32, #tpu.memory_space<vmem>> -> memref<1x8192xf32, #tpu.memory_space<vmem>>
        tpu.wait_dma2 semaphore(%arg26 : memref<!tpu.dma_semaphore, #tpu.memory_space<semaphore_mem>>) src(%dma_wait3A_1019 : memref<1x8192xf32, #tpu.memory_space<vmem>>) dst(%dma_wait3A_1015 : memref<1x8192xf32, #tpu.memory_space<hbm>>)
      } else {
      }
      %add3A_232 = arith.constant 4 : i32
      %add3A_233 = arith.addi %add3A_222, %add3A_232 : i32
      %lt3A_234 = arith.constant 256 : i32
      %lt3A_235 = arith.cmpi slt, %add3A_233, %lt3A_234 : i32
      %convert_element_type3A_236 = arith.extui %lt3A_235 : i1 to i32
      %cond3A_237 = arith.constant 0 : i32
      %cond3A_238 = arith.cmpi ne, %convert_element_type3A_236, %cond3A_237 : i32
      scf.if %cond3A_238 {
        %add3A_1005 = arith.constant 4 : i32
        %add3A_1006 = arith.addi %add3A_222, %add3A_1005 : i32
        %dma_start3A_1007 = arith.constant 5 : i32
        %dma_start3A_1008 = arith.constant 0 : i32
        %dma_start3A_1009 = arith.constant 0 : i32
        %dma_start3A_1010 = tpu.memref_slice %arg10[%dma_start3A_1007, %dma_start3A_1008, %dma_start3A_1009] : memref<8x1x8192xf32, #tpu.memory_space<vmem>> -> memref<1x1x8192xf32, #tpu.memory_space<vmem>>
        %dma_start3A_1011 = tpu.memref_squeeze %dma_start3A_1010 : memref<1x1x8192xf32, #tpu.memory_space<vmem>> -> memref<1x8192xf32, #tpu.memory_space<vmem>>
        %dma_start3A_1012 = arith.constant 0 : i32
        %dma_start3A_1013 = tpu.memref_slice %arg8[%add3A_1006, %dma_start3A_1012] : memref<256x1xi32, #tpu.memory_space<vmem>> -> memref<1x1xi32, #tpu.memory_space<vmem>>
        %dma_start3A_1014 = tpu.memref_squeeze %dma_start3A_1013 : memref<1x1xi32, #tpu.memory_space<vmem>> -> memref<1xi32, #tpu.memory_space<vmem>>
        %dma_start3A_1015 = arith.constant 0 : i32
        %dma_start3A_1016 = arith.constant 0 : i32
        %dma_start3A_1017 = tpu.memref_slice %arg4[%dma_start3A_1015, %dma_start3A_1016] : memref<8192x8192xf32, #tpu.memory_space<hbm>> -> memref<8192x8192xf32, #tpu.memory_space<hbm>>
        tpu.enqueue_indirect_dma source(%dma_start3A_1017 : memref<8192x8192xf32, #tpu.memory_space<hbm>>) target(%dma_start3A_1011 : memref<1x8192xf32, #tpu.memory_space<vmem>>) offsets(%dma_start3A_1014 : memref<1xi32, #tpu.memory_space<vmem>>) semaphore(%arg18 : memref<!tpu.dma_semaphore, #tpu.memory_space<semaphore_mem>>)
      } else {
      }
      %dma_wait3A_239 = arith.constant 1 : i32
      %dma_wait3A_240 = arith.constant 0 : i32
      %dma_wait3A_241 = arith.constant 0 : i32
      %dma_wait3A_242 = tpu.memref_slice %arg10[%dma_wait3A_239, %dma_wait3A_240, %dma_wait3A_241] : memref<8x1x8192xf32, #tpu.memory_space<vmem>> -> memref<1x1x8192xf32, #tpu.memory_space<vmem>>
      %dma_wait3A_243 = tpu.memref_squeeze %dma_wait3A_242 : memref<1x1x8192xf32, #tpu.memory_space<vmem>> -> memref<1x8192xf32, #tpu.memory_space<vmem>>
      %dma_wait3A_244 = arith.constant 0 : i32
      %dma_wait3A_245 = arith.constant 0 : i32
      %dma_wait3A_246 = tpu.memref_slice %arg4[%dma_wait3A_244, %dma_wait3A_245] : memref<8192x8192xf32, #tpu.memory_space<hbm>> -> memref<1x8192xf32, #tpu.memory_space<hbm>>
      %dma_wait3A_247 = arith.constant 0 : i32
      %dma_wait3A_248 = arith.constant 0 : i32
      %dma_wait3A_249 = tpu.memref_slice %arg10[%dma_wait3A_239, %dma_wait3A_247, %dma_wait3A_248] : memref<8x1x8192xf32, #tpu.memory_space<vmem>> -> memref<1x1x8192xf32, #tpu.memory_space<vmem>>
      %dma_wait3A_250 = tpu.memref_squeeze %dma_wait3A_249 : memref<1x1x8192xf32, #tpu.memory_space<vmem>> -> memref<1x8192xf32, #tpu.memory_space<vmem>>
      %dma_wait3A_251 = arith.constant 0 : i32
      %dma_wait3A_252 = arith.constant 0 : i32
      %dma_wait3A_253 = tpu.memref_slice %arg4[%dma_wait3A_251, %dma_wait3A_252] : memref<8192x8192xf32, #tpu.memory_space<hbm>> -> memref<1x8192xf32, #tpu.memory_space<hbm>>
      tpu.wait_dma2 semaphore(%arg14 : memref<!tpu.dma_semaphore, #tpu.memory_space<semaphore_mem>>) src(%dma_wait3A_253 : memref<1x8192xf32, #tpu.memory_space<hbm>>) dst(%dma_wait3A_250 : memref<1x8192xf32, #tpu.memory_space<vmem>>)
      %mul3A_254 = arith.constant 1 : i32
      %mul3A_255 = arith.muli %add3A_222, %mul3A_254 : i32
      %add3A_256 = arith.constant 0 : i32
      %add3A_257 = arith.addi %mul3A_255, %add3A_256 : i32
      %mul3A_258 = arith.constant 16 : i32
      %mul3A_259 = arith.muli %add3A_257, %mul3A_258 : i32
      %multiple_of3A_260 = tpu.assume_multiple %mul3A_259, 16 : i32
      %get3A_261 = arith.index_cast %multiple_of3A_260 : i32 to index
      %get3A_262 = tpu.vector_load %arg9[%get3A_261] {strides = array<i32>} : memref<4096xi32, #tpu.memory_space<vmem>>, vector<16xi32>,
      %get3A_263 = vector.shape_cast %get3A_262 : vector<16xi32> to vector<16xi32>
      %sub3A_264 = arith.subi %get3A_263, %iota3A : vector<16xi32>
      %sub3A_265 = arith.constant 0 : i32
      %sub3A_266 = vector.broadcast %sub3A_265 : i32 to vector<16xi32>
      %sub3A_267 = arith.subi %sub3A_264, %sub3A_266 : vector<16xi32>
      %sub3A_268 = arith.subi %get3A_263, %iota3A : vector<16xi32>
      %sub3A_269 = arith.constant 16 : i32
      %sub3A_270 = vector.broadcast %sub3A_269 : i32 to vector<16xi32>
      %sub3A_271 = arith.subi %sub3A_268, %sub3A_270 : vector<16xi32>
      %sub3A_272 = arith.subi %get3A_263, %iota3A : vector<16xi32>
      %sub3A_273 = arith.constant 32 : i32
      %sub3A_274 = vector.broadcast %sub3A_273 : i32 to vector<16xi32>
      %sub3A_275 = arith.subi %sub3A_272, %sub3A_274 : vector<16xi32>
      %sub3A_276 = arith.subi %get3A_263, %iota3A : vector<16xi32>
      %sub3A_277 = arith.constant 48 : i32
      %sub3A_278 = vector.broadcast %sub3A_277 : i32 to vector<16xi32>
      %sub3A_279 = arith.subi %sub3A_276, %sub3A_278 : vector<16xi32>
      %sub3A_280 = arith.subi %get3A_263, %iota3A : vector<16xi32>
      %sub3A_281 = arith.constant 64 : i32
      %sub3A_282 = vector.broadcast %sub3A_281 : i32 to vector<16xi32>
      %sub3A_283 = arith.subi %sub3A_280, %sub3A_282 : vector<16xi32>
      %sub3A_284 = arith.subi %get3A_263, %iota3A : vector<16xi32>
      %sub3A_285 = arith.constant 80 : i32
      %sub3A_286 = vector.broadcast %sub3A_285 : i32 to vector<16xi32>
      %sub3A_287 = arith.subi %sub3A_284, %sub3A_286 : vector<16xi32>
      %sub3A_288 = arith.subi %get3A_263, %iota3A : vector<16xi32>
      %sub3A_289 = arith.constant 96 : i32
      %sub3A_290 = vector.broadcast %sub3A_289 : i32 to vector<16xi32>
      %sub3A_291 = arith.subi %sub3A_288, %sub3A_290 : vector<16xi32>
      %sub3A_292 = arith.subi %get3A_263, %iota3A : vector<16xi32>
      %sub3A_293 = arith.constant 112 : i32
      %sub3A_294 = vector.broadcast %sub3A_293 : i32 to vector<16xi32>
      %sub3A_295 = arith.subi %sub3A_292, %sub3A_294 : vector<16xi32>
      %broadcast_in_dim3A_296 = arith.constant 0.000000e+00 : f32
      %broadcast_in_dim3A_297 = vector.broadcast %broadcast_in_dim3A_296 : f32 to vector<16xf32>
      %broadcast_in_dim3A_298 = arith.constant 0 : i32
      %broadcast_in_dim3A_299 = vector.broadcast %broadcast_in_dim3A_298 : i32 to vector<16xi32>
      %scan3A_300 = arith.constant 0 : i32
      %scan3A_301 = arith.constant 64 : i32
      %scan3A_302 = arith.addi %scan3A_300, %scan3A_301 : i32
      %scan3A_303 = arith.constant 1 : i32
      %scan3A_304:6 = scf.for %scan3A_1005 = %scan3A_300 to %scan3A_302 step %scan3A_303 iter_args(%scan3A_1006 = %broadcast_in_dim3A_297, %scan3A_1007 = %broadcast_in_dim3A_297, %scan3A_1008 = %broadcast_in_dim3A_297, %scan3A_1009 = %broadcast_in_dim3A_297, %scan3A_1010 = %broadcast_in_dim3A_297, %scan3A_1011 = %broadcast_in_dim3A_299) -> (vector<16xf32>, vector<16xf32>, vector<16xf32>, vector<16xf32>, vector<16xf32>, vector<16xi32>)  : i32 {
        %mul3A_1012 = arith.constant 8 : i32
        %mul3A_1013 = arith.muli %scan3A_1005, %mul3A_1012 : i32
        %add3A_1014 = arith.constant 0 : i32
        %add3A_1015 = arith.addi %mul3A_1013, %add3A_1014 : i32
        %mul3A_1016 = arith.constant 16 : i32
        %mul3A_1017 = arith.muli %add3A_1015, %mul3A_1016 : i32
        %get3A_1018 = arith.constant 1 : i32
        %get3A_1019 = arith.constant 0 : i32
        %get3A_1020 = arith.index_cast %get3A_1018 : i32 to index
        %get3A_1021 = arith.index_cast %get3A_1019 : i32 to index
        %get3A_1022 = arith.index_cast %mul3A_1017 : i32 to index
        %get3A_1023 = tpu.vector_load %arg10[%get3A_1020, %get3A_1021, %get3A_1022] {strides = array<i32>} : memref<8x1x8192xf32, #tpu.memory_space<vmem>>, vector<1x1x16xf32>,
        %get3A_1024 = vector.shape_cast %get3A_1023 : vector<1x1x16xf32> to vector<16xf32>
        %exp3A = math.exp %get3A_1024 : vector<16xf32>
        %add3A_1025 = arith.addf %scan3A_1006, %exp3A : vector<16xf32>
        %eq3A = arith.cmpi eq, %scan3A_1011, %sub3A_267 : vector<16xi32>
        %select_n3A = arith.select %eq3A, %get3A_1024, %scan3A_1010 : vector<16xi1>, vector<16xf32>
        %mul3A_1026 = arith.constant 8 : i32
        %mul3A_1027 = arith.muli %scan3A_1005, %mul3A_1026 : i32
        %add3A_1028 = arith.constant 1 : i32
        %add3A_1029 = arith.addi %mul3A_1027, %add3A_1028 : i32
        %mul3A_1030 = arith.constant 16 : i32
        %mul3A_1031 = arith.muli %add3A_1029, %mul3A_1030 : i32
        %get3A_1032 = arith.constant 1 : i32
        %get3A_1033 = arith.constant 0 : i32
        %get3A_1034 = arith.index_cast %get3A_1032 : i32 to index
        %get3A_1035 = arith.index_cast %get3A_1033 : i32 to index
        %get3A_1036 = arith.index_cast %mul3A_1031 : i32 to index
        %get3A_1037 = tpu.vector_load %arg10[%get3A_1034, %get3A_1035, %get3A_1036] {strides = array<i32>} : memref<8x1x8192xf32, #tpu.memory_space<vmem>>, vector<1x1x16xf32>,
        %get3A_1038 = vector.shape_cast %get3A_1037 : vector<1x1x16xf32> to vector<16xf32>
        %exp3A_1039 = math.exp %get3A_1038 : vector<16xf32>
        %add3A_1040 = arith.addf %scan3A_1007, %exp3A_1039 : vector<16xf32>
        %eq3A_1041 = arith.cmpi eq, %scan3A_1011, %sub3A_271 : vector<16xi32>
        %select_n3A_1042 = arith.select %eq3A_1041, %get3A_1038, %select_n3A : vector<16xi1>, vector<16xf32>
        %mul3A_1043 = arith.constant 8 : i32
        %mul3A_1044 = arith.muli %scan3A_1005, %mul3A_1043 : i32
        %add3A_1045 = arith.constant 2 : i32
        %add3A_1046 = arith.addi %mul3A_1044, %add3A_1045 : i32
        %mul3A_1047 = arith.constant 16 : i32
        %mul3A_1048 = arith.muli %add3A_1046, %mul3A_1047 : i32
        %get3A_1049 = arith.constant 1 : i32
        %get3A_1050 = arith.constant 0 : i32
        %get3A_1051 = arith.index_cast %get3A_1049 : i32 to index
        %get3A_1052 = arith.index_cast %get3A_1050 : i32 to index
        %get3A_1053 = arith.index_cast %mul3A_1048 : i32 to index
        %get3A_1054 = tpu.vector_load %arg10[%get3A_1051, %get3A_1052, %get3A_1053] {strides = array<i32>} : memref<8x1x8192xf32, #tpu.memory_space<vmem>>, vector<1x1x16xf32>,
        %get3A_1055 = vector.shape_cast %get3A_1054 : vector<1x1x16xf32> to vector<16xf32>
        %exp3A_1056 = math.exp %get3A_1055 : vector<16xf32>
        %add3A_1057 = arith.addf %scan3A_1008, %exp3A_1056 : vector<16xf32>
        %eq3A_1058 = arith.cmpi eq, %scan3A_1011, %sub3A_275 : vector<16xi32>
        %select_n3A_1059 = arith.select %eq3A_1058, %get3A_1055, %select_n3A_1042 : vector<16xi1>, vector<16xf32>
        %mul3A_1060 = arith.constant 8 : i32
        %mul3A_1061 = arith.muli %scan3A_1005, %mul3A_1060 : i32
        %add3A_1062 = arith.constant 3 : i32
        %add3A_1063 = arith.addi %mul3A_1061, %add3A_1062 : i32
        %mul3A_1064 = arith.constant 16 : i32
        %mul3A_1065 = arith.muli %add3A_1063, %mul3A_1064 : i32
        %get3A_1066 = arith.constant 1 : i32
        %get3A_1067 = arith.constant 0 : i32
        %get3A_1068 = arith.index_cast %get3A_1066 : i32 to index
        %get3A_1069 = arith.index_cast %get3A_1067 : i32 to index
        %get3A_1070 = arith.index_cast %mul3A_1065 : i32 to index
        %get3A_1071 = tpu.vector_load %arg10[%get3A_1068, %get3A_1069, %get3A_1070] {strides = array<i32>} : memref<8x1x8192xf32, #tpu.memory_space<vmem>>, vector<1x1x16xf32>,
        %get3A_1072 = vector.shape_cast %get3A_1071 : vector<1x1x16xf32> to vector<16xf32>
        %exp3A_1073 = math.exp %get3A_1072 : vector<16xf32>
        %add3A_1074 = arith.addf %scan3A_1009, %exp3A_1073 : vector<16xf32>
        %eq3A_1075 = arith.cmpi eq, %scan3A_1011, %sub3A_279 : vector<16xi32>
        %select_n3A_1076 = arith.select %eq3A_1075, %get3A_1072, %select_n3A_1059 : vector<16xi1>, vector<16xf32>
        %mul3A_1077 = arith.constant 8 : i32
        %mul3A_1078 = arith.muli %scan3A_1005, %mul3A_1077 : i32
        %add3A_1079 = arith.constant 4 : i32
        %add3A_1080 = arith.addi %mul3A_1078, %add3A_1079 : i32
        %mul3A_1081 = arith.constant 16 : i32
        %mul3A_1082 = arith.muli %add3A_1080, %mul3A_1081 : i32
        %get3A_1083 = arith.constant 1 : i32
        %get3A_1084 = arith.constant 0 : i32
        %get3A_1085 = arith.index_cast %get3A_1083 : i32 to index
        %get3A_1086 = arith.index_cast %get3A_1084 : i32 to index
        %get3A_1087 = arith.index_cast %mul3A_1082 : i32 to index
        %get3A_1088 = tpu.vector_load %arg10[%get3A_1085, %get3A_1086, %get3A_1087] {strides = array<i32>} : memref<8x1x8192xf32, #tpu.memory_space<vmem>>, vector<1x1x16xf32>,
        %get3A_1089 = vector.shape_cast %get3A_1088 : vector<1x1x16xf32> to vector<16xf32>
        %exp3A_1090 = math.exp %get3A_1089 : vector<16xf32>
        %add3A_1091 = arith.addf %add3A_1025, %exp3A_1090 : vector<16xf32>
        %eq3A_1092 = arith.cmpi eq, %scan3A_1011, %sub3A_283 : vector<16xi32>
        %select_n3A_1093 = arith.select %eq3A_1092, %get3A_1089, %select_n3A_1076 : vector<16xi1>, vector<16xf32>
        %mul3A_1094 = arith.constant 8 : i32
        %mul3A_1095 = arith.muli %scan3A_1005, %mul3A_1094 : i32
        %add3A_1096 = arith.constant 5 : i32
        %add3A_1097 = arith.addi %mul3A_1095, %add3A_1096 : i32
        %mul3A_1098 = arith.constant 16 : i32
        %mul3A_1099 = arith.muli %add3A_1097, %mul3A_1098 : i32
        %get3A_1100 = arith.constant 1 : i32
        %get3A_1101 = arith.constant 0 : i32
        %get3A_1102 = arith.index_cast %get3A_1100 : i32 to index
        %get3A_1103 = arith.index_cast %get3A_1101 : i32 to index
        %get3A_1104 = arith.index_cast %mul3A_1099 : i32 to index
        %get3A_1105 = tpu.vector_load %arg10[%get3A_1102, %get3A_1103, %get3A_1104] {strides = array<i32>} : memref<8x1x8192xf32, #tpu.memory_space<vmem>>, vector<1x1x16xf32>,
        %get3A_1106 = vector.shape_cast %get3A_1105 : vector<1x1x16xf32> to vector<16xf32>
        %exp3A_1107 = math.exp %get3A_1106 : vector<16xf32>
        %add3A_1108 = arith.addf %add3A_1040, %exp3A_1107 : vector<16xf32>
        %eq3A_1109 = arith.cmpi eq, %scan3A_1011, %sub3A_287 : vector<16xi32>
        %select_n3A_1110 = arith.select %eq3A_1109, %get3A_1106, %select_n3A_1093 : vector<16xi1>, vector<16xf32>
        %mul3A_1111 = arith.constant 8 : i32
        %mul3A_1112 = arith.muli %scan3A_1005, %mul3A_1111 : i32
        %add3A_1113 = arith.constant 6 : i32
        %add3A_1114 = arith.addi %mul3A_1112, %add3A_1113 : i32
        %mul3A_1115 = arith.constant 16 : i32
        %mul3A_1116 = arith.muli %add3A_1114, %mul3A_1115 : i32
        %get3A_1117 = arith.constant 1 : i32
        %get3A_1118 = arith.constant 0 : i32
        %get3A_1119 = arith.index_cast %get3A_1117 : i32 to index
        %get3A_1120 = arith.index_cast %get3A_1118 : i32 to index
        %get3A_1121 = arith.index_cast %mul3A_1116 : i32 to index
        %get3A_1122 = tpu.vector_load %arg10[%get3A_1119, %get3A_1120, %get3A_1121] {strides = array<i32>} : memref<8x1x8192xf32, #tpu.memory_space<vmem>>, vector<1x1x16xf32>,
        %get3A_1123 = vector.shape_cast %get3A_1122 : vector<1x1x16xf32> to vector<16xf32>
        %exp3A_1124 = math.exp %get3A_1123 : vector<16xf32>
        %add3A_1125 = arith.addf %add3A_1057, %exp3A_1124 : vector<16xf32>
        %eq3A_1126 = arith.cmpi eq, %scan3A_1011, %sub3A_291 : vector<16xi32>
        %select_n3A_1127 = arith.select %eq3A_1126, %get3A_1123, %select_n3A_1110 : vector<16xi1>, vector<16xf32>
        %mul3A_1128 = arith.constant 8 : i32
        %mul3A_1129 = arith.muli %scan3A_1005, %mul3A_1128 : i32
        %add3A_1130 = arith.constant 7 : i32
        %add3A_1131 = arith.addi %mul3A_1129, %add3A_1130 : i32
        %mul3A_1132 = arith.constant 16 : i32
        %mul3A_1133 = arith.muli %add3A_1131, %mul3A_1132 : i32
        %get3A_1134 = arith.constant 1 : i32
        %get3A_1135 = arith.constant 0 : i32
        %get3A_1136 = arith.index_cast %get3A_1134 : i32 to index
        %get3A_1137 = arith.index_cast %get3A_1135 : i32 to index
        %get3A_1138 = arith.index_cast %mul3A_1133 : i32 to index
        %get3A_1139 = tpu.vector_load %arg10[%get3A_1136, %get3A_1137, %get3A_1138] {strides = array<i32>} : memref<8x1x8192xf32, #tpu.memory_space<vmem>>, vector<1x1x16xf32>,
        %get3A_1140 = vector.shape_cast %get3A_1139 : vector<1x1x16xf32> to vector<16xf32>
        %exp3A_1141 = math.exp %get3A_1140 : vector<16xf32>
        %add3A_1142 = arith.addf %add3A_1074, %exp3A_1141 : vector<16xf32>
        %eq3A_1143 = arith.cmpi eq, %scan3A_1011, %sub3A_295 : vector<16xi32>
        %select_n3A_1144 = arith.select %eq3A_1143, %get3A_1140, %select_n3A_1127 : vector<16xi1>, vector<16xf32>
        %add3A_1145 = arith.constant 128 : i32
        %add3A_1146 = vector.broadcast %add3A_1145 : i32 to vector<16xi32>
        %add3A_1147 = arith.addi %scan3A_1011, %add3A_1146 : vector<16xi32>
        scf.yield %add3A_1091, %add3A_1108, %add3A_1125, %add3A_1142, %select_n3A_1144, %add3A_1147 : vector<16xf32>, vector<16xf32>, vector<16xf32>, vector<16xf32>, vector<16xf32>, vector<16xi32>
      }
      %scan3A_305 = arith.constant 64 : i32
      %add3A_306 = arith.addf %scan3A_304#0, %scan3A_304#1 : vector<16xf32>
      %add3A_307 = arith.addf %scan3A_304#2, %scan3A_304#3 : vector<16xf32>
      %add3A_308 = arith.addf %add3A_306, %add3A_307 : vector<16xf32>
      %swap3A_309 = arith.index_cast %multiple_of3A_260 : i32 to index
      %swap3A_310 = tpu.vector_load %arg11[%swap3A_309] {strides = array<i32>} : memref<4096xf32, #tpu.memory_space<vmem>>, vector<16xf32>,
      %swap3A_311 = vector.shape_cast %swap3A_310 : vector<16xf32> to vector<16xf32>
      %swap3A_312 = vector.shape_cast %add3A_308 : vector<16xf32> to vector<16xf32>
      tpu.vector_store %arg11[%swap3A_309], %swap3A_312 {strides = array<i32>} : memref<4096xf32, #tpu.memory_space<vmem>>, vector<16xf32>,
      %swap3A_313 = arith.index_cast %multiple_of3A_260 : i32 to index
      %swap3A_314 = tpu.vector_load %arg12[%swap3A_313] {strides = array<i32>} : memref<4096xf32, #tpu.memory_space<vmem>>, vector<16xf32>,
      %swap3A_315 = vector.shape_cast %swap3A_314 : vector<16xf32> to vector<16xf32>
      %swap3A_316 = vector.shape_cast %scan3A_304#4 : vector<16xf32> to vector<16xf32>
      tpu.vector_store %arg12[%swap3A_313], %swap3A_316 {strides = array<i32>} : memref<4096xf32, #tpu.memory_space<vmem>>, vector<16xf32>,
      %mul3A_317 = arith.constant 1 : i32
      %mul3A_318 = arith.muli %add3A_222, %mul3A_317 : i32
      %add3A_319 = arith.addi %mul3A_2, %mul3A_318 : i32
      %dma_start3A_320 = arith.constant 1 : i32
      %dma_start3A_321 = arith.constant 0 : i32
      %dma_start3A_322 = arith.constant 0 : i32
      %dma_start3A_323 = tpu.memref_slice %arg10[%dma_start3A_320, %dma_start3A_321, %dma_start3A_322] : memref<8x1x8192xf32, #tpu.memory_space<vmem>> -> memref<1x1x8192xf32, #tpu.memory_space<vmem>>
      %dma_start3A_324 = tpu.memref_squeeze %dma_start3A_323 : memref<1x1x8192xf32, #tpu.memory_space<vmem>> -> memref<1x8192xf32, #tpu.memory_space<vmem>>
      %dma_start3A_325 = arith.constant 0 : i32
      %dma_start3A_326 = tpu.memref_slice %arg5[%add3A_319, %dma_start3A_325] : memref<8192x8192xf32, #tpu.memory_space<hbm>> -> memref<1x8192xf32, #tpu.memory_space<hbm>>
      %dma_start3A_327 = arith.constant 0 : i32
      %dma_start3A_328 = tpu.memref_slice %arg5[%add3A_319, %dma_start3A_327] : memref<8192x8192xf32, #tpu.memory_space<hbm>> -> memref<1x8192xf32, #tpu.memory_space<hbm>>
      %dma_start3A_329 = arith.constant 0 : i32
      %dma_start3A_330 = arith.constant 0 : i32
      %dma_start3A_331 = tpu.memref_slice %arg10[%dma_start3A_320, %dma_start3A_329, %dma_start3A_330] : memref<8x1x8192xf32, #tpu.memory_space<vmem>> -> memref<1x1x8192xf32, #tpu.memory_space<vmem>>
      %dma_start3A_332 = tpu.memref_squeeze %dma_start3A_331 : memref<1x1x8192xf32, #tpu.memory_space<vmem>> -> memref<1x8192xf32, #tpu.memory_space<vmem>>
      tpu.enqueue_dma source(%dma_start3A_332 : memref<1x8192xf32, #tpu.memory_space<vmem>>) target(%dma_start3A_328 : memref<1x8192xf32, #tpu.memory_space<hbm>>) target_semaphore(%arg22 : memref<!tpu.dma_semaphore, #tpu.memory_space<semaphore_mem>>)
      %add3A_333 = arith.constant 2 : i32
      %add3A_334 = arith.addi %add3A_117, %add3A_333 : i32
      %add3A_335 = arith.constant 4 : i32
      %add3A_336 = arith.addi %add3A_334, %add3A_335 : i32
      %sub3A_337 = arith.constant 8 : i32
      %sub3A_338 = arith.subi %add3A_336, %sub3A_337 : i32
      %ge3A_339 = arith.constant 0 : i32
      %ge3A_340 = arith.cmpi sge, %sub3A_338, %ge3A_339 : i32
      %convert_element_type3A_341 = arith.extui %ge3A_340 : i1 to i32
      %cond3A_342 = arith.constant 0 : i32
      %cond3A_343 = arith.cmpi ne, %convert_element_type3A_341, %cond3A_342 : i32
      scf.if %cond3A_343 {
        %dma_wait3A_1005 = arith.constant 6 : i32
        %dma_wait3A_1006 = arith.constant 0 : i32
        %dma_wait3A_1007 = arith.constant 0 : i32
        %dma_wait3A_1008 = tpu.memref_slice %arg10[%dma_wait3A_1005, %dma_wait3A_1006, %dma_wait3A_1007] : memref<8x1x8192xf32, #tpu.memory_space<vmem>> -> memref<1x1x8192xf32, #tpu.memory_space<vmem>>
        %dma_wait3A_1009 = tpu.memref_squeeze %dma_wait3A_1008 : memref<1x1x8192xf32, #tpu.memory_space<vmem>> -> memref<1x8192xf32, #tpu.memory_space<vmem>>
        %dma_wait3A_1010 = arith.constant 0 : i32
        %dma_wait3A_1011 = arith.constant 0 : i32
        %dma_wait3A_1012 = tpu.memref_slice %arg5[%dma_wait3A_1010, %dma_wait3A_1011] : memref<8192x8192xf32, #tpu.memory_space<hbm>> -> memref<1x8192xf32, #tpu.memory_space<hbm>>
        %dma_wait3A_1013 = arith.constant 0 : i32
        %dma_wait3A_1014 = arith.constant 0 : i32
        %dma_wait3A_1015 = tpu.memref_slice %arg5[%dma_wait3A_1013, %dma_wait3A_1014] : memref<8192x8192xf32, #tpu.memory_space<hbm>> -> memref<1x8192xf32, #tpu.memory_space<hbm>>
        %dma_wait3A_1016 = arith.constant 0 : i32
        %dma_wait3A_1017 = arith.constant 0 : i32
        %dma_wait3A_1018 = tpu.memref_slice %arg10[%dma_wait3A_1005, %dma_wait3A_1016, %dma_wait3A_1017] : memref<8x1x8192xf32, #tpu.memory_space<vmem>> -> memref<1x1x8192xf32, #tpu.memory_space<vmem>>
        %dma_wait3A_1019 = tpu.memref_squeeze %dma_wait3A_1018 : memref<1x1x8192xf32, #tpu.memory_space<vmem>> -> memref<1x8192xf32, #tpu.memory_space<vmem>>
        tpu.wait_dma2 semaphore(%arg27 : memref<!tpu.dma_semaphore, #tpu.memory_space<semaphore_mem>>) src(%dma_wait3A_1019 : memref<1x8192xf32, #tpu.memory_space<vmem>>) dst(%dma_wait3A_1015 : memref<1x8192xf32, #tpu.memory_space<hbm>>)
      } else {
      }
      %add3A_344 = arith.constant 4 : i32
      %add3A_345 = arith.addi %add3A_334, %add3A_344 : i32
      %lt3A_346 = arith.constant 256 : i32
      %lt3A_347 = arith.cmpi slt, %add3A_345, %lt3A_346 : i32
      %convert_element_type3A_348 = arith.extui %lt3A_347 : i1 to i32
      %cond3A_349 = arith.constant 0 : i32
      %cond3A_350 = arith.cmpi ne, %convert_element_type3A_348, %cond3A_349 : i32
      scf.if %cond3A_350 {
        %add3A_1005 = arith.constant 4 : i32
        %add3A_1006 = arith.addi %add3A_334, %add3A_1005 : i32
        %dma_start3A_1007 = arith.constant 6 : i32
        %dma_start3A_1008 = arith.constant 0 : i32
        %dma_start3A_1009 = arith.constant 0 : i32
        %dma_start3A_1010 = tpu.memref_slice %arg10[%dma_start3A_1007, %dma_start3A_1008, %dma_start3A_1009] : memref<8x1x8192xf32, #tpu.memory_space<vmem>> -> memref<1x1x8192xf32, #tpu.memory_space<vmem>>
        %dma_start3A_1011 = tpu.memref_squeeze %dma_start3A_1010 : memref<1x1x8192xf32, #tpu.memory_space<vmem>> -> memref<1x8192xf32, #tpu.memory_space<vmem>>
        %dma_start3A_1012 = arith.constant 0 : i32
        %dma_start3A_1013 = tpu.memref_slice %arg8[%add3A_1006, %dma_start3A_1012] : memref<256x1xi32, #tpu.memory_space<vmem>> -> memref<1x1xi32, #tpu.memory_space<vmem>>
        %dma_start3A_1014 = tpu.memref_squeeze %dma_start3A_1013 : memref<1x1xi32, #tpu.memory_space<vmem>> -> memref<1xi32, #tpu.memory_space<vmem>>
        %dma_start3A_1015 = arith.constant 0 : i32
        %dma_start3A_1016 = arith.constant 0 : i32
        %dma_start3A_1017 = tpu.memref_slice %arg4[%dma_start3A_1015, %dma_start3A_1016] : memref<8192x8192xf32, #tpu.memory_space<hbm>> -> memref<8192x8192xf32, #tpu.memory_space<hbm>>
        tpu.enqueue_indirect_dma source(%dma_start3A_1017 : memref<8192x8192xf32, #tpu.memory_space<hbm>>) target(%dma_start3A_1011 : memref<1x8192xf32, #tpu.memory_space<vmem>>) offsets(%dma_start3A_1014 : memref<1xi32, #tpu.memory_space<vmem>>) semaphore(%arg19 : memref<!tpu.dma_semaphore, #tpu.memory_space<semaphore_mem>>)
      } else {
      }
      %dma_wait3A_351 = arith.constant 2 : i32
      %dma_wait3A_352 = arith.constant 0 : i32
      %dma_wait3A_353 = arith.constant 0 : i32
      %dma_wait3A_354 = tpu.memref_slice %arg10[%dma_wait3A_351, %dma_wait3A_352, %dma_wait3A_353] : memref<8x1x8192xf32, #tpu.memory_space<vmem>> -> memref<1x1x8192xf32, #tpu.memory_space<vmem>>
      %dma_wait3A_355 = tpu.memref_squeeze %dma_wait3A_354 : memref<1x1x8192xf32, #tpu.memory_space<vmem>> -> memref<1x8192xf32, #tpu.memory_space<vmem>>
      %dma_wait3A_356 = arith.constant 0 : i32
      %dma_wait3A_357 = arith.constant 0 : i32
      %dma_wait3A_358 = tpu.memref_slice %arg4[%dma_wait3A_356, %dma_wait3A_357] : memref<8192x8192xf32, #tpu.memory_space<hbm>> -> memref<1x8192xf32, #tpu.memory_space<hbm>>
      %dma_wait3A_359 = arith.constant 0 : i32
      %dma_wait3A_360 = arith.constant 0 : i32
      %dma_wait3A_361 = tpu.memref_slice %arg10[%dma_wait3A_351, %dma_wait3A_359, %dma_wait3A_360] : memref<8x1x8192xf32, #tpu.memory_space<vmem>> -> memref<1x1x8192xf32, #tpu.memory_space<vmem>>
      %dma_wait3A_362 = tpu.memref_squeeze %dma_wait3A_361 : memref<1x1x8192xf32, #tpu.memory_space<vmem>> -> memref<1x8192xf32, #tpu.memory_space<vmem>>
      %dma_wait3A_363 = arith.constant 0 : i32
      %dma_wait3A_364 = arith.constant 0 : i32
      %dma_wait3A_365 = tpu.memref_slice %arg4[%dma_wait3A_363, %dma_wait3A_364] : memref<8192x8192xf32, #tpu.memory_space<hbm>> -> memref<1x8192xf32, #tpu.memory_space<hbm>>
      tpu.wait_dma2 semaphore(%arg15 : memref<!tpu.dma_semaphore, #tpu.memory_space<semaphore_mem>>) src(%dma_wait3A_365 : memref<1x8192xf32, #tpu.memory_space<hbm>>) dst(%dma_wait3A_362 : memref<1x8192xf32, #tpu.memory_space<vmem>>)
      %mul3A_366 = arith.constant 1 : i32
      %mul3A_367 = arith.muli %add3A_334, %mul3A_366 : i32
      %add3A_368 = arith.constant 0 : i32
      %add3A_369 = arith.addi %mul3A_367, %add3A_368 : i32
      %mul3A_370 = arith.constant 16 : i32
      %mul3A_371 = arith.muli %add3A_369, %mul3A_370 : i32
      %multiple_of3A_372 = tpu.assume_multiple %mul3A_371, 16 : i32
      %get3A_373 = arith.index_cast %multiple_of3A_372 : i32 to index
      %get3A_374 = tpu.vector_load %arg9[%get3A_373] {strides = array<i32>} : memref<4096xi32, #tpu.memory_space<vmem>>, vector<16xi32>,
      %get3A_375 = vector.shape_cast %get3A_374 : vector<16xi32> to vector<16xi32>
      %sub3A_376 = arith.subi %get3A_375, %iota3A : vector<16xi32>
      %sub3A_377 = arith.constant 0 : i32
      %sub3A_378 = vector.broadcast %sub3A_377 : i32 to vector<16xi32>
      %sub3A_379 = arith.subi %sub3A_376, %sub3A_378 : vector<16xi32>
      %sub3A_380 = arith.subi %get3A_375, %iota3A : vector<16xi32>
      %sub3A_381 = arith.constant 16 : i32
      %sub3A_382 = vector.broadcast %sub3A_381 : i32 to vector<16xi32>
      %sub3A_383 = arith.subi %sub3A_380, %sub3A_382 : vector<16xi32>
      %sub3A_384 = arith.subi %get3A_375, %iota3A : vector<16xi32>
      %sub3A_385 = arith.constant 32 : i32
      %sub3A_386 = vector.broadcast %sub3A_385 : i32 to vector<16xi32>
      %sub3A_387 = arith.subi %sub3A_384, %sub3A_386 : vector<16xi32>
      %sub3A_388 = arith.subi %get3A_375, %iota3A : vector<16xi32>
      %sub3A_389 = arith.constant 48 : i32
      %sub3A_390 = vector.broadcast %sub3A_389 : i32 to vector<16xi32>
      %sub3A_391 = arith.subi %sub3A_388, %sub3A_390 : vector<16xi32>
      %sub3A_392 = arith.subi %get3A_375, %iota3A : vector<16xi32>
      %sub3A_393 = arith.constant 64 : i32
      %sub3A_394 = vector.broadcast %sub3A_393 : i32 to vector<16xi32>
      %sub3A_395 = arith.subi %sub3A_392, %sub3A_394 : vector<16xi32>
      %sub3A_396 = arith.subi %get3A_375, %iota3A : vector<16xi32>
      %sub3A_397 = arith.constant 80 : i32
      %sub3A_398 = vector.broadcast %sub3A_397 : i32 to vector<16xi32>
      %sub3A_399 = arith.subi %sub3A_396, %sub3A_398 : vector<16xi32>
      %sub3A_400 = arith.subi %get3A_375, %iota3A : vector<16xi32>
      %sub3A_401 = arith.constant 96 : i32
      %sub3A_402 = vector.broadcast %sub3A_401 : i32 to vector<16xi32>
      %sub3A_403 = arith.subi %sub3A_400, %sub3A_402 : vector<16xi32>
      %sub3A_404 = arith.subi %get3A_375, %iota3A : vector<16xi32>
      %sub3A_405 = arith.constant 112 : i32
      %sub3A_406 = vector.broadcast %sub3A_405 : i32 to vector<16xi32>
      %sub3A_407 = arith.subi %sub3A_404, %sub3A_406 : vector<16xi32>
      %broadcast_in_dim3A_408 = arith.constant 0.000000e+00 : f32
      %broadcast_in_dim3A_409 = vector.broadcast %broadcast_in_dim3A_408 : f32 to vector<16xf32>
      %broadcast_in_dim3A_410 = arith.constant 0 : i32
      %broadcast_in_dim3A_411 = vector.broadcast %broadcast_in_dim3A_410 : i32 to vector<16xi32>
      %scan3A_412 = arith.constant 0 : i32
      %scan3A_413 = arith.constant 64 : i32
      %scan3A_414 = arith.addi %scan3A_412, %scan3A_413 : i32
      %scan3A_415 = arith.constant 1 : i32
      %scan3A_416:6 = scf.for %scan3A_1005 = %scan3A_412 to %scan3A_414 step %scan3A_415 iter_args(%scan3A_1006 = %broadcast_in_dim3A_409, %scan3A_1007 = %broadcast_in_dim3A_409, %scan3A_1008 = %broadcast_in_dim3A_409, %scan3A_1009 = %broadcast_in_dim3A_409, %scan3A_1010 = %broadcast_in_dim3A_409, %scan3A_1011 = %broadcast_in_dim3A_411) -> (vector<16xf32>, vector<16xf32>, vector<16xf32>, vector<16xf32>, vector<16xf32>, vector<16xi32>)  : i32 {
        %mul3A_1012 = arith.constant 8 : i32
        %mul3A_1013 = arith.muli %scan3A_1005, %mul3A_1012 : i32
        %add3A_1014 = arith.constant 0 : i32
        %add3A_1015 = arith.addi %mul3A_1013, %add3A_1014 : i32
        %mul3A_1016 = arith.constant 16 : i32
        %mul3A_1017 = arith.muli %add3A_1015, %mul3A_1016 : i32
        %get3A_1018 = arith.constant 2 : i32
        %get3A_1019 = arith.constant 0 : i32
        %get3A_1020 = arith.index_cast %get3A_1018 : i32 to index
        %get3A_1021 = arith.index_cast %get3A_1019 : i32 to index
        %get3A_1022 = arith.index_cast %mul3A_1017 : i32 to index
        %get3A_1023 = tpu.vector_load %arg10[%get3A_1020, %get3A_1021, %get3A_1022] {strides = array<i32>} : memref<8x1x8192xf32, #tpu.memory_space<vmem>>, vector<1x1x16xf32>,
        %get3A_1024 = vector.shape_cast %get3A_1023 : vector<1x1x16xf32> to vector<16xf32>
        %exp3A = math.exp %get3A_1024 : vector<16xf32>
        %add3A_1025 = arith.addf %scan3A_1006, %exp3A : vector<16xf32>
        %eq3A = arith.cmpi eq, %scan3A_1011, %sub3A_379 : vector<16xi32>
        %select_n3A = arith.select %eq3A, %get3A_1024, %scan3A_1010 : vector<16xi1>, vector<16xf32>
        %mul3A_1026 = arith.constant 8 : i32
        %mul3A_1027 = arith.muli %scan3A_1005, %mul3A_1026 : i32
        %add3A_1028 = arith.constant 1 : i32
        %add3A_1029 = arith.addi %mul3A_1027, %add3A_1028 : i32
        %mul3A_1030 = arith.constant 16 : i32
        %mul3A_1031 = arith.muli %add3A_1029, %mul3A_1030 : i32
        %get3A_1032 = arith.constant 2 : i32
        %get3A_1033 = arith.constant 0 : i32
        %get3A_1034 = arith.index_cast %get3A_1032 : i32 to index
        %get3A_1035 = arith.index_cast %get3A_1033 : i32 to index
        %get3A_1036 = arith.index_cast %mul3A_1031 : i32 to index
        %get3A_1037 = tpu.vector_load %arg10[%get3A_1034, %get3A_1035, %get3A_1036] {strides = array<i32>} : memref<8x1x8192xf32, #tpu.memory_space<vmem>>, vector<1x1x16xf32>,
        %get3A_1038 = vector.shape_cast %get3A_1037 : vector<1x1x16xf32> to vector<16xf32>
        %exp3A_1039 = math.exp %get3A_1038 : vector<16xf32>
        %add3A_1040 = arith.addf %scan3A_1007, %exp3A_1039 : vector<16xf32>
        %eq3A_1041 = arith.cmpi eq, %scan3A_1011, %sub3A_383 : vector<16xi32>
        %select_n3A_1042 = arith.select %eq3A_1041, %get3A_1038, %select_n3A : vector<16xi1>, vector<16xf32>
        %mul3A_1043 = arith.constant 8 : i32
        %mul3A_1044 = arith.muli %scan3A_1005, %mul3A_1043 : i32
        %add3A_1045 = arith.constant 2 : i32
        %add3A_1046 = arith.addi %mul3A_1044, %add3A_1045 : i32
        %mul3A_1047 = arith.constant 16 : i32
        %mul3A_1048 = arith.muli %add3A_1046, %mul3A_1047 : i32
        %get3A_1049 = arith.constant 2 : i32
        %get3A_1050 = arith.constant 0 : i32
        %get3A_1051 = arith.index_cast %get3A_1049 : i32 to index
        %get3A_1052 = arith.index_cast %get3A_1050 : i32 to index
        %get3A_1053 = arith.index_cast %mul3A_1048 : i32 to index
        %get3A_1054 = tpu.vector_load %arg10[%get3A_1051, %get3A_1052, %get3A_1053] {strides = array<i32>} : memref<8x1x8192xf32, #tpu.memory_space<vmem>>, vector<1x1x16xf32>,
        %get3A_1055 = vector.shape_cast %get3A_1054 : vector<1x1x16xf32> to vector<16xf32>
        %exp3A_1056 = math.exp %get3A_1055 : vector<16xf32>
        %add3A_1057 = arith.addf %scan3A_1008, %exp3A_1056 : vector<16xf32>
        %eq3A_1058 = arith.cmpi eq, %scan3A_1011, %sub3A_387 : vector<16xi32>
        %select_n3A_1059 = arith.select %eq3A_1058, %get3A_1055, %select_n3A_1042 : vector<16xi1>, vector<16xf32>
        %mul3A_1060 = arith.constant 8 : i32
        %mul3A_1061 = arith.muli %scan3A_1005, %mul3A_1060 : i32
        %add3A_1062 = arith.constant 3 : i32
        %add3A_1063 = arith.addi %mul3A_1061, %add3A_1062 : i32
        %mul3A_1064 = arith.constant 16 : i32
        %mul3A_1065 = arith.muli %add3A_1063, %mul3A_1064 : i32
        %get3A_1066 = arith.constant 2 : i32
        %get3A_1067 = arith.constant 0 : i32
        %get3A_1068 = arith.index_cast %get3A_1066 : i32 to index
        %get3A_1069 = arith.index_cast %get3A_1067 : i32 to index
        %get3A_1070 = arith.index_cast %mul3A_1065 : i32 to index
        %get3A_1071 = tpu.vector_load %arg10[%get3A_1068, %get3A_1069, %get3A_1070] {strides = array<i32>} : memref<8x1x8192xf32, #tpu.memory_space<vmem>>, vector<1x1x16xf32>,
        %get3A_1072 = vector.shape_cast %get3A_1071 : vector<1x1x16xf32> to vector<16xf32>
        %exp3A_1073 = math.exp %get3A_1072 : vector<16xf32>
        %add3A_1074 = arith.addf %scan3A_1009, %exp3A_1073 : vector<16xf32>
        %eq3A_1075 = arith.cmpi eq, %scan3A_1011, %sub3A_391 : vector<16xi32>
        %select_n3A_1076 = arith.select %eq3A_1075, %get3A_1072, %select_n3A_1059 : vector<16xi1>, vector<16xf32>
        %mul3A_1077 = arith.constant 8 : i32
        %mul3A_1078 = arith.muli %scan3A_1005, %mul3A_1077 : i32
        %add3A_1079 = arith.constant 4 : i32
        %add3A_1080 = arith.addi %mul3A_1078, %add3A_1079 : i32
        %mul3A_1081 = arith.constant 16 : i32
        %mul3A_1082 = arith.muli %add3A_1080, %mul3A_1081 : i32
        %get3A_1083 = arith.constant 2 : i32
        %get3A_1084 = arith.constant 0 : i32
        %get3A_1085 = arith.index_cast %get3A_1083 : i32 to index
        %get3A_1086 = arith.index_cast %get3A_1084 : i32 to index
        %get3A_1087 = arith.index_cast %mul3A_1082 : i32 to index
        %get3A_1088 = tpu.vector_load %arg10[%get3A_1085, %get3A_1086, %get3A_1087] {strides = array<i32>} : memref<8x1x8192xf32, #tpu.memory_space<vmem>>, vector<1x1x16xf32>,
        %get3A_1089 = vector.shape_cast %get3A_1088 : vector<1x1x16xf32> to vector<16xf32>
        %exp3A_1090 = math.exp %get3A_1089 : vector<16xf32>
        %add3A_1091 = arith.addf %add3A_1025, %exp3A_1090 : vector<16xf32>
        %eq3A_1092 = arith.cmpi eq, %scan3A_1011, %sub3A_395 : vector<16xi32>
        %select_n3A_1093 = arith.select %eq3A_1092, %get3A_1089, %select_n3A_1076 : vector<16xi1>, vector<16xf32>
        %mul3A_1094 = arith.constant 8 : i32
        %mul3A_1095 = arith.muli %scan3A_1005, %mul3A_1094 : i32
        %add3A_1096 = arith.constant 5 : i32
        %add3A_1097 = arith.addi %mul3A_1095, %add3A_1096 : i32
        %mul3A_1098 = arith.constant 16 : i32
        %mul3A_1099 = arith.muli %add3A_1097, %mul3A_1098 : i32
        %get3A_1100 = arith.constant 2 : i32
        %get3A_1101 = arith.constant 0 : i32
        %get3A_1102 = arith.index_cast %get3A_1100 : i32 to index
        %get3A_1103 = arith.index_cast %get3A_1101 : i32 to index
        %get3A_1104 = arith.index_cast %mul3A_1099 : i32 to index
        %get3A_1105 = tpu.vector_load %arg10[%get3A_1102, %get3A_1103, %get3A_1104] {strides = array<i32>} : memref<8x1x8192xf32, #tpu.memory_space<vmem>>, vector<1x1x16xf32>,
        %get3A_1106 = vector.shape_cast %get3A_1105 : vector<1x1x16xf32> to vector<16xf32>
        %exp3A_1107 = math.exp %get3A_1106 : vector<16xf32>
        %add3A_1108 = arith.addf %add3A_1040, %exp3A_1107 : vector<16xf32>
        %eq3A_1109 = arith.cmpi eq, %scan3A_1011, %sub3A_399 : vector<16xi32>
        %select_n3A_1110 = arith.select %eq3A_1109, %get3A_1106, %select_n3A_1093 : vector<16xi1>, vector<16xf32>
        %mul3A_1111 = arith.constant 8 : i32
        %mul3A_1112 = arith.muli %scan3A_1005, %mul3A_1111 : i32
        %add3A_1113 = arith.constant 6 : i32
        %add3A_1114 = arith.addi %mul3A_1112, %add3A_1113 : i32
        %mul3A_1115 = arith.constant 16 : i32
        %mul3A_1116 = arith.muli %add3A_1114, %mul3A_1115 : i32
        %get3A_1117 = arith.constant 2 : i32
        %get3A_1118 = arith.constant 0 : i32
        %get3A_1119 = arith.index_cast %get3A_1117 : i32 to index
        %get3A_1120 = arith.index_cast %get3A_1118 : i32 to index
        %get3A_1121 = arith.index_cast %mul3A_1116 : i32 to index
        %get3A_1122 = tpu.vector_load %arg10[%get3A_1119, %get3A_1120, %get3A_1121] {strides = array<i32>} : memref<8x1x8192xf32, #tpu.memory_space<vmem>>, vector<1x1x16xf32>,
        %get3A_1123 = vector.shape_cast %get3A_1122 : vector<1x1x16xf32> to vector<16xf32>
        %exp3A_1124 = math.exp %get3A_1123 : vector<16xf32>
        %add3A_1125 = arith.addf %add3A_1057, %exp3A_1124 : vector<16xf32>
        %eq3A_1126 = arith.cmpi eq, %scan3A_1011, %sub3A_403 : vector<16xi32>
        %select_n3A_1127 = arith.select %eq3A_1126, %get3A_1123, %select_n3A_1110 : vector<16xi1>, vector<16xf32>
        %mul3A_1128 = arith.constant 8 : i32
        %mul3A_1129 = arith.muli %scan3A_1005, %mul3A_1128 : i32
        %add3A_1130 = arith.constant 7 : i32
        %add3A_1131 = arith.addi %mul3A_1129, %add3A_1130 : i32
        %mul3A_1132 = arith.constant 16 : i32
        %mul3A_1133 = arith.muli %add3A_1131, %mul3A_1132 : i32
        %get3A_1134 = arith.constant 2 : i32
        %get3A_1135 = arith.constant 0 : i32
        %get3A_1136 = arith.index_cast %get3A_1134 : i32 to index
        %get3A_1137 = arith.index_cast %get3A_1135 : i32 to index
        %get3A_1138 = arith.index_cast %mul3A_1133 : i32 to index
        %get3A_1139 = tpu.vector_load %arg10[%get3A_1136, %get3A_1137, %get3A_1138] {strides = array<i32>} : memref<8x1x8192xf32, #tpu.memory_space<vmem>>, vector<1x1x16xf32>,
        %get3A_1140 = vector.shape_cast %get3A_1139 : vector<1x1x16xf32> to vector<16xf32>
        %exp3A_1141 = math.exp %get3A_1140 : vector<16xf32>
        %add3A_1142 = arith.addf %add3A_1074, %exp3A_1141 : vector<16xf32>
        %eq3A_1143 = arith.cmpi eq, %scan3A_1011, %sub3A_407 : vector<16xi32>
        %select_n3A_1144 = arith.select %eq3A_1143, %get3A_1140, %select_n3A_1127 : vector<16xi1>, vector<16xf32>
        %add3A_1145 = arith.constant 128 : i32
        %add3A_1146 = vector.broadcast %add3A_1145 : i32 to vector<16xi32>
        %add3A_1147 = arith.addi %scan3A_1011, %add3A_1146 : vector<16xi32>
        scf.yield %add3A_1091, %add3A_1108, %add3A_1125, %add3A_1142, %select_n3A_1144, %add3A_1147 : vector<16xf32>, vector<16xf32>, vector<16xf32>, vector<16xf32>, vector<16xf32>, vector<16xi32>
      }
      %scan3A_417 = arith.constant 64 : i32
      %add3A_418 = arith.addf %scan3A_416#0, %scan3A_416#1 : vector<16xf32>
      %add3A_419 = arith.addf %scan3A_416#2, %scan3A_416#3 : vector<16xf32>
      %add3A_420 = arith.addf %add3A_418, %add3A_419 : vector<16xf32>
      %swap3A_421 = arith.index_cast %multiple_of3A_372 : i32 to index
      %swap3A_422 = tpu.vector_load %arg11[%swap3A_421] {strides = array<i32>} : memref<4096xf32, #tpu.memory_space<vmem>>, vector<16xf32>,
      %swap3A_423 = vector.shape_cast %swap3A_422 : vector<16xf32> to vector<16xf32>
      %swap3A_424 = vector.shape_cast %add3A_420 : vector<16xf32> to vector<16xf32>
      tpu.vector_store %arg11[%swap3A_421], %swap3A_424 {strides = array<i32>} : memref<4096xf32, #tpu.memory_space<vmem>>, vector<16xf32>,
      %swap3A_425 = arith.index_cast %multiple_of3A_372 : i32 to index
      %swap3A_426 = tpu.vector_load %arg12[%swap3A_425] {strides = array<i32>} : memref<4096xf32, #tpu.memory_space<vmem>>, vector<16xf32>,
      %swap3A_427 = vector.shape_cast %swap3A_426 : vector<16xf32> to vector<16xf32>
      %swap3A_428 = vector.shape_cast %scan3A_416#4 : vector<16xf32> to vector<16xf32>
      tpu.vector_store %arg12[%swap3A_425], %swap3A_428 {strides = array<i32>} : memref<4096xf32, #tpu.memory_space<vmem>>, vector<16xf32>,
      %mul3A_429 = arith.constant 1 : i32
      %mul3A_430 = arith.muli %add3A_334, %mul3A_429 : i32
      %add3A_431 = arith.addi %mul3A_2, %mul3A_430 : i32
      %dma_start3A_432 = arith.constant 2 : i32
      %dma_start3A_433 = arith.constant 0 : i32
      %dma_start3A_434 = arith.constant 0 : i32
      %dma_start3A_435 = tpu.memref_slice %arg10[%dma_start3A_432, %dma_start3A_433, %dma_start3A_434] : memref<8x1x8192xf32, #tpu.memory_space<vmem>> -> memref<1x1x8192xf32, #tpu.memory_space<vmem>>
      %dma_start3A_436 = tpu.memref_squeeze %dma_start3A_435 : memref<1x1x8192xf32, #tpu.memory_space<vmem>> -> memref<1x8192xf32, #tpu.memory_space<vmem>>
      %dma_start3A_437 = arith.constant 0 : i32
      %dma_start3A_438 = tpu.memref_slice %arg5[%add3A_431, %dma_start3A_437] : memref<8192x8192xf32, #tpu.memory_space<hbm>> -> memref<1x8192xf32, #tpu.memory_space<hbm>>
      %dma_start3A_439 = arith.constant 0 : i32
      %dma_start3A_440 = tpu.memref_slice %arg5[%add3A_431, %dma_start3A_439] : memref<8192x8192xf32, #tpu.memory_space<hbm>> -> memref<1x8192xf32, #tpu.memory_space<hbm>>
      %dma_start3A_441 = arith.constant 0 : i32
      %dma_start3A_442 = arith.constant 0 : i32
      %dma_start3A_443 = tpu.memref_slice %arg10[%dma_start3A_432, %dma_start3A_441, %dma_start3A_442] : memref<8x1x8192xf32, #tpu.memory_space<vmem>> -> memref<1x1x8192xf32, #tpu.memory_space<vmem>>
      %dma_start3A_444 = tpu.memref_squeeze %dma_start3A_443 : memref<1x1x8192xf32, #tpu.memory_space<vmem>> -> memref<1x8192xf32, #tpu.memory_space<vmem>>
      tpu.enqueue_dma source(%dma_start3A_444 : memref<1x8192xf32, #tpu.memory_space<vmem>>) target(%dma_start3A_440 : memref<1x8192xf32, #tpu.memory_space<hbm>>) target_semaphore(%arg23 : memref<!tpu.dma_semaphore, #tpu.memory_space<semaphore_mem>>)
      %add3A_445 = arith.constant 3 : i32
      %add3A_446 = arith.addi %add3A_117, %add3A_445 : i32
      %add3A_447 = arith.constant 4 : i32
      %add3A_448 = arith.addi %add3A_446, %add3A_447 : i32
      %sub3A_449 = arith.constant 8 : i32
      %sub3A_450 = arith.subi %add3A_448, %sub3A_449 : i32
      %ge3A_451 = arith.constant 0 : i32
      %ge3A_452 = arith.cmpi sge, %sub3A_450, %ge3A_451 : i32
      %convert_element_type3A_453 = arith.extui %ge3A_452 : i1 to i32
      %cond3A_454 = arith.constant 0 : i32
      %cond3A_455 = arith.cmpi ne, %convert_element_type3A_453, %cond3A_454 : i32
      scf.if %cond3A_455 {
        %dma_wait3A_1005 = arith.constant 7 : i32
        %dma_wait3A_1006 = arith.constant 0 : i32
        %dma_wait3A_1007 = arith.constant 0 : i32
        %dma_wait3A_1008 = tpu.memref_slice %arg10[%dma_wait3A_1005, %dma_wait3A_1006, %dma_wait3A_1007] : memref<8x1x8192xf32, #tpu.memory_space<vmem>> -> memref<1x1x8192xf32, #tpu.memory_space<vmem>>
        %dma_wait3A_1009 = tpu.memref_squeeze %dma_wait3A_1008 : memref<1x1x8192xf32, #tpu.memory_space<vmem>> -> memref<1x8192xf32, #tpu.memory_space<vmem>>
        %dma_wait3A_1010 = arith.constant 0 : i32
        %dma_wait3A_1011 = arith.constant 0 : i32
        %dma_wait3A_1012 = tpu.memref_slice %arg5[%dma_wait3A_1010, %dma_wait3A_1011] : memref<8192x8192xf32, #tpu.memory_space<hbm>> -> memref<1x8192xf32, #tpu.memory_space<hbm>>
        %dma_wait3A_1013 = arith.constant 0 : i32
        %dma_wait3A_1014 = arith.constant 0 : i32
        %dma_wait3A_1015 = tpu.memref_slice %arg5[%dma_wait3A_1013, %dma_wait3A_1014] : memref<8192x8192xf32, #tpu.memory_space<hbm>> -> memref<1x8192xf32, #tpu.memory_space<hbm>>
        %dma_wait3A_1016 = arith.constant 0 : i32
        %dma_wait3A_1017 = arith.constant 0 : i32
        %dma_wait3A_1018 = tpu.memref_slice %arg10[%dma_wait3A_1005, %dma_wait3A_1016, %dma_wait3A_1017] : memref<8x1x8192xf32, #tpu.memory_space<vmem>> -> memref<1x1x8192xf32, #tpu.memory_space<vmem>>
        %dma_wait3A_1019 = tpu.memref_squeeze %dma_wait3A_1018 : memref<1x1x8192xf32, #tpu.memory_space<vmem>> -> memref<1x8192xf32, #tpu.memory_space<vmem>>
        tpu.wait_dma2 semaphore(%arg28 : memref<!tpu.dma_semaphore, #tpu.memory_space<semaphore_mem>>) src(%dma_wait3A_1019 : memref<1x8192xf32, #tpu.memory_space<vmem>>) dst(%dma_wait3A_1015 : memref<1x8192xf32, #tpu.memory_space<hbm>>)
      } else {
      }
      %add3A_456 = arith.constant 4 : i32
      %add3A_457 = arith.addi %add3A_446, %add3A_456 : i32
      %lt3A_458 = arith.constant 256 : i32
      %lt3A_459 = arith.cmpi slt, %add3A_457, %lt3A_458 : i32
      %convert_element_type3A_460 = arith.extui %lt3A_459 : i1 to i32
      %cond3A_461 = arith.constant 0 : i32
      %cond3A_462 = arith.cmpi ne, %convert_element_type3A_460, %cond3A_461 : i32
      scf.if %cond3A_462 {
        %add3A_1005 = arith.constant 4 : i32
        %add3A_1006 = arith.addi %add3A_446, %add3A_1005 : i32
        %dma_start3A_1007 = arith.constant 7 : i32
        %dma_start3A_1008 = arith.constant 0 : i32
        %dma_start3A_1009 = arith.constant 0 : i32
        %dma_start3A_1010 = tpu.memref_slice %arg10[%dma_start3A_1007, %dma_start3A_1008, %dma_start3A_1009] : memref<8x1x8192xf32, #tpu.memory_space<vmem>> -> memref<1x1x8192xf32, #tpu.memory_space<vmem>>
        %dma_start3A_1011 = tpu.memref_squeeze %dma_start3A_1010 : memref<1x1x8192xf32, #tpu.memory_space<vmem>> -> memref<1x8192xf32, #tpu.memory_space<vmem>>
        %dma_start3A_1012 = arith.constant 0 : i32
        %dma_start3A_1013 = tpu.memref_slice %arg8[%add3A_1006, %dma_start3A_1012] : memref<256x1xi32, #tpu.memory_space<vmem>> -> memref<1x1xi32, #tpu.memory_space<vmem>>
        %dma_start3A_1014 = tpu.memref_squeeze %dma_start3A_1013 : memref<1x1xi32, #tpu.memory_space<vmem>> -> memref<1xi32, #tpu.memory_space<vmem>>
        %dma_start3A_1015 = arith.constant 0 : i32
        %dma_start3A_1016 = arith.constant 0 : i32
        %dma_start3A_1017 = tpu.memref_slice %arg4[%dma_start3A_1015, %dma_start3A_1016] : memref<8192x8192xf32, #tpu.memory_space<hbm>> -> memref<8192x8192xf32, #tpu.memory_space<hbm>>
        tpu.enqueue_indirect_dma source(%dma_start3A_1017 : memref<8192x8192xf32, #tpu.memory_space<hbm>>) target(%dma_start3A_1011 : memref<1x8192xf32, #tpu.memory_space<vmem>>) offsets(%dma_start3A_1014 : memref<1xi32, #tpu.memory_space<vmem>>) semaphore(%arg20 : memref<!tpu.dma_semaphore, #tpu.memory_space<semaphore_mem>>)
      } else {
      }
      %dma_wait3A_463 = arith.constant 3 : i32
      %dma_wait3A_464 = arith.constant 0 : i32
      %dma_wait3A_465 = arith.constant 0 : i32
      %dma_wait3A_466 = tpu.memref_slice %arg10[%dma_wait3A_463, %dma_wait3A_464, %dma_wait3A_465] : memref<8x1x8192xf32, #tpu.memory_space<vmem>> -> memref<1x1x8192xf32, #tpu.memory_space<vmem>>
      %dma_wait3A_467 = tpu.memref_squeeze %dma_wait3A_466 : memref<1x1x8192xf32, #tpu.memory_space<vmem>> -> memref<1x8192xf32, #tpu.memory_space<vmem>>
      %dma_wait3A_468 = arith.constant 0 : i32
      %dma_wait3A_469 = arith.constant 0 : i32
      %dma_wait3A_470 = tpu.memref_slice %arg4[%dma_wait3A_468, %dma_wait3A_469] : memref<8192x8192xf32, #tpu.memory_space<hbm>> -> memref<1x8192xf32, #tpu.memory_space<hbm>>
      %dma_wait3A_471 = arith.constant 0 : i32
      %dma_wait3A_472 = arith.constant 0 : i32
      %dma_wait3A_473 = tpu.memref_slice %arg10[%dma_wait3A_463, %dma_wait3A_471, %dma_wait3A_472] : memref<8x1x8192xf32, #tpu.memory_space<vmem>> -> memref<1x1x8192xf32, #tpu.memory_space<vmem>>
      %dma_wait3A_474 = tpu.memref_squeeze %dma_wait3A_473 : memref<1x1x8192xf32, #tpu.memory_space<vmem>> -> memref<1x8192xf32, #tpu.memory_space<vmem>>
      %dma_wait3A_475 = arith.constant 0 : i32
      %dma_wait3A_476 = arith.constant 0 : i32
      %dma_wait3A_477 = tpu.memref_slice %arg4[%dma_wait3A_475, %dma_wait3A_476] : memref<8192x8192xf32, #tpu.memory_space<hbm>> -> memref<1x8192xf32, #tpu.memory_space<hbm>>
      tpu.wait_dma2 semaphore(%arg16 : memref<!tpu.dma_semaphore, #tpu.memory_space<semaphore_mem>>) src(%dma_wait3A_477 : memref<1x8192xf32, #tpu.memory_space<hbm>>) dst(%dma_wait3A_474 : memref<1x8192xf32, #tpu.memory_space<vmem>>)
      %mul3A_478 = arith.constant 1 : i32
      %mul3A_479 = arith.muli %add3A_446, %mul3A_478 : i32
      %add3A_480 = arith.constant 0 : i32
      %add3A_481 = arith.addi %mul3A_479, %add3A_480 : i32
      %mul3A_482 = arith.constant 16 : i32
      %mul3A_483 = arith.muli %add3A_481, %mul3A_482 : i32
      %multiple_of3A_484 = tpu.assume_multiple %mul3A_483, 16 : i32
      %get3A_485 = arith.index_cast %multiple_of3A_484 : i32 to index
      %get3A_486 = tpu.vector_load %arg9[%get3A_485] {strides = array<i32>} : memref<4096xi32, #tpu.memory_space<vmem>>, vector<16xi32>,
      %get3A_487 = vector.shape_cast %get3A_486 : vector<16xi32> to vector<16xi32>
      %sub3A_488 = arith.subi %get3A_487, %iota3A : vector<16xi32>
      %sub3A_489 = arith.constant 0 : i32
      %sub3A_490 = vector.broadcast %sub3A_489 : i32 to vector<16xi32>
      %sub3A_491 = arith.subi %sub3A_488, %sub3A_490 : vector<16xi32>
      %sub3A_492 = arith.subi %get3A_487, %iota3A : vector<16xi32>
      %sub3A_493 = arith.constant 16 : i32
      %sub3A_494 = vector.broadcast %sub3A_493 : i32 to vector<16xi32>
      %sub3A_495 = arith.subi %sub3A_492, %sub3A_494 : vector<16xi32>
      %sub3A_496 = arith.subi %get3A_487, %iota3A : vector<16xi32>
      %sub3A_497 = arith.constant 32 : i32
      %sub3A_498 = vector.broadcast %sub3A_497 : i32 to vector<16xi32>
      %sub3A_499 = arith.subi %sub3A_496, %sub3A_498 : vector<16xi32>
      %sub3A_500 = arith.subi %get3A_487, %iota3A : vector<16xi32>
      %sub3A_501 = arith.constant 48 : i32
      %sub3A_502 = vector.broadcast %sub3A_501 : i32 to vector<16xi32>
      %sub3A_503 = arith.subi %sub3A_500, %sub3A_502 : vector<16xi32>
      %sub3A_504 = arith.subi %get3A_487, %iota3A : vector<16xi32>
      %sub3A_505 = arith.constant 64 : i32
      %sub3A_506 = vector.broadcast %sub3A_505 : i32 to vector<16xi32>
      %sub3A_507 = arith.subi %sub3A_504, %sub3A_506 : vector<16xi32>
      %sub3A_508 = arith.subi %get3A_487, %iota3A : vector<16xi32>
      %sub3A_509 = arith.constant 80 : i32
      %sub3A_510 = vector.broadcast %sub3A_509 : i32 to vector<16xi32>
      %sub3A_511 = arith.subi %sub3A_508, %sub3A_510 : vector<16xi32>
      %sub3A_512 = arith.subi %get3A_487, %iota3A : vector<16xi32>
      %sub3A_513 = arith.constant 96 : i32
      %sub3A_514 = vector.broadcast %sub3A_513 : i32 to vector<16xi32>
      %sub3A_515 = arith.subi %sub3A_512, %sub3A_514 : vector<16xi32>
      %sub3A_516 = arith.subi %get3A_487, %iota3A : vector<16xi32>
      %sub3A_517 = arith.constant 112 : i32
      %sub3A_518 = vector.broadcast %sub3A_517 : i32 to vector<16xi32>
      %sub3A_519 = arith.subi %sub3A_516, %sub3A_518 : vector<16xi32>
      %broadcast_in_dim3A_520 = arith.constant 0.000000e+00 : f32
      %broadcast_in_dim3A_521 = vector.broadcast %broadcast_in_dim3A_520 : f32 to vector<16xf32>
      %broadcast_in_dim3A_522 = arith.constant 0 : i32
      %broadcast_in_dim3A_523 = vector.broadcast %broadcast_in_dim3A_522 : i32 to vector<16xi32>
      %scan3A_524 = arith.constant 0 : i32
      %scan3A_525 = arith.constant 64 : i32
      %scan3A_526 = arith.addi %scan3A_524, %scan3A_525 : i32
      %scan3A_527 = arith.constant 1 : i32
      %scan3A_528:6 = scf.for %scan3A_1005 = %scan3A_524 to %scan3A_526 step %scan3A_527 iter_args(%scan3A_1006 = %broadcast_in_dim3A_521, %scan3A_1007 = %broadcast_in_dim3A_521, %scan3A_1008 = %broadcast_in_dim3A_521, %scan3A_1009 = %broadcast_in_dim3A_521, %scan3A_1010 = %broadcast_in_dim3A_521, %scan3A_1011 = %broadcast_in_dim3A_523) -> (vector<16xf32>, vector<16xf32>, vector<16xf32>, vector<16xf32>, vector<16xf32>, vector<16xi32>)  : i32 {
        %mul3A_1012 = arith.constant 8 : i32
        %mul3A_1013 = arith.muli %scan3A_1005, %mul3A_1012 : i32
        %add3A_1014 = arith.constant 0 : i32
        %add3A_1015 = arith.addi %mul3A_1013, %add3A_1014 : i32
        %mul3A_1016 = arith.constant 16 : i32
        %mul3A_1017 = arith.muli %add3A_1015, %mul3A_1016 : i32
        %get3A_1018 = arith.constant 3 : i32
        %get3A_1019 = arith.constant 0 : i32
        %get3A_1020 = arith.index_cast %get3A_1018 : i32 to index
        %get3A_1021 = arith.index_cast %get3A_1019 : i32 to index
        %get3A_1022 = arith.index_cast %mul3A_1017 : i32 to index
        %get3A_1023 = tpu.vector_load %arg10[%get3A_1020, %get3A_1021, %get3A_1022] {strides = array<i32>} : memref<8x1x8192xf32, #tpu.memory_space<vmem>>, vector<1x1x16xf32>,
        %get3A_1024 = vector.shape_cast %get3A_1023 : vector<1x1x16xf32> to vector<16xf32>
        %exp3A = math.exp %get3A_1024 : vector<16xf32>
        %add3A_1025 = arith.addf %scan3A_1006, %exp3A : vector<16xf32>
        %eq3A = arith.cmpi eq, %scan3A_1011, %sub3A_491 : vector<16xi32>
        %select_n3A = arith.select %eq3A, %get3A_1024, %scan3A_1010 : vector<16xi1>, vector<16xf32>
        %mul3A_1026 = arith.constant 8 : i32
        %mul3A_1027 = arith.muli %scan3A_1005, %mul3A_1026 : i32
        %add3A_1028 = arith.constant 1 : i32
        %add3A_1029 = arith.addi %mul3A_1027, %add3A_1028 : i32
        %mul3A_1030 = arith.constant 16 : i32
        %mul3A_1031 = arith.muli %add3A_1029, %mul3A_1030 : i32
        %get3A_1032 = arith.constant 3 : i32
        %get3A_1033 = arith.constant 0 : i32
        %get3A_1034 = arith.index_cast %get3A_1032 : i32 to index
        %get3A_1035 = arith.index_cast %get3A_1033 : i32 to index
        %get3A_1036 = arith.index_cast %mul3A_1031 : i32 to index
        %get3A_1037 = tpu.vector_load %arg10[%get3A_1034, %get3A_1035, %get3A_1036] {strides = array<i32>} : memref<8x1x8192xf32, #tpu.memory_space<vmem>>, vector<1x1x16xf32>,
        %get3A_1038 = vector.shape_cast %get3A_1037 : vector<1x1x16xf32> to vector<16xf32>
        %exp3A_1039 = math.exp %get3A_1038 : vector<16xf32>
        %add3A_1040 = arith.addf %scan3A_1007, %exp3A_1039 : vector<16xf32>
        %eq3A_1041 = arith.cmpi eq, %scan3A_1011, %sub3A_495 : vector<16xi32>
        %select_n3A_1042 = arith.select %eq3A_1041, %get3A_1038, %select_n3A : vector<16xi1>, vector<16xf32>
        %mul3A_1043 = arith.constant 8 : i32
        %mul3A_1044 = arith.muli %scan3A_1005, %mul3A_1043 : i32
        %add3A_1045 = arith.constant 2 : i32
        %add3A_1046 = arith.addi %mul3A_1044, %add3A_1045 : i32
        %mul3A_1047 = arith.constant 16 : i32
        %mul3A_1048 = arith.muli %add3A_1046, %mul3A_1047 : i32
        %get3A_1049 = arith.constant 3 : i32
        %get3A_1050 = arith.constant 0 : i32
        %get3A_1051 = arith.index_cast %get3A_1049 : i32 to index
        %get3A_1052 = arith.index_cast %get3A_1050 : i32 to index
        %get3A_1053 = arith.index_cast %mul3A_1048 : i32 to index
        %get3A_1054 = tpu.vector_load %arg10[%get3A_1051, %get3A_1052, %get3A_1053] {strides = array<i32>} : memref<8x1x8192xf32, #tpu.memory_space<vmem>>, vector<1x1x16xf32>,
        %get3A_1055 = vector.shape_cast %get3A_1054 : vector<1x1x16xf32> to vector<16xf32>
        %exp3A_1056 = math.exp %get3A_1055 : vector<16xf32>
        %add3A_1057 = arith.addf %scan3A_1008, %exp3A_1056 : vector<16xf32>
        %eq3A_1058 = arith.cmpi eq, %scan3A_1011, %sub3A_499 : vector<16xi32>
        %select_n3A_1059 = arith.select %eq3A_1058, %get3A_1055, %select_n3A_1042 : vector<16xi1>, vector<16xf32>
        %mul3A_1060 = arith.constant 8 : i32
        %mul3A_1061 = arith.muli %scan3A_1005, %mul3A_1060 : i32
        %add3A_1062 = arith.constant 3 : i32
        %add3A_1063 = arith.addi %mul3A_1061, %add3A_1062 : i32
        %mul3A_1064 = arith.constant 16 : i32
        %mul3A_1065 = arith.muli %add3A_1063, %mul3A_1064 : i32
        %get3A_1066 = arith.constant 3 : i32
        %get3A_1067 = arith.constant 0 : i32
        %get3A_1068 = arith.index_cast %get3A_1066 : i32 to index
        %get3A_1069 = arith.index_cast %get3A_1067 : i32 to index
        %get3A_1070 = arith.index_cast %mul3A_1065 : i32 to index
        %get3A_1071 = tpu.vector_load %arg10[%get3A_1068, %get3A_1069, %get3A_1070] {strides = array<i32>} : memref<8x1x8192xf32, #tpu.memory_space<vmem>>, vector<1x1x16xf32>,
        %get3A_1072 = vector.shape_cast %get3A_1071 : vector<1x1x16xf32> to vector<16xf32>
        %exp3A_1073 = math.exp %get3A_1072 : vector<16xf32>
        %add3A_1074 = arith.addf %scan3A_1009, %exp3A_1073 : vector<16xf32>
        %eq3A_1075 = arith.cmpi eq, %scan3A_1011, %sub3A_503 : vector<16xi32>
        %select_n3A_1076 = arith.select %eq3A_1075, %get3A_1072, %select_n3A_1059 : vector<16xi1>, vector<16xf32>
        %mul3A_1077 = arith.constant 8 : i32
        %mul3A_1078 = arith.muli %scan3A_1005, %mul3A_1077 : i32
        %add3A_1079 = arith.constant 4 : i32
        %add3A_1080 = arith.addi %mul3A_1078, %add3A_1079 : i32
        %mul3A_1081 = arith.constant 16 : i32
        %mul3A_1082 = arith.muli %add3A_1080, %mul3A_1081 : i32
        %get3A_1083 = arith.constant 3 : i32
        %get3A_1084 = arith.constant 0 : i32
        %get3A_1085 = arith.index_cast %get3A_1083 : i32 to index
        %get3A_1086 = arith.index_cast %get3A_1084 : i32 to index
        %get3A_1087 = arith.index_cast %mul3A_1082 : i32 to index
        %get3A_1088 = tpu.vector_load %arg10[%get3A_1085, %get3A_1086, %get3A_1087] {strides = array<i32>} : memref<8x1x8192xf32, #tpu.memory_space<vmem>>, vector<1x1x16xf32>,
        %get3A_1089 = vector.shape_cast %get3A_1088 : vector<1x1x16xf32> to vector<16xf32>
        %exp3A_1090 = math.exp %get3A_1089 : vector<16xf32>
        %add3A_1091 = arith.addf %add3A_1025, %exp3A_1090 : vector<16xf32>
        %eq3A_1092 = arith.cmpi eq, %scan3A_1011, %sub3A_507 : vector<16xi32>
        %select_n3A_1093 = arith.select %eq3A_1092, %get3A_1089, %select_n3A_1076 : vector<16xi1>, vector<16xf32>
        %mul3A_1094 = arith.constant 8 : i32
        %mul3A_1095 = arith.muli %scan3A_1005, %mul3A_1094 : i32
        %add3A_1096 = arith.constant 5 : i32
        %add3A_1097 = arith.addi %mul3A_1095, %add3A_1096 : i32
        %mul3A_1098 = arith.constant 16 : i32
        %mul3A_1099 = arith.muli %add3A_1097, %mul3A_1098 : i32
        %get3A_1100 = arith.constant 3 : i32
        %get3A_1101 = arith.constant 0 : i32
        %get3A_1102 = arith.index_cast %get3A_1100 : i32 to index
        %get3A_1103 = arith.index_cast %get3A_1101 : i32 to index
        %get3A_1104 = arith.index_cast %mul3A_1099 : i32 to index
        %get3A_1105 = tpu.vector_load %arg10[%get3A_1102, %get3A_1103, %get3A_1104] {strides = array<i32>} : memref<8x1x8192xf32, #tpu.memory_space<vmem>>, vector<1x1x16xf32>,
        %get3A_1106 = vector.shape_cast %get3A_1105 : vector<1x1x16xf32> to vector<16xf32>
        %exp3A_1107 = math.exp %get3A_1106 : vector<16xf32>
        %add3A_1108 = arith.addf %add3A_1040, %exp3A_1107 : vector<16xf32>
        %eq3A_1109 = arith.cmpi eq, %scan3A_1011, %sub3A_511 : vector<16xi32>
        %select_n3A_1110 = arith.select %eq3A_1109, %get3A_1106, %select_n3A_1093 : vector<16xi1>, vector<16xf32>
        %mul3A_1111 = arith.constant 8 : i32
        %mul3A_1112 = arith.muli %scan3A_1005, %mul3A_1111 : i32
        %add3A_1113 = arith.constant 6 : i32
        %add3A_1114 = arith.addi %mul3A_1112, %add3A_1113 : i32
        %mul3A_1115 = arith.constant 16 : i32
        %mul3A_1116 = arith.muli %add3A_1114, %mul3A_1115 : i32
        %get3A_1117 = arith.constant 3 : i32
        %get3A_1118 = arith.constant 0 : i32
        %get3A_1119 = arith.index_cast %get3A_1117 : i32 to index
        %get3A_1120 = arith.index_cast %get3A_1118 : i32 to index
        %get3A_1121 = arith.index_cast %mul3A_1116 : i32 to index
        %get3A_1122 = tpu.vector_load %arg10[%get3A_1119, %get3A_1120, %get3A_1121] {strides = array<i32>} : memref<8x1x8192xf32, #tpu.memory_space<vmem>>, vector<1x1x16xf32>,
        %get3A_1123 = vector.shape_cast %get3A_1122 : vector<1x1x16xf32> to vector<16xf32>
        %exp3A_1124 = math.exp %get3A_1123 : vector<16xf32>
        %add3A_1125 = arith.addf %add3A_1057, %exp3A_1124 : vector<16xf32>
        %eq3A_1126 = arith.cmpi eq, %scan3A_1011, %sub3A_515 : vector<16xi32>
        %select_n3A_1127 = arith.select %eq3A_1126, %get3A_1123, %select_n3A_1110 : vector<16xi1>, vector<16xf32>
        %mul3A_1128 = arith.constant 8 : i32
        %mul3A_1129 = arith.muli %scan3A_1005, %mul3A_1128 : i32
        %add3A_1130 = arith.constant 7 : i32
        %add3A_1131 = arith.addi %mul3A_1129, %add3A_1130 : i32
        %mul3A_1132 = arith.constant 16 : i32
        %mul3A_1133 = arith.muli %add3A_1131, %mul3A_1132 : i32
        %get3A_1134 = arith.constant 3 : i32
        %get3A_1135 = arith.constant 0 : i32
        %get3A_1136 = arith.index_cast %get3A_1134 : i32 to index
        %get3A_1137 = arith.index_cast %get3A_1135 : i32 to index
        %get3A_1138 = arith.index_cast %mul3A_1133 : i32 to index
        %get3A_1139 = tpu.vector_load %arg10[%get3A_1136, %get3A_1137, %get3A_1138] {strides = array<i32>} : memref<8x1x8192xf32, #tpu.memory_space<vmem>>, vector<1x1x16xf32>,
        %get3A_1140 = vector.shape_cast %get3A_1139 : vector<1x1x16xf32> to vector<16xf32>
        %exp3A_1141 = math.exp %get3A_1140 : vector<16xf32>
        %add3A_1142 = arith.addf %add3A_1074, %exp3A_1141 : vector<16xf32>
        %eq3A_1143 = arith.cmpi eq, %scan3A_1011, %sub3A_519 : vector<16xi32>
        %select_n3A_1144 = arith.select %eq3A_1143, %get3A_1140, %select_n3A_1127 : vector<16xi1>, vector<16xf32>
        %add3A_1145 = arith.constant 128 : i32
        %add3A_1146 = vector.broadcast %add3A_1145 : i32 to vector<16xi32>
        %add3A_1147 = arith.addi %scan3A_1011, %add3A_1146 : vector<16xi32>
        scf.yield %add3A_1091, %add3A_1108, %add3A_1125, %add3A_1142, %select_n3A_1144, %add3A_1147 : vector<16xf32>, vector<16xf32>, vector<16xf32>, vector<16xf32>, vector<16xf32>, vector<16xi32>
      }
      %scan3A_529 = arith.constant 64 : i32
      %add3A_530 = arith.addf %scan3A_528#0, %scan3A_528#1 : vector<16xf32>
      %add3A_531 = arith.addf %scan3A_528#2, %scan3A_528#3 : vector<16xf32>
      %add3A_532 = arith.addf %add3A_530, %add3A_531 : vector<16xf32>
      %swap3A_533 = arith.index_cast %multiple_of3A_484 : i32 to index
      %swap3A_534 = tpu.vector_load %arg11[%swap3A_533] {strides = array<i32>} : memref<4096xf32, #tpu.memory_space<vmem>>, vector<16xf32>,
      %swap3A_535 = vector.shape_cast %swap3A_534 : vector<16xf32> to vector<16xf32>
      %swap3A_536 = vector.shape_cast %add3A_532 : vector<16xf32> to vector<16xf32>
      tpu.vector_store %arg11[%swap3A_533], %swap3A_536 {strides = array<i32>} : memref<4096xf32, #tpu.memory_space<vmem>>, vector<16xf32>,
      %swap3A_537 = arith.index_cast %multiple_of3A_484 : i32 to index
      %swap3A_538 = tpu.vector_load %arg12[%swap3A_537] {strides = array<i32>} : memref<4096xf32, #tpu.memory_space<vmem>>, vector<16xf32>,
      %swap3A_539 = vector.shape_cast %swap3A_538 : vector<16xf32> to vector<16xf32>
      %swap3A_540 = vector.shape_cast %scan3A_528#4 : vector<16xf32> to vector<16xf32>
      tpu.vector_store %arg12[%swap3A_537], %swap3A_540 {strides = array<i32>} : memref<4096xf32, #tpu.memory_space<vmem>>, vector<16xf32>,
      %mul3A_541 = arith.constant 1 : i32
      %mul3A_542 = arith.muli %add3A_446, %mul3A_541 : i32
      %add3A_543 = arith.addi %mul3A_2, %mul3A_542 : i32
      %dma_start3A_544 = arith.constant 3 : i32
      %dma_start3A_545 = arith.constant 0 : i32
      %dma_start3A_546 = arith.constant 0 : i32
      %dma_start3A_547 = tpu.memref_slice %arg10[%dma_start3A_544, %dma_start3A_545, %dma_start3A_546] : memref<8x1x8192xf32, #tpu.memory_space<vmem>> -> memref<1x1x8192xf32, #tpu.memory_space<vmem>>
      %dma_start3A_548 = tpu.memref_squeeze %dma_start3A_547 : memref<1x1x8192xf32, #tpu.memory_space<vmem>> -> memref<1x8192xf32, #tpu.memory_space<vmem>>
      %dma_start3A_549 = arith.constant 0 : i32
      %dma_start3A_550 = tpu.memref_slice %arg5[%add3A_543, %dma_start3A_549] : memref<8192x8192xf32, #tpu.memory_space<hbm>> -> memref<1x8192xf32, #tpu.memory_space<hbm>>
      %dma_start3A_551 = arith.constant 0 : i32
      %dma_start3A_552 = tpu.memref_slice %arg5[%add3A_543, %dma_start3A_551] : memref<8192x8192xf32, #tpu.memory_space<hbm>> -> memref<1x8192xf32, #tpu.memory_space<hbm>>
      %dma_start3A_553 = arith.constant 0 : i32
      %dma_start3A_554 = arith.constant 0 : i32
      %dma_start3A_555 = tpu.memref_slice %arg10[%dma_start3A_544, %dma_start3A_553, %dma_start3A_554] : memref<8x1x8192xf32, #tpu.memory_space<vmem>> -> memref<1x1x8192xf32, #tpu.memory_space<vmem>>
      %dma_start3A_556 = tpu.memref_squeeze %dma_start3A_555 : memref<1x1x8192xf32, #tpu.memory_space<vmem>> -> memref<1x8192xf32, #tpu.memory_space<vmem>>
      tpu.enqueue_dma source(%dma_start3A_556 : memref<1x8192xf32, #tpu.memory_space<vmem>>) target(%dma_start3A_552 : memref<1x8192xf32, #tpu.memory_space<hbm>>) target_semaphore(%arg24 : memref<!tpu.dma_semaphore, #tpu.memory_space<semaphore_mem>>)
      %add3A_557 = arith.constant 4 : i32
      %add3A_558 = arith.addi %add3A_117, %add3A_557 : i32
      %add3A_559 = arith.constant 4 : i32
      %add3A_560 = arith.addi %add3A_558, %add3A_559 : i32
      %sub3A_561 = arith.constant 8 : i32
      %sub3A_562 = arith.subi %add3A_560, %sub3A_561 : i32
      %ge3A_563 = arith.constant 0 : i32
      %ge3A_564 = arith.cmpi sge, %sub3A_562, %ge3A_563 : i32
      %convert_element_type3A_565 = arith.extui %ge3A_564 : i1 to i32
      %cond3A_566 = arith.constant 0 : i32
      %cond3A_567 = arith.cmpi ne, %convert_element_type3A_565, %cond3A_566 : i32
      scf.if %cond3A_567 {
        %dma_wait3A_1005 = arith.constant 0 : i32
        %dma_wait3A_1006 = arith.constant 0 : i32
        %dma_wait3A_1007 = arith.constant 0 : i32
        %dma_wait3A_1008 = tpu.memref_slice %arg10[%dma_wait3A_1005, %dma_wait3A_1006, %dma_wait3A_1007] : memref<8x1x8192xf32, #tpu.memory_space<vmem>> -> memref<1x1x8192xf32, #tpu.memory_space<vmem>>
        %dma_wait3A_1009 = tpu.memref_squeeze %dma_wait3A_1008 : memref<1x1x8192xf32, #tpu.memory_space<vmem>> -> memref<1x8192xf32, #tpu.memory_space<vmem>>
        %dma_wait3A_1010 = arith.constant 0 : i32
        %dma_wait3A_1011 = arith.constant 0 : i32
        %dma_wait3A_1012 = tpu.memref_slice %arg5[%dma_wait3A_1010, %dma_wait3A_1011] : memref<8192x8192xf32, #tpu.memory_space<hbm>> -> memref<1x8192xf32, #tpu.memory_space<hbm>>
        %dma_wait3A_1013 = arith.constant 0 : i32
        %dma_wait3A_1014 = arith.constant 0 : i32
        %dma_wait3A_1015 = tpu.memref_slice %arg5[%dma_wait3A_1013, %dma_wait3A_1014] : memref<8192x8192xf32, #tpu.memory_space<hbm>> -> memref<1x8192xf32, #tpu.memory_space<hbm>>
        %dma_wait3A_1016 = arith.constant 0 : i32
        %dma_wait3A_1017 = arith.constant 0 : i32
        %dma_wait3A_1018 = tpu.memref_slice %arg10[%dma_wait3A_1005, %dma_wait3A_1016, %dma_wait3A_1017] : memref<8x1x8192xf32, #tpu.memory_space<vmem>> -> memref<1x1x8192xf32, #tpu.memory_space<vmem>>
        %dma_wait3A_1019 = tpu.memref_squeeze %dma_wait3A_1018 : memref<1x1x8192xf32, #tpu.memory_space<vmem>> -> memref<1x8192xf32, #tpu.memory_space<vmem>>
        tpu.wait_dma2 semaphore(%arg21 : memref<!tpu.dma_semaphore, #tpu.memory_space<semaphore_mem>>) src(%dma_wait3A_1019 : memref<1x8192xf32, #tpu.memory_space<vmem>>) dst(%dma_wait3A_1015 : memref<1x8192xf32, #tpu.memory_space<hbm>>)
      } else {
      }
      %add3A_568 = arith.constant 4 : i32
      %add3A_569 = arith.addi %add3A_558, %add3A_568 : i32
      %lt3A_570 = arith.constant 256 : i32
      %lt3A_571 = arith.cmpi slt, %add3A_569, %lt3A_570 : i32
      %convert_element_type3A_572 = arith.extui %lt3A_571 : i1 to i32
      %cond3A_573 = arith.constant 0 : i32
      %cond3A_574 = arith.cmpi ne, %convert_element_type3A_572, %cond3A_573 : i32
      scf.if %cond3A_574 {
        %add3A_1005 = arith.constant 4 : i32
        %add3A_1006 = arith.addi %add3A_558, %add3A_1005 : i32
        %dma_start3A_1007 = arith.constant 0 : i32
        %dma_start3A_1008 = arith.constant 0 : i32
        %dma_start3A_1009 = arith.constant 0 : i32
        %dma_start3A_1010 = tpu.memref_slice %arg10[%dma_start3A_1007, %dma_start3A_1008, %dma_start3A_1009] : memref<8x1x8192xf32, #tpu.memory_space<vmem>> -> memref<1x1x8192xf32, #tpu.memory_space<vmem>>
        %dma_start3A_1011 = tpu.memref_squeeze %dma_start3A_1010 : memref<1x1x8192xf32, #tpu.memory_space<vmem>> -> memref<1x8192xf32, #tpu.memory_space<vmem>>
        %dma_start3A_1012 = arith.constant 0 : i32
        %dma_start3A_1013 = tpu.memref_slice %arg8[%add3A_1006, %dma_start3A_1012] : memref<256x1xi32, #tpu.memory_space<vmem>> -> memref<1x1xi32, #tpu.memory_space<vmem>>
        %dma_start3A_1014 = tpu.memref_squeeze %dma_start3A_1013 : memref<1x1xi32, #tpu.memory_space<vmem>> -> memref<1xi32, #tpu.memory_space<vmem>>
        %dma_start3A_1015 = arith.constant 0 : i32
        %dma_start3A_1016 = arith.constant 0 : i32
        %dma_start3A_1017 = tpu.memref_slice %arg4[%dma_start3A_1015, %dma_start3A_1016] : memref<8192x8192xf32, #tpu.memory_space<hbm>> -> memref<8192x8192xf32, #tpu.memory_space<hbm>>
        tpu.enqueue_indirect_dma source(%dma_start3A_1017 : memref<8192x8192xf32, #tpu.memory_space<hbm>>) target(%dma_start3A_1011 : memref<1x8192xf32, #tpu.memory_space<vmem>>) offsets(%dma_start3A_1014 : memref<1xi32, #tpu.memory_space<vmem>>) semaphore(%arg13 : memref<!tpu.dma_semaphore, #tpu.memory_space<semaphore_mem>>)
      } else {
      }
      %dma_wait3A_575 = arith.constant 4 : i32
      %dma_wait3A_576 = arith.constant 0 : i32
      %dma_wait3A_577 = arith.constant 0 : i32
      %dma_wait3A_578 = tpu.memref_slice %arg10[%dma_wait3A_575, %dma_wait3A_576, %dma_wait3A_577] : memref<8x1x8192xf32, #tpu.memory_space<vmem>> -> memref<1x1x8192xf32, #tpu.memory_space<vmem>>
      %dma_wait3A_579 = tpu.memref_squeeze %dma_wait3A_578 : memref<1x1x8192xf32, #tpu.memory_space<vmem>> -> memref<1x8192xf32, #tpu.memory_space<vmem>>
      %dma_wait3A_580 = arith.constant 0 : i32
      %dma_wait3A_581 = arith.constant 0 : i32
      %dma_wait3A_582 = tpu.memref_slice %arg4[%dma_wait3A_580, %dma_wait3A_581] : memref<8192x8192xf32, #tpu.memory_space<hbm>> -> memref<1x8192xf32, #tpu.memory_space<hbm>>
      %dma_wait3A_583 = arith.constant 0 : i32
      %dma_wait3A_584 = arith.constant 0 : i32
      %dma_wait3A_585 = tpu.memref_slice %arg10[%dma_wait3A_575, %dma_wait3A_583, %dma_wait3A_584] : memref<8x1x8192xf32, #tpu.memory_space<vmem>> -> memref<1x1x8192xf32, #tpu.memory_space<vmem>>
      %dma_wait3A_586 = tpu.memref_squeeze %dma_wait3A_585 : memref<1x1x8192xf32, #tpu.memory_space<vmem>> -> memref<1x8192xf32, #tpu.memory_space<vmem>>
      %dma_wait3A_587 = arith.constant 0 : i32
      %dma_wait3A_588 = arith.constant 0 : i32
      %dma_wait3A_589 = tpu.memref_slice %arg4[%dma_wait3A_587, %dma_wait3A_588] : memref<8192x8192xf32, #tpu.memory_space<hbm>> -> memref<1x8192xf32, #tpu.memory_space<hbm>>
      tpu.wait_dma2 semaphore(%arg17 : memref<!tpu.dma_semaphore, #tpu.memory_space<semaphore_mem>>) src(%dma_wait3A_589 : memref<1x8192xf32, #tpu.memory_space<hbm>>) dst(%dma_wait3A_586 : memref<1x8192xf32, #tpu.memory_space<vmem>>)
      %mul3A_590 = arith.constant 1 : i32
      %mul3A_591 = arith.muli %add3A_558, %mul3A_590 : i32
      %add3A_592 = arith.constant 0 : i32
      %add3A_593 = arith.addi %mul3A_591, %add3A_592 : i32
      %mul3A_594 = arith.constant 16 : i32
      %mul3A_595 = arith.muli %add3A_593, %mul3A_594 : i32
      %multiple_of3A_596 = tpu.assume_multiple %mul3A_595, 16 : i32
      %get3A_597 = arith.index_cast %multiple_of3A_596 : i32 to index
      %get3A_598 = tpu.vector_load %arg9[%get3A_597] {strides = array<i32>} : memref<4096xi32, #tpu.memory_space<vmem>>, vector<16xi32>,
      %get3A_599 = vector.shape_cast %get3A_598 : vector<16xi32> to vector<16xi32>
      %sub3A_600 = arith.subi %get3A_599, %iota3A : vector<16xi32>
      %sub3A_601 = arith.constant 0 : i32
      %sub3A_602 = vector.broadcast %sub3A_601 : i32 to vector<16xi32>
      %sub3A_603 = arith.subi %sub3A_600, %sub3A_602 : vector<16xi32>
      %sub3A_604 = arith.subi %get3A_599, %iota3A : vector<16xi32>
      %sub3A_605 = arith.constant 16 : i32
      %sub3A_606 = vector.broadcast %sub3A_605 : i32 to vector<16xi32>
      %sub3A_607 = arith.subi %sub3A_604, %sub3A_606 : vector<16xi32>
      %sub3A_608 = arith.subi %get3A_599, %iota3A : vector<16xi32>
      %sub3A_609 = arith.constant 32 : i32
      %sub3A_610 = vector.broadcast %sub3A_609 : i32 to vector<16xi32>
      %sub3A_611 = arith.subi %sub3A_608, %sub3A_610 : vector<16xi32>
      %sub3A_612 = arith.subi %get3A_599, %iota3A : vector<16xi32>
      %sub3A_613 = arith.constant 48 : i32
      %sub3A_614 = vector.broadcast %sub3A_613 : i32 to vector<16xi32>
      %sub3A_615 = arith.subi %sub3A_612, %sub3A_614 : vector<16xi32>
      %sub3A_616 = arith.subi %get3A_599, %iota3A : vector<16xi32>
      %sub3A_617 = arith.constant 64 : i32
      %sub3A_618 = vector.broadcast %sub3A_617 : i32 to vector<16xi32>
      %sub3A_619 = arith.subi %sub3A_616, %sub3A_618 : vector<16xi32>
      %sub3A_620 = arith.subi %get3A_599, %iota3A : vector<16xi32>
      %sub3A_621 = arith.constant 80 : i32
      %sub3A_622 = vector.broadcast %sub3A_621 : i32 to vector<16xi32>
      %sub3A_623 = arith.subi %sub3A_620, %sub3A_622 : vector<16xi32>
      %sub3A_624 = arith.subi %get3A_599, %iota3A : vector<16xi32>
      %sub3A_625 = arith.constant 96 : i32
      %sub3A_626 = vector.broadcast %sub3A_625 : i32 to vector<16xi32>
      %sub3A_627 = arith.subi %sub3A_624, %sub3A_626 : vector<16xi32>
      %sub3A_628 = arith.subi %get3A_599, %iota3A : vector<16xi32>
      %sub3A_629 = arith.constant 112 : i32
      %sub3A_630 = vector.broadcast %sub3A_629 : i32 to vector<16xi32>
      %sub3A_631 = arith.subi %sub3A_628, %sub3A_630 : vector<16xi32>
      %broadcast_in_dim3A_632 = arith.constant 0.000000e+00 : f32
      %broadcast_in_dim3A_633 = vector.broadcast %broadcast_in_dim3A_632 : f32 to vector<16xf32>
      %broadcast_in_dim3A_634 = arith.constant 0 : i32
      %broadcast_in_dim3A_635 = vector.broadcast %broadcast_in_dim3A_634 : i32 to vector<16xi32>
      %scan3A_636 = arith.constant 0 : i32
      %scan3A_637 = arith.constant 64 : i32
      %scan3A_638 = arith.addi %scan3A_636, %scan3A_637 : i32
      %scan3A_639 = arith.constant 1 : i32
      %scan3A_640:6 = scf.for %scan3A_1005 = %scan3A_636 to %scan3A_638 step %scan3A_639 iter_args(%scan3A_1006 = %broadcast_in_dim3A_633, %scan3A_1007 = %broadcast_in_dim3A_633, %scan3A_1008 = %broadcast_in_dim3A_633, %scan3A_1009 = %broadcast_in_dim3A_633, %scan3A_1010 = %broadcast_in_dim3A_633, %scan3A_1011 = %broadcast_in_dim3A_635) -> (vector<16xf32>, vector<16xf32>, vector<16xf32>, vector<16xf32>, vector<16xf32>, vector<16xi32>)  : i32 {
        %mul3A_1012 = arith.constant 8 : i32
        %mul3A_1013 = arith.muli %scan3A_1005, %mul3A_1012 : i32
        %add3A_1014 = arith.constant 0 : i32
        %add3A_1015 = arith.addi %mul3A_1013, %add3A_1014 : i32
        %mul3A_1016 = arith.constant 16 : i32
        %mul3A_1017 = arith.muli %add3A_1015, %mul3A_1016 : i32
        %get3A_1018 = arith.constant 4 : i32
        %get3A_1019 = arith.constant 0 : i32
        %get3A_1020 = arith.index_cast %get3A_1018 : i32 to index
        %get3A_1021 = arith.index_cast %get3A_1019 : i32 to index
        %get3A_1022 = arith.index_cast %mul3A_1017 : i32 to index
        %get3A_1023 = tpu.vector_load %arg10[%get3A_1020, %get3A_1021, %get3A_1022] {strides = array<i32>} : memref<8x1x8192xf32, #tpu.memory_space<vmem>>, vector<1x1x16xf32>,
        %get3A_1024 = vector.shape_cast %get3A_1023 : vector<1x1x16xf32> to vector<16xf32>
        %exp3A = math.exp %get3A_1024 : vector<16xf32>
        %add3A_1025 = arith.addf %scan3A_1006, %exp3A : vector<16xf32>
        %eq3A = arith.cmpi eq, %scan3A_1011, %sub3A_603 : vector<16xi32>
        %select_n3A = arith.select %eq3A, %get3A_1024, %scan3A_1010 : vector<16xi1>, vector<16xf32>
        %mul3A_1026 = arith.constant 8 : i32
        %mul3A_1027 = arith.muli %scan3A_1005, %mul3A_1026 : i32
        %add3A_1028 = arith.constant 1 : i32
        %add3A_1029 = arith.addi %mul3A_1027, %add3A_1028 : i32
        %mul3A_1030 = arith.constant 16 : i32
        %mul3A_1031 = arith.muli %add3A_1029, %mul3A_1030 : i32
        %get3A_1032 = arith.constant 4 : i32
        %get3A_1033 = arith.constant 0 : i32
        %get3A_1034 = arith.index_cast %get3A_1032 : i32 to index
        %get3A_1035 = arith.index_cast %get3A_1033 : i32 to index
        %get3A_1036 = arith.index_cast %mul3A_1031 : i32 to index
        %get3A_1037 = tpu.vector_load %arg10[%get3A_1034, %get3A_1035, %get3A_1036] {strides = array<i32>} : memref<8x1x8192xf32, #tpu.memory_space<vmem>>, vector<1x1x16xf32>,
        %get3A_1038 = vector.shape_cast %get3A_1037 : vector<1x1x16xf32> to vector<16xf32>
        %exp3A_1039 = math.exp %get3A_1038 : vector<16xf32>
        %add3A_1040 = arith.addf %scan3A_1007, %exp3A_1039 : vector<16xf32>
        %eq3A_1041 = arith.cmpi eq, %scan3A_1011, %sub3A_607 : vector<16xi32>
        %select_n3A_1042 = arith.select %eq3A_1041, %get3A_1038, %select_n3A : vector<16xi1>, vector<16xf32>
        %mul3A_1043 = arith.constant 8 : i32
        %mul3A_1044 = arith.muli %scan3A_1005, %mul3A_1043 : i32
        %add3A_1045 = arith.constant 2 : i32
        %add3A_1046 = arith.addi %mul3A_1044, %add3A_1045 : i32
        %mul3A_1047 = arith.constant 16 : i32
        %mul3A_1048 = arith.muli %add3A_1046, %mul3A_1047 : i32
        %get3A_1049 = arith.constant 4 : i32
        %get3A_1050 = arith.constant 0 : i32
        %get3A_1051 = arith.index_cast %get3A_1049 : i32 to index
        %get3A_1052 = arith.index_cast %get3A_1050 : i32 to index
        %get3A_1053 = arith.index_cast %mul3A_1048 : i32 to index
        %get3A_1054 = tpu.vector_load %arg10[%get3A_1051, %get3A_1052, %get3A_1053] {strides = array<i32>} : memref<8x1x8192xf32, #tpu.memory_space<vmem>>, vector<1x1x16xf32>,
        %get3A_1055 = vector.shape_cast %get3A_1054 : vector<1x1x16xf32> to vector<16xf32>
        %exp3A_1056 = math.exp %get3A_1055 : vector<16xf32>
        %add3A_1057 = arith.addf %scan3A_1008, %exp3A_1056 : vector<16xf32>
        %eq3A_1058 = arith.cmpi eq, %scan3A_1011, %sub3A_611 : vector<16xi32>
        %select_n3A_1059 = arith.select %eq3A_1058, %get3A_1055, %select_n3A_1042 : vector<16xi1>, vector<16xf32>
        %mul3A_1060 = arith.constant 8 : i32
        %mul3A_1061 = arith.muli %scan3A_1005, %mul3A_1060 : i32
        %add3A_1062 = arith.constant 3 : i32
        %add3A_1063 = arith.addi %mul3A_1061, %add3A_1062 : i32
        %mul3A_1064 = arith.constant 16 : i32
        %mul3A_1065 = arith.muli %add3A_1063, %mul3A_1064 : i32
        %get3A_1066 = arith.constant 4 : i32
        %get3A_1067 = arith.constant 0 : i32
        %get3A_1068 = arith.index_cast %get3A_1066 : i32 to index
        %get3A_1069 = arith.index_cast %get3A_1067 : i32 to index
        %get3A_1070 = arith.index_cast %mul3A_1065 : i32 to index
        %get3A_1071 = tpu.vector_load %arg10[%get3A_1068, %get3A_1069, %get3A_1070] {strides = array<i32>} : memref<8x1x8192xf32, #tpu.memory_space<vmem>>, vector<1x1x16xf32>,
        %get3A_1072 = vector.shape_cast %get3A_1071 : vector<1x1x16xf32> to vector<16xf32>
        %exp3A_1073 = math.exp %get3A_1072 : vector<16xf32>
        %add3A_1074 = arith.addf %scan3A_1009, %exp3A_1073 : vector<16xf32>
        %eq3A_1075 = arith.cmpi eq, %scan3A_1011, %sub3A_615 : vector<16xi32>
        %select_n3A_1076 = arith.select %eq3A_1075, %get3A_1072, %select_n3A_1059 : vector<16xi1>, vector<16xf32>
        %mul3A_1077 = arith.constant 8 : i32
        %mul3A_1078 = arith.muli %scan3A_1005, %mul3A_1077 : i32
        %add3A_1079 = arith.constant 4 : i32
        %add3A_1080 = arith.addi %mul3A_1078, %add3A_1079 : i32
        %mul3A_1081 = arith.constant 16 : i32
        %mul3A_1082 = arith.muli %add3A_1080, %mul3A_1081 : i32
        %get3A_1083 = arith.constant 4 : i32
        %get3A_1084 = arith.constant 0 : i32
        %get3A_1085 = arith.index_cast %get3A_1083 : i32 to index
        %get3A_1086 = arith.index_cast %get3A_1084 : i32 to index
        %get3A_1087 = arith.index_cast %mul3A_1082 : i32 to index
        %get3A_1088 = tpu.vector_load %arg10[%get3A_1085, %get3A_1086, %get3A_1087] {strides = array<i32>} : memref<8x1x8192xf32, #tpu.memory_space<vmem>>, vector<1x1x16xf32>,
        %get3A_1089 = vector.shape_cast %get3A_1088 : vector<1x1x16xf32> to vector<16xf32>
        %exp3A_1090 = math.exp %get3A_1089 : vector<16xf32>
        %add3A_1091 = arith.addf %add3A_1025, %exp3A_1090 : vector<16xf32>
        %eq3A_1092 = arith.cmpi eq, %scan3A_1011, %sub3A_619 : vector<16xi32>
        %select_n3A_1093 = arith.select %eq3A_1092, %get3A_1089, %select_n3A_1076 : vector<16xi1>, vector<16xf32>
        %mul3A_1094 = arith.constant 8 : i32
        %mul3A_1095 = arith.muli %scan3A_1005, %mul3A_1094 : i32
        %add3A_1096 = arith.constant 5 : i32
        %add3A_1097 = arith.addi %mul3A_1095, %add3A_1096 : i32
        %mul3A_1098 = arith.constant 16 : i32
        %mul3A_1099 = arith.muli %add3A_1097, %mul3A_1098 : i32
        %get3A_1100 = arith.constant 4 : i32
        %get3A_1101 = arith.constant 0 : i32
        %get3A_1102 = arith.index_cast %get3A_1100 : i32 to index
        %get3A_1103 = arith.index_cast %get3A_1101 : i32 to index
        %get3A_1104 = arith.index_cast %mul3A_1099 : i32 to index
        %get3A_1105 = tpu.vector_load %arg10[%get3A_1102, %get3A_1103, %get3A_1104] {strides = array<i32>} : memref<8x1x8192xf32, #tpu.memory_space<vmem>>, vector<1x1x16xf32>,
        %get3A_1106 = vector.shape_cast %get3A_1105 : vector<1x1x16xf32> to vector<16xf32>
        %exp3A_1107 = math.exp %get3A_1106 : vector<16xf32>
        %add3A_1108 = arith.addf %add3A_1040, %exp3A_1107 : vector<16xf32>
        %eq3A_1109 = arith.cmpi eq, %scan3A_1011, %sub3A_623 : vector<16xi32>
        %select_n3A_1110 = arith.select %eq3A_1109, %get3A_1106, %select_n3A_1093 : vector<16xi1>, vector<16xf32>
        %mul3A_1111 = arith.constant 8 : i32
        %mul3A_1112 = arith.muli %scan3A_1005, %mul3A_1111 : i32
        %add3A_1113 = arith.constant 6 : i32
        %add3A_1114 = arith.addi %mul3A_1112, %add3A_1113 : i32
        %mul3A_1115 = arith.constant 16 : i32
        %mul3A_1116 = arith.muli %add3A_1114, %mul3A_1115 : i32
        %get3A_1117 = arith.constant 4 : i32
        %get3A_1118 = arith.constant 0 : i32
        %get3A_1119 = arith.index_cast %get3A_1117 : i32 to index
        %get3A_1120 = arith.index_cast %get3A_1118 : i32 to index
        %get3A_1121 = arith.index_cast %mul3A_1116 : i32 to index
        %get3A_1122 = tpu.vector_load %arg10[%get3A_1119, %get3A_1120, %get3A_1121] {strides = array<i32>} : memref<8x1x8192xf32, #tpu.memory_space<vmem>>, vector<1x1x16xf32>,
        %get3A_1123 = vector.shape_cast %get3A_1122 : vector<1x1x16xf32> to vector<16xf32>
        %exp3A_1124 = math.exp %get3A_1123 : vector<16xf32>
        %add3A_1125 = arith.addf %add3A_1057, %exp3A_1124 : vector<16xf32>
        %eq3A_1126 = arith.cmpi eq, %scan3A_1011, %sub3A_627 : vector<16xi32>
        %select_n3A_1127 = arith.select %eq3A_1126, %get3A_1123, %select_n3A_1110 : vector<16xi1>, vector<16xf32>
        %mul3A_1128 = arith.constant 8 : i32
        %mul3A_1129 = arith.muli %scan3A_1005, %mul3A_1128 : i32
        %add3A_1130 = arith.constant 7 : i32
        %add3A_1131 = arith.addi %mul3A_1129, %add3A_1130 : i32
        %mul3A_1132 = arith.constant 16 : i32
        %mul3A_1133 = arith.muli %add3A_1131, %mul3A_1132 : i32
        %get3A_1134 = arith.constant 4 : i32
        %get3A_1135 = arith.constant 0 : i32
        %get3A_1136 = arith.index_cast %get3A_1134 : i32 to index
        %get3A_1137 = arith.index_cast %get3A_1135 : i32 to index
        %get3A_1138 = arith.index_cast %mul3A_1133 : i32 to index
        %get3A_1139 = tpu.vector_load %arg10[%get3A_1136, %get3A_1137, %get3A_1138] {strides = array<i32>} : memref<8x1x8192xf32, #tpu.memory_space<vmem>>, vector<1x1x16xf32>,
        %get3A_1140 = vector.shape_cast %get3A_1139 : vector<1x1x16xf32> to vector<16xf32>
        %exp3A_1141 = math.exp %get3A_1140 : vector<16xf32>
        %add3A_1142 = arith.addf %add3A_1074, %exp3A_1141 : vector<16xf32>
        %eq3A_1143 = arith.cmpi eq, %scan3A_1011, %sub3A_631 : vector<16xi32>
        %select_n3A_1144 = arith.select %eq3A_1143, %get3A_1140, %select_n3A_1127 : vector<16xi1>, vector<16xf32>
        %add3A_1145 = arith.constant 128 : i32
        %add3A_1146 = vector.broadcast %add3A_1145 : i32 to vector<16xi32>
        %add3A_1147 = arith.addi %scan3A_1011, %add3A_1146 : vector<16xi32>
        scf.yield %add3A_1091, %add3A_1108, %add3A_1125, %add3A_1142, %select_n3A_1144, %add3A_1147 : vector<16xf32>, vector<16xf32>, vector<16xf32>, vector<16xf32>, vector<16xf32>, vector<16xi32>
      }
      %scan3A_641 = arith.constant 64 : i32
      %add3A_642 = arith.addf %scan3A_640#0, %scan3A_640#1 : vector<16xf32>
      %add3A_643 = arith.addf %scan3A_640#2, %scan3A_640#3 : vector<16xf32>
      %add3A_644 = arith.addf %add3A_642, %add3A_643 : vector<16xf32>
      %swap3A_645 = arith.index_cast %multiple_of3A_596 : i32 to index
      %swap3A_646 = tpu.vector_load %arg11[%swap3A_645] {strides = array<i32>} : memref<4096xf32, #tpu.memory_space<vmem>>, vector<16xf32>,
      %swap3A_647 = vector.shape_cast %swap3A_646 : vector<16xf32> to vector<16xf32>
      %swap3A_648 = vector.shape_cast %add3A_644 : vector<16xf32> to vector<16xf32>
      tpu.vector_store %arg11[%swap3A_645], %swap3A_648 {strides = array<i32>} : memref<4096xf32, #tpu.memory_space<vmem>>, vector<16xf32>,
      %swap3A_649 = arith.index_cast %multiple_of3A_596 : i32 to index
      %swap3A_650 = tpu.vector_load %arg12[%swap3A_649] {strides = array<i32>} : memref<4096xf32, #tpu.memory_space<vmem>>, vector<16xf32>,
      %swap3A_651 = vector.shape_cast %swap3A_650 : vector<16xf32> to vector<16xf32>
      %swap3A_652 = vector.shape_cast %scan3A_640#4 : vector<16xf32> to vector<16xf32>
      tpu.vector_store %arg12[%swap3A_649], %swap3A_652 {strides = array<i32>} : memref<4096xf32, #tpu.memory_space<vmem>>, vector<16xf32>,
      %mul3A_653 = arith.constant 1 : i32
      %mul3A_654 = arith.muli %add3A_558, %mul3A_653 : i32
      %add3A_655 = arith.addi %mul3A_2, %mul3A_654 : i32
      %dma_start3A_656 = arith.constant 4 : i32
      %dma_start3A_657 = arith.constant 0 : i32
      %dma_start3A_658 = arith.constant 0 : i32
      %dma_start3A_659 = tpu.memref_slice %arg10[%dma_start3A_656, %dma_start3A_657, %dma_start3A_658] : memref<8x1x8192xf32, #tpu.memory_space<vmem>> -> memref<1x1x8192xf32, #tpu.memory_space<vmem>>
      %dma_start3A_660 = tpu.memref_squeeze %dma_start3A_659 : memref<1x1x8192xf32, #tpu.memory_space<vmem>> -> memref<1x8192xf32, #tpu.memory_space<vmem>>
      %dma_start3A_661 = arith.constant 0 : i32
      %dma_start3A_662 = tpu.memref_slice %arg5[%add3A_655, %dma_start3A_661] : memref<8192x8192xf32, #tpu.memory_space<hbm>> -> memref<1x8192xf32, #tpu.memory_space<hbm>>
      %dma_start3A_663 = arith.constant 0 : i32
      %dma_start3A_664 = tpu.memref_slice %arg5[%add3A_655, %dma_start3A_663] : memref<8192x8192xf32, #tpu.memory_space<hbm>> -> memref<1x8192xf32, #tpu.memory_space<hbm>>
      %dma_start3A_665 = arith.constant 0 : i32
      %dma_start3A_666 = arith.constant 0 : i32
      %dma_start3A_667 = tpu.memref_slice %arg10[%dma_start3A_656, %dma_start3A_665, %dma_start3A_666] : memref<8x1x8192xf32, #tpu.memory_space<vmem>> -> memref<1x1x8192xf32, #tpu.memory_space<vmem>>
      %dma_start3A_668 = tpu.memref_squeeze %dma_start3A_667 : memref<1x1x8192xf32, #tpu.memory_space<vmem>> -> memref<1x8192xf32, #tpu.memory_space<vmem>>
      tpu.enqueue_dma source(%dma_start3A_668 : memref<1x8192xf32, #tpu.memory_space<vmem>>) target(%dma_start3A_664 : memref<1x8192xf32, #tpu.memory_space<hbm>>) target_semaphore(%arg25 : memref<!tpu.dma_semaphore, #tpu.memory_space<semaphore_mem>>)
      %add3A_669 = arith.constant 5 : i32
      %add3A_670 = arith.addi %add3A_117, %add3A_669 : i32
      %add3A_671 = arith.constant 4 : i32
      %add3A_672 = arith.addi %add3A_670, %add3A_671 : i32
      %sub3A_673 = arith.constant 8 : i32
      %sub3A_674 = arith.subi %add3A_672, %sub3A_673 : i32
      %ge3A_675 = arith.constant 0 : i32
      %ge3A_676 = arith.cmpi sge, %sub3A_674, %ge3A_675 : i32
      %convert_element_type3A_677 = arith.extui %ge3A_676 : i1 to i32
      %cond3A_678 = arith.constant 0 : i32
      %cond3A_679 = arith.cmpi ne, %convert_element_type3A_677, %cond3A_678 : i32
      scf.if %cond3A_679 {
        %dma_wait3A_1005 = arith.constant 1 : i32
        %dma_wait3A_1006 = arith.constant 0 : i32
        %dma_wait3A_1007 = arith.constant 0 : i32
        %dma_wait3A_1008 = tpu.memref_slice %arg10[%dma_wait3A_1005, %dma_wait3A_1006, %dma_wait3A_1007] : memref<8x1x8192xf32, #tpu.memory_space<vmem>> -> memref<1x1x8192xf32, #tpu.memory_space<vmem>>
        %dma_wait3A_1009 = tpu.memref_squeeze %dma_wait3A_1008 : memref<1x1x8192xf32, #tpu.memory_space<vmem>> -> memref<1x8192xf32, #tpu.memory_space<vmem>>
        %dma_wait3A_1010 = arith.constant 0 : i32
        %dma_wait3A_1011 = arith.constant 0 : i32
        %dma_wait3A_1012 = tpu.memref_slice %arg5[%dma_wait3A_1010, %dma_wait3A_1011] : memref<8192x8192xf32, #tpu.memory_space<hbm>> -> memref<1x8192xf32, #tpu.memory_space<hbm>>
        %dma_wait3A_1013 = arith.constant 0 : i32
        %dma_wait3A_1014 = arith.constant 0 : i32
        %dma_wait3A_1015 = tpu.memref_slice %arg5[%dma_wait3A_1013, %dma_wait3A_1014] : memref<8192x8192xf32, #tpu.memory_space<hbm>> -> memref<1x8192xf32, #tpu.memory_space<hbm>>
        %dma_wait3A_1016 = arith.constant 0 : i32
        %dma_wait3A_1017 = arith.constant 0 : i32
        %dma_wait3A_1018 = tpu.memref_slice %arg10[%dma_wait3A_1005, %dma_wait3A_1016, %dma_wait3A_1017] : memref<8x1x8192xf32, #tpu.memory_space<vmem>> -> memref<1x1x8192xf32, #tpu.memory_space<vmem>>
        %dma_wait3A_1019 = tpu.memref_squeeze %dma_wait3A_1018 : memref<1x1x8192xf32, #tpu.memory_space<vmem>> -> memref<1x8192xf32, #tpu.memory_space<vmem>>
        tpu.wait_dma2 semaphore(%arg22 : memref<!tpu.dma_semaphore, #tpu.memory_space<semaphore_mem>>) src(%dma_wait3A_1019 : memref<1x8192xf32, #tpu.memory_space<vmem>>) dst(%dma_wait3A_1015 : memref<1x8192xf32, #tpu.memory_space<hbm>>)
      } else {
      }
      %add3A_680 = arith.constant 4 : i32
      %add3A_681 = arith.addi %add3A_670, %add3A_680 : i32
      %lt3A_682 = arith.constant 256 : i32
      %lt3A_683 = arith.cmpi slt, %add3A_681, %lt3A_682 : i32
      %convert_element_type3A_684 = arith.extui %lt3A_683 : i1 to i32
      %cond3A_685 = arith.constant 0 : i32
      %cond3A_686 = arith.cmpi ne, %convert_element_type3A_684, %cond3A_685 : i32
      scf.if %cond3A_686 {
        %add3A_1005 = arith.constant 4 : i32
        %add3A_1006 = arith.addi %add3A_670, %add3A_1005 : i32
        %dma_start3A_1007 = arith.constant 1 : i32
        %dma_start3A_1008 = arith.constant 0 : i32
        %dma_start3A_1009 = arith.constant 0 : i32
        %dma_start3A_1010 = tpu.memref_slice %arg10[%dma_start3A_1007, %dma_start3A_1008, %dma_start3A_1009] : memref<8x1x8192xf32, #tpu.memory_space<vmem>> -> memref<1x1x8192xf32, #tpu.memory_space<vmem>>
        %dma_start3A_1011 = tpu.memref_squeeze %dma_start3A_1010 : memref<1x1x8192xf32, #tpu.memory_space<vmem>> -> memref<1x8192xf32, #tpu.memory_space<vmem>>
        %dma_start3A_1012 = arith.constant 0 : i32
        %dma_start3A_1013 = tpu.memref_slice %arg8[%add3A_1006, %dma_start3A_1012] : memref<256x1xi32, #tpu.memory_space<vmem>> -> memref<1x1xi32, #tpu.memory_space<vmem>>
        %dma_start3A_1014 = tpu.memref_squeeze %dma_start3A_1013 : memref<1x1xi32, #tpu.memory_space<vmem>> -> memref<1xi32, #tpu.memory_space<vmem>>
        %dma_start3A_1015 = arith.constant 0 : i32
        %dma_start3A_1016 = arith.constant 0 : i32
        %dma_start3A_1017 = tpu.memref_slice %arg4[%dma_start3A_1015, %dma_start3A_1016] : memref<8192x8192xf32, #tpu.memory_space<hbm>> -> memref<8192x8192xf32, #tpu.memory_space<hbm>>
        tpu.enqueue_indirect_dma source(%dma_start3A_1017 : memref<8192x8192xf32, #tpu.memory_space<hbm>>) target(%dma_start3A_1011 : memref<1x8192xf32, #tpu.memory_space<vmem>>) offsets(%dma_start3A_1014 : memref<1xi32, #tpu.memory_space<vmem>>) semaphore(%arg14 : memref<!tpu.dma_semaphore, #tpu.memory_space<semaphore_mem>>)
      } else {
      }
      %dma_wait3A_687 = arith.constant 5 : i32
      %dma_wait3A_688 = arith.constant 0 : i32
      %dma_wait3A_689 = arith.constant 0 : i32
      %dma_wait3A_690 = tpu.memref_slice %arg10[%dma_wait3A_687, %dma_wait3A_688, %dma_wait3A_689] : memref<8x1x8192xf32, #tpu.memory_space<vmem>> -> memref<1x1x8192xf32, #tpu.memory_space<vmem>>
      %dma_wait3A_691 = tpu.memref_squeeze %dma_wait3A_690 : memref<1x1x8192xf32, #tpu.memory_space<vmem>> -> memref<1x8192xf32, #tpu.memory_space<vmem>>
      %dma_wait3A_692 = arith.constant 0 : i32
      %dma_wait3A_693 = arith.constant 0 : i32
      %dma_wait3A_694 = tpu.memref_slice %arg4[%dma_wait3A_692, %dma_wait3A_693] : memref<8192x8192xf32, #tpu.memory_space<hbm>> -> memref<1x8192xf32, #tpu.memory_space<hbm>>
      %dma_wait3A_695 = arith.constant 0 : i32
      %dma_wait3A_696 = arith.constant 0 : i32
      %dma_wait3A_697 = tpu.memref_slice %arg10[%dma_wait3A_687, %dma_wait3A_695, %dma_wait3A_696] : memref<8x1x8192xf32, #tpu.memory_space<vmem>> -> memref<1x1x8192xf32, #tpu.memory_space<vmem>>
      %dma_wait3A_698 = tpu.memref_squeeze %dma_wait3A_697 : memref<1x1x8192xf32, #tpu.memory_space<vmem>> -> memref<1x8192xf32, #tpu.memory_space<vmem>>
      %dma_wait3A_699 = arith.constant 0 : i32
      %dma_wait3A_700 = arith.constant 0 : i32
      %dma_wait3A_701 = tpu.memref_slice %arg4[%dma_wait3A_699, %dma_wait3A_700] : memref<8192x8192xf32, #tpu.memory_space<hbm>> -> memref<1x8192xf32, #tpu.memory_space<hbm>>
      tpu.wait_dma2 semaphore(%arg18 : memref<!tpu.dma_semaphore, #tpu.memory_space<semaphore_mem>>) src(%dma_wait3A_701 : memref<1x8192xf32, #tpu.memory_space<hbm>>) dst(%dma_wait3A_698 : memref<1x8192xf32, #tpu.memory_space<vmem>>)
      %mul3A_702 = arith.constant 1 : i32
      %mul3A_703 = arith.muli %add3A_670, %mul3A_702 : i32
      %add3A_704 = arith.constant 0 : i32
      %add3A_705 = arith.addi %mul3A_703, %add3A_704 : i32
      %mul3A_706 = arith.constant 16 : i32
      %mul3A_707 = arith.muli %add3A_705, %mul3A_706 : i32
      %multiple_of3A_708 = tpu.assume_multiple %mul3A_707, 16 : i32
      %get3A_709 = arith.index_cast %multiple_of3A_708 : i32 to index
      %get3A_710 = tpu.vector_load %arg9[%get3A_709] {strides = array<i32>} : memref<4096xi32, #tpu.memory_space<vmem>>, vector<16xi32>,
      %get3A_711 = vector.shape_cast %get3A_710 : vector<16xi32> to vector<16xi32>
      %sub3A_712 = arith.subi %get3A_711, %iota3A : vector<16xi32>
      %sub3A_713 = arith.constant 0 : i32
      %sub3A_714 = vector.broadcast %sub3A_713 : i32 to vector<16xi32>
      %sub3A_715 = arith.subi %sub3A_712, %sub3A_714 : vector<16xi32>
      %sub3A_716 = arith.subi %get3A_711, %iota3A : vector<16xi32>
      %sub3A_717 = arith.constant 16 : i32
      %sub3A_718 = vector.broadcast %sub3A_717 : i32 to vector<16xi32>
      %sub3A_719 = arith.subi %sub3A_716, %sub3A_718 : vector<16xi32>
      %sub3A_720 = arith.subi %get3A_711, %iota3A : vector<16xi32>
      %sub3A_721 = arith.constant 32 : i32
      %sub3A_722 = vector.broadcast %sub3A_721 : i32 to vector<16xi32>
      %sub3A_723 = arith.subi %sub3A_720, %sub3A_722 : vector<16xi32>
      %sub3A_724 = arith.subi %get3A_711, %iota3A : vector<16xi32>
      %sub3A_725 = arith.constant 48 : i32
      %sub3A_726 = vector.broadcast %sub3A_725 : i32 to vector<16xi32>
      %sub3A_727 = arith.subi %sub3A_724, %sub3A_726 : vector<16xi32>
      %sub3A_728 = arith.subi %get3A_711, %iota3A : vector<16xi32>
      %sub3A_729 = arith.constant 64 : i32
      %sub3A_730 = vector.broadcast %sub3A_729 : i32 to vector<16xi32>
      %sub3A_731 = arith.subi %sub3A_728, %sub3A_730 : vector<16xi32>
      %sub3A_732 = arith.subi %get3A_711, %iota3A : vector<16xi32>
      %sub3A_733 = arith.constant 80 : i32
      %sub3A_734 = vector.broadcast %sub3A_733 : i32 to vector<16xi32>
      %sub3A_735 = arith.subi %sub3A_732, %sub3A_734 : vector<16xi32>
      %sub3A_736 = arith.subi %get3A_711, %iota3A : vector<16xi32>
      %sub3A_737 = arith.constant 96 : i32
      %sub3A_738 = vector.broadcast %sub3A_737 : i32 to vector<16xi32>
      %sub3A_739 = arith.subi %sub3A_736, %sub3A_738 : vector<16xi32>
      %sub3A_740 = arith.subi %get3A_711, %iota3A : vector<16xi32>
      %sub3A_741 = arith.constant 112 : i32
      %sub3A_742 = vector.broadcast %sub3A_741 : i32 to vector<16xi32>
      %sub3A_743 = arith.subi %sub3A_740, %sub3A_742 : vector<16xi32>
      %broadcast_in_dim3A_744 = arith.constant 0.000000e+00 : f32
      %broadcast_in_dim3A_745 = vector.broadcast %broadcast_in_dim3A_744 : f32 to vector<16xf32>
      %broadcast_in_dim3A_746 = arith.constant 0 : i32
      %broadcast_in_dim3A_747 = vector.broadcast %broadcast_in_dim3A_746 : i32 to vector<16xi32>
      %scan3A_748 = arith.constant 0 : i32
      %scan3A_749 = arith.constant 64 : i32
      %scan3A_750 = arith.addi %scan3A_748, %scan3A_749 : i32
      %scan3A_751 = arith.constant 1 : i32
      %scan3A_752:6 = scf.for %scan3A_1005 = %scan3A_748 to %scan3A_750 step %scan3A_751 iter_args(%scan3A_1006 = %broadcast_in_dim3A_745, %scan3A_1007 = %broadcast_in_dim3A_745, %scan3A_1008 = %broadcast_in_dim3A_745, %scan3A_1009 = %broadcast_in_dim3A_745, %scan3A_1010 = %broadcast_in_dim3A_745, %scan3A_1011 = %broadcast_in_dim3A_747) -> (vector<16xf32>, vector<16xf32>, vector<16xf32>, vector<16xf32>, vector<16xf32>, vector<16xi32>)  : i32 {
        %mul3A_1012 = arith.constant 8 : i32
        %mul3A_1013 = arith.muli %scan3A_1005, %mul3A_1012 : i32
        %add3A_1014 = arith.constant 0 : i32
        %add3A_1015 = arith.addi %mul3A_1013, %add3A_1014 : i32
        %mul3A_1016 = arith.constant 16 : i32
        %mul3A_1017 = arith.muli %add3A_1015, %mul3A_1016 : i32
        %get3A_1018 = arith.constant 5 : i32
        %get3A_1019 = arith.constant 0 : i32
        %get3A_1020 = arith.index_cast %get3A_1018 : i32 to index
        %get3A_1021 = arith.index_cast %get3A_1019 : i32 to index
        %get3A_1022 = arith.index_cast %mul3A_1017 : i32 to index
        %get3A_1023 = tpu.vector_load %arg10[%get3A_1020, %get3A_1021, %get3A_1022] {strides = array<i32>} : memref<8x1x8192xf32, #tpu.memory_space<vmem>>, vector<1x1x16xf32>,
        %get3A_1024 = vector.shape_cast %get3A_1023 : vector<1x1x16xf32> to vector<16xf32>
        %exp3A = math.exp %get3A_1024 : vector<16xf32>
        %add3A_1025 = arith.addf %scan3A_1006, %exp3A : vector<16xf32>
        %eq3A = arith.cmpi eq, %scan3A_1011, %sub3A_715 : vector<16xi32>
        %select_n3A = arith.select %eq3A, %get3A_1024, %scan3A_1010 : vector<16xi1>, vector<16xf32>
        %mul3A_1026 = arith.constant 8 : i32
        %mul3A_1027 = arith.muli %scan3A_1005, %mul3A_1026 : i32
        %add3A_1028 = arith.constant 1 : i32
        %add3A_1029 = arith.addi %mul3A_1027, %add3A_1028 : i32
        %mul3A_1030 = arith.constant 16 : i32
        %mul3A_1031 = arith.muli %add3A_1029, %mul3A_1030 : i32
        %get3A_1032 = arith.constant 5 : i32
        %get3A_1033 = arith.constant 0 : i32
        %get3A_1034 = arith.index_cast %get3A_1032 : i32 to index
        %get3A_1035 = arith.index_cast %get3A_1033 : i32 to index
        %get3A_1036 = arith.index_cast %mul3A_1031 : i32 to index
        %get3A_1037 = tpu.vector_load %arg10[%get3A_1034, %get3A_1035, %get3A_1036] {strides = array<i32>} : memref<8x1x8192xf32, #tpu.memory_space<vmem>>, vector<1x1x16xf32>,
        %get3A_1038 = vector.shape_cast %get3A_1037 : vector<1x1x16xf32> to vector<16xf32>
        %exp3A_1039 = math.exp %get3A_1038 : vector<16xf32>
        %add3A_1040 = arith.addf %scan3A_1007, %exp3A_1039 : vector<16xf32>
        %eq3A_1041 = arith.cmpi eq, %scan3A_1011, %sub3A_719 : vector<16xi32>
        %select_n3A_1042 = arith.select %eq3A_1041, %get3A_1038, %select_n3A : vector<16xi1>, vector<16xf32>
        %mul3A_1043 = arith.constant 8 : i32
        %mul3A_1044 = arith.muli %scan3A_1005, %mul3A_1043 : i32
        %add3A_1045 = arith.constant 2 : i32
        %add3A_1046 = arith.addi %mul3A_1044, %add3A_1045 : i32
        %mul3A_1047 = arith.constant 16 : i32
        %mul3A_1048 = arith.muli %add3A_1046, %mul3A_1047 : i32
        %get3A_1049 = arith.constant 5 : i32
        %get3A_1050 = arith.constant 0 : i32
        %get3A_1051 = arith.index_cast %get3A_1049 : i32 to index
        %get3A_1052 = arith.index_cast %get3A_1050 : i32 to index
        %get3A_1053 = arith.index_cast %mul3A_1048 : i32 to index
        %get3A_1054 = tpu.vector_load %arg10[%get3A_1051, %get3A_1052, %get3A_1053] {strides = array<i32>} : memref<8x1x8192xf32, #tpu.memory_space<vmem>>, vector<1x1x16xf32>,
        %get3A_1055 = vector.shape_cast %get3A_1054 : vector<1x1x16xf32> to vector<16xf32>
        %exp3A_1056 = math.exp %get3A_1055 : vector<16xf32>
        %add3A_1057 = arith.addf %scan3A_1008, %exp3A_1056 : vector<16xf32>
        %eq3A_1058 = arith.cmpi eq, %scan3A_1011, %sub3A_723 : vector<16xi32>
        %select_n3A_1059 = arith.select %eq3A_1058, %get3A_1055, %select_n3A_1042 : vector<16xi1>, vector<16xf32>
        %mul3A_1060 = arith.constant 8 : i32
        %mul3A_1061 = arith.muli %scan3A_1005, %mul3A_1060 : i32
        %add3A_1062 = arith.constant 3 : i32
        %add3A_1063 = arith.addi %mul3A_1061, %add3A_1062 : i32
        %mul3A_1064 = arith.constant 16 : i32
        %mul3A_1065 = arith.muli %add3A_1063, %mul3A_1064 : i32
        %get3A_1066 = arith.constant 5 : i32
        %get3A_1067 = arith.constant 0 : i32
        %get3A_1068 = arith.index_cast %get3A_1066 : i32 to index
        %get3A_1069 = arith.index_cast %get3A_1067 : i32 to index
        %get3A_1070 = arith.index_cast %mul3A_1065 : i32 to index
        %get3A_1071 = tpu.vector_load %arg10[%get3A_1068, %get3A_1069, %get3A_1070] {strides = array<i32>} : memref<8x1x8192xf32, #tpu.memory_space<vmem>>, vector<1x1x16xf32>,
        %get3A_1072 = vector.shape_cast %get3A_1071 : vector<1x1x16xf32> to vector<16xf32>
        %exp3A_1073 = math.exp %get3A_1072 : vector<16xf32>
        %add3A_1074 = arith.addf %scan3A_1009, %exp3A_1073 : vector<16xf32>
        %eq3A_1075 = arith.cmpi eq, %scan3A_1011, %sub3A_727 : vector<16xi32>
        %select_n3A_1076 = arith.select %eq3A_1075, %get3A_1072, %select_n3A_1059 : vector<16xi1>, vector<16xf32>
        %mul3A_1077 = arith.constant 8 : i32
        %mul3A_1078 = arith.muli %scan3A_1005, %mul3A_1077 : i32
        %add3A_1079 = arith.constant 4 : i32
        %add3A_1080 = arith.addi %mul3A_1078, %add3A_1079 : i32
        %mul3A_1081 = arith.constant 16 : i32
        %mul3A_1082 = arith.muli %add3A_1080, %mul3A_1081 : i32
        %get3A_1083 = arith.constant 5 : i32
        %get3A_1084 = arith.constant 0 : i32
        %get3A_1085 = arith.index_cast %get3A_1083 : i32 to index
        %get3A_1086 = arith.index_cast %get3A_1084 : i32 to index
        %get3A_1087 = arith.index_cast %mul3A_1082 : i32 to index
        %get3A_1088 = tpu.vector_load %arg10[%get3A_1085, %get3A_1086, %get3A_1087] {strides = array<i32>} : memref<8x1x8192xf32, #tpu.memory_space<vmem>>, vector<1x1x16xf32>,
        %get3A_1089 = vector.shape_cast %get3A_1088 : vector<1x1x16xf32> to vector<16xf32>
        %exp3A_1090 = math.exp %get3A_1089 : vector<16xf32>
        %add3A_1091 = arith.addf %add3A_1025, %exp3A_1090 : vector<16xf32>
        %eq3A_1092 = arith.cmpi eq, %scan3A_1011, %sub3A_731 : vector<16xi32>
        %select_n3A_1093 = arith.select %eq3A_1092, %get3A_1089, %select_n3A_1076 : vector<16xi1>, vector<16xf32>
        %mul3A_1094 = arith.constant 8 : i32
        %mul3A_1095 = arith.muli %scan3A_1005, %mul3A_1094 : i32
        %add3A_1096 = arith.constant 5 : i32
        %add3A_1097 = arith.addi %mul3A_1095, %add3A_1096 : i32
        %mul3A_1098 = arith.constant 16 : i32
        %mul3A_1099 = arith.muli %add3A_1097, %mul3A_1098 : i32
        %get3A_1100 = arith.constant 5 : i32
        %get3A_1101 = arith.constant 0 : i32
        %get3A_1102 = arith.index_cast %get3A_1100 : i32 to index
        %get3A_1103 = arith.index_cast %get3A_1101 : i32 to index
        %get3A_1104 = arith.index_cast %mul3A_1099 : i32 to index
        %get3A_1105 = tpu.vector_load %arg10[%get3A_1102, %get3A_1103, %get3A_1104] {strides = array<i32>} : memref<8x1x8192xf32, #tpu.memory_space<vmem>>, vector<1x1x16xf32>,
        %get3A_1106 = vector.shape_cast %get3A_1105 : vector<1x1x16xf32> to vector<16xf32>
        %exp3A_1107 = math.exp %get3A_1106 : vector<16xf32>
        %add3A_1108 = arith.addf %add3A_1040, %exp3A_1107 : vector<16xf32>
        %eq3A_1109 = arith.cmpi eq, %scan3A_1011, %sub3A_735 : vector<16xi32>
        %select_n3A_1110 = arith.select %eq3A_1109, %get3A_1106, %select_n3A_1093 : vector<16xi1>, vector<16xf32>
        %mul3A_1111 = arith.constant 8 : i32
        %mul3A_1112 = arith.muli %scan3A_1005, %mul3A_1111 : i32
        %add3A_1113 = arith.constant 6 : i32
        %add3A_1114 = arith.addi %mul3A_1112, %add3A_1113 : i32
        %mul3A_1115 = arith.constant 16 : i32
        %mul3A_1116 = arith.muli %add3A_1114, %mul3A_1115 : i32
        %get3A_1117 = arith.constant 5 : i32
        %get3A_1118 = arith.constant 0 : i32
        %get3A_1119 = arith.index_cast %get3A_1117 : i32 to index
        %get3A_1120 = arith.index_cast %get3A_1118 : i32 to index
        %get3A_1121 = arith.index_cast %mul3A_1116 : i32 to index
        %get3A_1122 = tpu.vector_load %arg10[%get3A_1119, %get3A_1120, %get3A_1121] {strides = array<i32>} : memref<8x1x8192xf32, #tpu.memory_space<vmem>>, vector<1x1x16xf32>,
        %get3A_1123 = vector.shape_cast %get3A_1122 : vector<1x1x16xf32> to vector<16xf32>
        %exp3A_1124 = math.exp %get3A_1123 : vector<16xf32>
        %add3A_1125 = arith.addf %add3A_1057, %exp3A_1124 : vector<16xf32>
        %eq3A_1126 = arith.cmpi eq, %scan3A_1011, %sub3A_739 : vector<16xi32>
        %select_n3A_1127 = arith.select %eq3A_1126, %get3A_1123, %select_n3A_1110 : vector<16xi1>, vector<16xf32>
        %mul3A_1128 = arith.constant 8 : i32
        %mul3A_1129 = arith.muli %scan3A_1005, %mul3A_1128 : i32
        %add3A_1130 = arith.constant 7 : i32
        %add3A_1131 = arith.addi %mul3A_1129, %add3A_1130 : i32
        %mul3A_1132 = arith.constant 16 : i32
        %mul3A_1133 = arith.muli %add3A_1131, %mul3A_1132 : i32
        %get3A_1134 = arith.constant 5 : i32
        %get3A_1135 = arith.constant 0 : i32
        %get3A_1136 = arith.index_cast %get3A_1134 : i32 to index
        %get3A_1137 = arith.index_cast %get3A_1135 : i32 to index
        %get3A_1138 = arith.index_cast %mul3A_1133 : i32 to index
        %get3A_1139 = tpu.vector_load %arg10[%get3A_1136, %get3A_1137, %get3A_1138] {strides = array<i32>} : memref<8x1x8192xf32, #tpu.memory_space<vmem>>, vector<1x1x16xf32>,
        %get3A_1140 = vector.shape_cast %get3A_1139 : vector<1x1x16xf32> to vector<16xf32>
        %exp3A_1141 = math.exp %get3A_1140 : vector<16xf32>
        %add3A_1142 = arith.addf %add3A_1074, %exp3A_1141 : vector<16xf32>
        %eq3A_1143 = arith.cmpi eq, %scan3A_1011, %sub3A_743 : vector<16xi32>
        %select_n3A_1144 = arith.select %eq3A_1143, %get3A_1140, %select_n3A_1127 : vector<16xi1>, vector<16xf32>
        %add3A_1145 = arith.constant 128 : i32
        %add3A_1146 = vector.broadcast %add3A_1145 : i32 to vector<16xi32>
        %add3A_1147 = arith.addi %scan3A_1011, %add3A_1146 : vector<16xi32>
        scf.yield %add3A_1091, %add3A_1108, %add3A_1125, %add3A_1142, %select_n3A_1144, %add3A_1147 : vector<16xf32>, vector<16xf32>, vector<16xf32>, vector<16xf32>, vector<16xf32>, vector<16xi32>
      }
      %scan3A_753 = arith.constant 64 : i32
      %add3A_754 = arith.addf %scan3A_752#0, %scan3A_752#1 : vector<16xf32>
      %add3A_755 = arith.addf %scan3A_752#2, %scan3A_752#3 : vector<16xf32>
      %add3A_756 = arith.addf %add3A_754, %add3A_755 : vector<16xf32>
      %swap3A_757 = arith.index_cast %multiple_of3A_708 : i32 to index
      %swap3A_758 = tpu.vector_load %arg11[%swap3A_757] {strides = array<i32>} : memref<4096xf32, #tpu.memory_space<vmem>>, vector<16xf32>,
      %swap3A_759 = vector.shape_cast %swap3A_758 : vector<16xf32> to vector<16xf32>
      %swap3A_760 = vector.shape_cast %add3A_756 : vector<16xf32> to vector<16xf32>
      tpu.vector_store %arg11[%swap3A_757], %swap3A_760 {strides = array<i32>} : memref<4096xf32, #tpu.memory_space<vmem>>, vector<16xf32>,
      %swap3A_761 = arith.index_cast %multiple_of3A_708 : i32 to index
      %swap3A_762 = tpu.vector_load %arg12[%swap3A_761] {strides = array<i32>} : memref<4096xf32, #tpu.memory_space<vmem>>, vector<16xf32>,
      %swap3A_763 = vector.shape_cast %swap3A_762 : vector<16xf32> to vector<16xf32>
      %swap3A_764 = vector.shape_cast %scan3A_752#4 : vector<16xf32> to vector<16xf32>
      tpu.vector_store %arg12[%swap3A_761], %swap3A_764 {strides = array<i32>} : memref<4096xf32, #tpu.memory_space<vmem>>, vector<16xf32>,
      %mul3A_765 = arith.constant 1 : i32
      %mul3A_766 = arith.muli %add3A_670, %mul3A_765 : i32
      %add3A_767 = arith.addi %mul3A_2, %mul3A_766 : i32
      %dma_start3A_768 = arith.constant 5 : i32
      %dma_start3A_769 = arith.constant 0 : i32
      %dma_start3A_770 = arith.constant 0 : i32
      %dma_start3A_771 = tpu.memref_slice %arg10[%dma_start3A_768, %dma_start3A_769, %dma_start3A_770] : memref<8x1x8192xf32, #tpu.memory_space<vmem>> -> memref<1x1x8192xf32, #tpu.memory_space<vmem>>
      %dma_start3A_772 = tpu.memref_squeeze %dma_start3A_771 : memref<1x1x8192xf32, #tpu.memory_space<vmem>> -> memref<1x8192xf32, #tpu.memory_space<vmem>>
      %dma_start3A_773 = arith.constant 0 : i32
      %dma_start3A_774 = tpu.memref_slice %arg5[%add3A_767, %dma_start3A_773] : memref<8192x8192xf32, #tpu.memory_space<hbm>> -> memref<1x8192xf32, #tpu.memory_space<hbm>>
      %dma_start3A_775 = arith.constant 0 : i32
      %dma_start3A_776 = tpu.memref_slice %arg5[%add3A_767, %dma_start3A_775] : memref<8192x8192xf32, #tpu.memory_space<hbm>> -> memref<1x8192xf32, #tpu.memory_space<hbm>>
      %dma_start3A_777 = arith.constant 0 : i32
      %dma_start3A_778 = arith.constant 0 : i32
      %dma_start3A_779 = tpu.memref_slice %arg10[%dma_start3A_768, %dma_start3A_777, %dma_start3A_778] : memref<8x1x8192xf32, #tpu.memory_space<vmem>> -> memref<1x1x8192xf32, #tpu.memory_space<vmem>>
      %dma_start3A_780 = tpu.memref_squeeze %dma_start3A_779 : memref<1x1x8192xf32, #tpu.memory_space<vmem>> -> memref<1x8192xf32, #tpu.memory_space<vmem>>
      tpu.enqueue_dma source(%dma_start3A_780 : memref<1x8192xf32, #tpu.memory_space<vmem>>) target(%dma_start3A_776 : memref<1x8192xf32, #tpu.memory_space<hbm>>) target_semaphore(%arg26 : memref<!tpu.dma_semaphore, #tpu.memory_space<semaphore_mem>>)
      %add3A_781 = arith.constant 6 : i32
      %add3A_782 = arith.addi %add3A_117, %add3A_781 : i32
      %add3A_783 = arith.constant 4 : i32
      %add3A_784 = arith.addi %add3A_782, %add3A_783 : i32
      %sub3A_785 = arith.constant 8 : i32
      %sub3A_786 = arith.subi %add3A_784, %sub3A_785 : i32
      %ge3A_787 = arith.constant 0 : i32
      %ge3A_788 = arith.cmpi sge, %sub3A_786, %ge3A_787 : i32
      %convert_element_type3A_789 = arith.extui %ge3A_788 : i1 to i32
      %cond3A_790 = arith.constant 0 : i32
      %cond3A_791 = arith.cmpi ne, %convert_element_type3A_789, %cond3A_790 : i32
      scf.if %cond3A_791 {
        %dma_wait3A_1005 = arith.constant 2 : i32
        %dma_wait3A_1006 = arith.constant 0 : i32
        %dma_wait3A_1007 = arith.constant 0 : i32
        %dma_wait3A_1008 = tpu.memref_slice %arg10[%dma_wait3A_1005, %dma_wait3A_1006, %dma_wait3A_1007] : memref<8x1x8192xf32, #tpu.memory_space<vmem>> -> memref<1x1x8192xf32, #tpu.memory_space<vmem>>
        %dma_wait3A_1009 = tpu.memref_squeeze %dma_wait3A_1008 : memref<1x1x8192xf32, #tpu.memory_space<vmem>> -> memref<1x8192xf32, #tpu.memory_space<vmem>>
        %dma_wait3A_1010 = arith.constant 0 : i32
        %dma_wait3A_1011 = arith.constant 0 : i32
        %dma_wait3A_1012 = tpu.memref_slice %arg5[%dma_wait3A_1010, %dma_wait3A_1011] : memref<8192x8192xf32, #tpu.memory_space<hbm>> -> memref<1x8192xf32, #tpu.memory_space<hbm>>
        %dma_wait3A_1013 = arith.constant 0 : i32
        %dma_wait3A_1014 = arith.constant 0 : i32
        %dma_wait3A_1015 = tpu.memref_slice %arg5[%dma_wait3A_1013, %dma_wait3A_1014] : memref<8192x8192xf32, #tpu.memory_space<hbm>> -> memref<1x8192xf32, #tpu.memory_space<hbm>>
        %dma_wait3A_1016 = arith.constant 0 : i32
        %dma_wait3A_1017 = arith.constant 0 : i32
        %dma_wait3A_1018 = tpu.memref_slice %arg10[%dma_wait3A_1005, %dma_wait3A_1016, %dma_wait3A_1017] : memref<8x1x8192xf32, #tpu.memory_space<vmem>> -> memref<1x1x8192xf32, #tpu.memory_space<vmem>>
        %dma_wait3A_1019 = tpu.memref_squeeze %dma_wait3A_1018 : memref<1x1x8192xf32, #tpu.memory_space<vmem>> -> memref<1x8192xf32, #tpu.memory_space<vmem>>
        tpu.wait_dma2 semaphore(%arg23 : memref<!tpu.dma_semaphore, #tpu.memory_space<semaphore_mem>>) src(%dma_wait3A_1019 : memref<1x8192xf32, #tpu.memory_space<vmem>>) dst(%dma_wait3A_1015 : memref<1x8192xf32, #tpu.memory_space<hbm>>)
      } else {
      }
      %add3A_792 = arith.constant 4 : i32
      %add3A_793 = arith.addi %add3A_782, %add3A_792 : i32
      %lt3A_794 = arith.constant 256 : i32
      %lt3A_795 = arith.cmpi slt, %add3A_793, %lt3A_794 : i32
      %convert_element_type3A_796 = arith.extui %lt3A_795 : i1 to i32
      %cond3A_797 = arith.constant 0 : i32
      %cond3A_798 = arith.cmpi ne, %convert_element_type3A_796, %cond3A_797 : i32
      scf.if %cond3A_798 {
        %add3A_1005 = arith.constant 4 : i32
        %add3A_1006 = arith.addi %add3A_782, %add3A_1005 : i32
        %dma_start3A_1007 = arith.constant 2 : i32
        %dma_start3A_1008 = arith.constant 0 : i32
        %dma_start3A_1009 = arith.constant 0 : i32
        %dma_start3A_1010 = tpu.memref_slice %arg10[%dma_start3A_1007, %dma_start3A_1008, %dma_start3A_1009] : memref<8x1x8192xf32, #tpu.memory_space<vmem>> -> memref<1x1x8192xf32, #tpu.memory_space<vmem>>
        %dma_start3A_1011 = tpu.memref_squeeze %dma_start3A_1010 : memref<1x1x8192xf32, #tpu.memory_space<vmem>> -> memref<1x8192xf32, #tpu.memory_space<vmem>>
        %dma_start3A_1012 = arith.constant 0 : i32
        %dma_start3A_1013 = tpu.memref_slice %arg8[%add3A_1006, %dma_start3A_1012] : memref<256x1xi32, #tpu.memory_space<vmem>> -> memref<1x1xi32, #tpu.memory_space<vmem>>
        %dma_start3A_1014 = tpu.memref_squeeze %dma_start3A_1013 : memref<1x1xi32, #tpu.memory_space<vmem>> -> memref<1xi32, #tpu.memory_space<vmem>>
        %dma_start3A_1015 = arith.constant 0 : i32
        %dma_start3A_1016 = arith.constant 0 : i32
        %dma_start3A_1017 = tpu.memref_slice %arg4[%dma_start3A_1015, %dma_start3A_1016] : memref<8192x8192xf32, #tpu.memory_space<hbm>> -> memref<8192x8192xf32, #tpu.memory_space<hbm>>
        tpu.enqueue_indirect_dma source(%dma_start3A_1017 : memref<8192x8192xf32, #tpu.memory_space<hbm>>) target(%dma_start3A_1011 : memref<1x8192xf32, #tpu.memory_space<vmem>>) offsets(%dma_start3A_1014 : memref<1xi32, #tpu.memory_space<vmem>>) semaphore(%arg15 : memref<!tpu.dma_semaphore, #tpu.memory_space<semaphore_mem>>)
      } else {
      }
      %dma_wait3A_799 = arith.constant 6 : i32
      %dma_wait3A_800 = arith.constant 0 : i32
      %dma_wait3A_801 = arith.constant 0 : i32
      %dma_wait3A_802 = tpu.memref_slice %arg10[%dma_wait3A_799, %dma_wait3A_800, %dma_wait3A_801] : memref<8x1x8192xf32, #tpu.memory_space<vmem>> -> memref<1x1x8192xf32, #tpu.memory_space<vmem>>
      %dma_wait3A_803 = tpu.memref_squeeze %dma_wait3A_802 : memref<1x1x8192xf32, #tpu.memory_space<vmem>> -> memref<1x8192xf32, #tpu.memory_space<vmem>>
      %dma_wait3A_804 = arith.constant 0 : i32
      %dma_wait3A_805 = arith.constant 0 : i32
      %dma_wait3A_806 = tpu.memref_slice %arg4[%dma_wait3A_804, %dma_wait3A_805] : memref<8192x8192xf32, #tpu.memory_space<hbm>> -> memref<1x8192xf32, #tpu.memory_space<hbm>>
      %dma_wait3A_807 = arith.constant 0 : i32
      %dma_wait3A_808 = arith.constant 0 : i32
      %dma_wait3A_809 = tpu.memref_slice %arg10[%dma_wait3A_799, %dma_wait3A_807, %dma_wait3A_808] : memref<8x1x8192xf32, #tpu.memory_space<vmem>> -> memref<1x1x8192xf32, #tpu.memory_space<vmem>>
      %dma_wait3A_810 = tpu.memref_squeeze %dma_wait3A_809 : memref<1x1x8192xf32, #tpu.memory_space<vmem>> -> memref<1x8192xf32, #tpu.memory_space<vmem>>
      %dma_wait3A_811 = arith.constant 0 : i32
      %dma_wait3A_812 = arith.constant 0 : i32
      %dma_wait3A_813 = tpu.memref_slice %arg4[%dma_wait3A_811, %dma_wait3A_812] : memref<8192x8192xf32, #tpu.memory_space<hbm>> -> memref<1x8192xf32, #tpu.memory_space<hbm>>
      tpu.wait_dma2 semaphore(%arg19 : memref<!tpu.dma_semaphore, #tpu.memory_space<semaphore_mem>>) src(%dma_wait3A_813 : memref<1x8192xf32, #tpu.memory_space<hbm>>) dst(%dma_wait3A_810 : memref<1x8192xf32, #tpu.memory_space<vmem>>)
      %mul3A_814 = arith.constant 1 : i32
      %mul3A_815 = arith.muli %add3A_782, %mul3A_814 : i32
      %add3A_816 = arith.constant 0 : i32
      %add3A_817 = arith.addi %mul3A_815, %add3A_816 : i32
      %mul3A_818 = arith.constant 16 : i32
      %mul3A_819 = arith.muli %add3A_817, %mul3A_818 : i32
      %multiple_of3A_820 = tpu.assume_multiple %mul3A_819, 16 : i32
      %get3A_821 = arith.index_cast %multiple_of3A_820 : i32 to index
      %get3A_822 = tpu.vector_load %arg9[%get3A_821] {strides = array<i32>} : memref<4096xi32, #tpu.memory_space<vmem>>, vector<16xi32>,
      %get3A_823 = vector.shape_cast %get3A_822 : vector<16xi32> to vector<16xi32>
      %sub3A_824 = arith.subi %get3A_823, %iota3A : vector<16xi32>
      %sub3A_825 = arith.constant 0 : i32
      %sub3A_826 = vector.broadcast %sub3A_825 : i32 to vector<16xi32>
      %sub3A_827 = arith.subi %sub3A_824, %sub3A_826 : vector<16xi32>
      %sub3A_828 = arith.subi %get3A_823, %iota3A : vector<16xi32>
      %sub3A_829 = arith.constant 16 : i32
      %sub3A_830 = vector.broadcast %sub3A_829 : i32 to vector<16xi32>
      %sub3A_831 = arith.subi %sub3A_828, %sub3A_830 : vector<16xi32>
      %sub3A_832 = arith.subi %get3A_823, %iota3A : vector<16xi32>
      %sub3A_833 = arith.constant 32 : i32
      %sub3A_834 = vector.broadcast %sub3A_833 : i32 to vector<16xi32>
      %sub3A_835 = arith.subi %sub3A_832, %sub3A_834 : vector<16xi32>
      %sub3A_836 = arith.subi %get3A_823, %iota3A : vector<16xi32>
      %sub3A_837 = arith.constant 48 : i32
      %sub3A_838 = vector.broadcast %sub3A_837 : i32 to vector<16xi32>
      %sub3A_839 = arith.subi %sub3A_836, %sub3A_838 : vector<16xi32>
      %sub3A_840 = arith.subi %get3A_823, %iota3A : vector<16xi32>
      %sub3A_841 = arith.constant 64 : i32
      %sub3A_842 = vector.broadcast %sub3A_841 : i32 to vector<16xi32>
      %sub3A_843 = arith.subi %sub3A_840, %sub3A_842 : vector<16xi32>
      %sub3A_844 = arith.subi %get3A_823, %iota3A : vector<16xi32>
      %sub3A_845 = arith.constant 80 : i32
      %sub3A_846 = vector.broadcast %sub3A_845 : i32 to vector<16xi32>
      %sub3A_847 = arith.subi %sub3A_844, %sub3A_846 : vector<16xi32>
      %sub3A_848 = arith.subi %get3A_823, %iota3A : vector<16xi32>
      %sub3A_849 = arith.constant 96 : i32
      %sub3A_850 = vector.broadcast %sub3A_849 : i32 to vector<16xi32>
      %sub3A_851 = arith.subi %sub3A_848, %sub3A_850 : vector<16xi32>
      %sub3A_852 = arith.subi %get3A_823, %iota3A : vector<16xi32>
      %sub3A_853 = arith.constant 112 : i32
      %sub3A_854 = vector.broadcast %sub3A_853 : i32 to vector<16xi32>
      %sub3A_855 = arith.subi %sub3A_852, %sub3A_854 : vector<16xi32>
      %broadcast_in_dim3A_856 = arith.constant 0.000000e+00 : f32
      %broadcast_in_dim3A_857 = vector.broadcast %broadcast_in_dim3A_856 : f32 to vector<16xf32>
      %broadcast_in_dim3A_858 = arith.constant 0 : i32
      %broadcast_in_dim3A_859 = vector.broadcast %broadcast_in_dim3A_858 : i32 to vector<16xi32>
      %scan3A_860 = arith.constant 0 : i32
      %scan3A_861 = arith.constant 64 : i32
      %scan3A_862 = arith.addi %scan3A_860, %scan3A_861 : i32
      %scan3A_863 = arith.constant 1 : i32
      %scan3A_864:6 = scf.for %scan3A_1005 = %scan3A_860 to %scan3A_862 step %scan3A_863 iter_args(%scan3A_1006 = %broadcast_in_dim3A_857, %scan3A_1007 = %broadcast_in_dim3A_857, %scan3A_1008 = %broadcast_in_dim3A_857, %scan3A_1009 = %broadcast_in_dim3A_857, %scan3A_1010 = %broadcast_in_dim3A_857, %scan3A_1011 = %broadcast_in_dim3A_859) -> (vector<16xf32>, vector<16xf32>, vector<16xf32>, vector<16xf32>, vector<16xf32>, vector<16xi32>)  : i32 {
        %mul3A_1012 = arith.constant 8 : i32
        %mul3A_1013 = arith.muli %scan3A_1005, %mul3A_1012 : i32
        %add3A_1014 = arith.constant 0 : i32
        %add3A_1015 = arith.addi %mul3A_1013, %add3A_1014 : i32
        %mul3A_1016 = arith.constant 16 : i32
        %mul3A_1017 = arith.muli %add3A_1015, %mul3A_1016 : i32
        %get3A_1018 = arith.constant 6 : i32
        %get3A_1019 = arith.constant 0 : i32
        %get3A_1020 = arith.index_cast %get3A_1018 : i32 to index
        %get3A_1021 = arith.index_cast %get3A_1019 : i32 to index
        %get3A_1022 = arith.index_cast %mul3A_1017 : i32 to index
        %get3A_1023 = tpu.vector_load %arg10[%get3A_1020, %get3A_1021, %get3A_1022] {strides = array<i32>} : memref<8x1x8192xf32, #tpu.memory_space<vmem>>, vector<1x1x16xf32>,
        %get3A_1024 = vector.shape_cast %get3A_1023 : vector<1x1x16xf32> to vector<16xf32>
        %exp3A = math.exp %get3A_1024 : vector<16xf32>
        %add3A_1025 = arith.addf %scan3A_1006, %exp3A : vector<16xf32>
        %eq3A = arith.cmpi eq, %scan3A_1011, %sub3A_827 : vector<16xi32>
        %select_n3A = arith.select %eq3A, %get3A_1024, %scan3A_1010 : vector<16xi1>, vector<16xf32>
        %mul3A_1026 = arith.constant 8 : i32
        %mul3A_1027 = arith.muli %scan3A_1005, %mul3A_1026 : i32
        %add3A_1028 = arith.constant 1 : i32
        %add3A_1029 = arith.addi %mul3A_1027, %add3A_1028 : i32
        %mul3A_1030 = arith.constant 16 : i32
        %mul3A_1031 = arith.muli %add3A_1029, %mul3A_1030 : i32
        %get3A_1032 = arith.constant 6 : i32
        %get3A_1033 = arith.constant 0 : i32
        %get3A_1034 = arith.index_cast %get3A_1032 : i32 to index
        %get3A_1035 = arith.index_cast %get3A_1033 : i32 to index
        %get3A_1036 = arith.index_cast %mul3A_1031 : i32 to index
        %get3A_1037 = tpu.vector_load %arg10[%get3A_1034, %get3A_1035, %get3A_1036] {strides = array<i32>} : memref<8x1x8192xf32, #tpu.memory_space<vmem>>, vector<1x1x16xf32>,
        %get3A_1038 = vector.shape_cast %get3A_1037 : vector<1x1x16xf32> to vector<16xf32>
        %exp3A_1039 = math.exp %get3A_1038 : vector<16xf32>
        %add3A_1040 = arith.addf %scan3A_1007, %exp3A_1039 : vector<16xf32>
        %eq3A_1041 = arith.cmpi eq, %scan3A_1011, %sub3A_831 : vector<16xi32>
        %select_n3A_1042 = arith.select %eq3A_1041, %get3A_1038, %select_n3A : vector<16xi1>, vector<16xf32>
        %mul3A_1043 = arith.constant 8 : i32
        %mul3A_1044 = arith.muli %scan3A_1005, %mul3A_1043 : i32
        %add3A_1045 = arith.constant 2 : i32
        %add3A_1046 = arith.addi %mul3A_1044, %add3A_1045 : i32
        %mul3A_1047 = arith.constant 16 : i32
        %mul3A_1048 = arith.muli %add3A_1046, %mul3A_1047 : i32
        %get3A_1049 = arith.constant 6 : i32
        %get3A_1050 = arith.constant 0 : i32
        %get3A_1051 = arith.index_cast %get3A_1049 : i32 to index
        %get3A_1052 = arith.index_cast %get3A_1050 : i32 to index
        %get3A_1053 = arith.index_cast %mul3A_1048 : i32 to index
        %get3A_1054 = tpu.vector_load %arg10[%get3A_1051, %get3A_1052, %get3A_1053] {strides = array<i32>} : memref<8x1x8192xf32, #tpu.memory_space<vmem>>, vector<1x1x16xf32>,
        %get3A_1055 = vector.shape_cast %get3A_1054 : vector<1x1x16xf32> to vector<16xf32>
        %exp3A_1056 = math.exp %get3A_1055 : vector<16xf32>
        %add3A_1057 = arith.addf %scan3A_1008, %exp3A_1056 : vector<16xf32>
        %eq3A_1058 = arith.cmpi eq, %scan3A_1011, %sub3A_835 : vector<16xi32>
        %select_n3A_1059 = arith.select %eq3A_1058, %get3A_1055, %select_n3A_1042 : vector<16xi1>, vector<16xf32>
        %mul3A_1060 = arith.constant 8 : i32
        %mul3A_1061 = arith.muli %scan3A_1005, %mul3A_1060 : i32
        %add3A_1062 = arith.constant 3 : i32
        %add3A_1063 = arith.addi %mul3A_1061, %add3A_1062 : i32
        %mul3A_1064 = arith.constant 16 : i32
        %mul3A_1065 = arith.muli %add3A_1063, %mul3A_1064 : i32
        %get3A_1066 = arith.constant 6 : i32
        %get3A_1067 = arith.constant 0 : i32
        %get3A_1068 = arith.index_cast %get3A_1066 : i32 to index
        %get3A_1069 = arith.index_cast %get3A_1067 : i32 to index
        %get3A_1070 = arith.index_cast %mul3A_1065 : i32 to index
        %get3A_1071 = tpu.vector_load %arg10[%get3A_1068, %get3A_1069, %get3A_1070] {strides = array<i32>} : memref<8x1x8192xf32, #tpu.memory_space<vmem>>, vector<1x1x16xf32>,
        %get3A_1072 = vector.shape_cast %get3A_1071 : vector<1x1x16xf32> to vector<16xf32>
        %exp3A_1073 = math.exp %get3A_1072 : vector<16xf32>
        %add3A_1074 = arith.addf %scan3A_1009, %exp3A_1073 : vector<16xf32>
        %eq3A_1075 = arith.cmpi eq, %scan3A_1011, %sub3A_839 : vector<16xi32>
        %select_n3A_1076 = arith.select %eq3A_1075, %get3A_1072, %select_n3A_1059 : vector<16xi1>, vector<16xf32>
        %mul3A_1077 = arith.constant 8 : i32
        %mul3A_1078 = arith.muli %scan3A_1005, %mul3A_1077 : i32
        %add3A_1079 = arith.constant 4 : i32
        %add3A_1080 = arith.addi %mul3A_1078, %add3A_1079 : i32
        %mul3A_1081 = arith.constant 16 : i32
        %mul3A_1082 = arith.muli %add3A_1080, %mul3A_1081 : i32
        %get3A_1083 = arith.constant 6 : i32
        %get3A_1084 = arith.constant 0 : i32
        %get3A_1085 = arith.index_cast %get3A_1083 : i32 to index
        %get3A_1086 = arith.index_cast %get3A_1084 : i32 to index
        %get3A_1087 = arith.index_cast %mul3A_1082 : i32 to index
        %get3A_1088 = tpu.vector_load %arg10[%get3A_1085, %get3A_1086, %get3A_1087] {strides = array<i32>} : memref<8x1x8192xf32, #tpu.memory_space<vmem>>, vector<1x1x16xf32>,
        %get3A_1089 = vector.shape_cast %get3A_1088 : vector<1x1x16xf32> to vector<16xf32>
        %exp3A_1090 = math.exp %get3A_1089 : vector<16xf32>
        %add3A_1091 = arith.addf %add3A_1025, %exp3A_1090 : vector<16xf32>
        %eq3A_1092 = arith.cmpi eq, %scan3A_1011, %sub3A_843 : vector<16xi32>
        %select_n3A_1093 = arith.select %eq3A_1092, %get3A_1089, %select_n3A_1076 : vector<16xi1>, vector<16xf32>
        %mul3A_1094 = arith.constant 8 : i32
        %mul3A_1095 = arith.muli %scan3A_1005, %mul3A_1094 : i32
        %add3A_1096 = arith.constant 5 : i32
        %add3A_1097 = arith.addi %mul3A_1095, %add3A_1096 : i32
        %mul3A_1098 = arith.constant 16 : i32
        %mul3A_1099 = arith.muli %add3A_1097, %mul3A_1098 : i32
        %get3A_1100 = arith.constant 6 : i32
        %get3A_1101 = arith.constant 0 : i32
        %get3A_1102 = arith.index_cast %get3A_1100 : i32 to index
        %get3A_1103 = arith.index_cast %get3A_1101 : i32 to index
        %get3A_1104 = arith.index_cast %mul3A_1099 : i32 to index
        %get3A_1105 = tpu.vector_load %arg10[%get3A_1102, %get3A_1103, %get3A_1104] {strides = array<i32>} : memref<8x1x8192xf32, #tpu.memory_space<vmem>>, vector<1x1x16xf32>,
        %get3A_1106 = vector.shape_cast %get3A_1105 : vector<1x1x16xf32> to vector<16xf32>
        %exp3A_1107 = math.exp %get3A_1106 : vector<16xf32>
        %add3A_1108 = arith.addf %add3A_1040, %exp3A_1107 : vector<16xf32>
        %eq3A_1109 = arith.cmpi eq, %scan3A_1011, %sub3A_847 : vector<16xi32>
        %select_n3A_1110 = arith.select %eq3A_1109, %get3A_1106, %select_n3A_1093 : vector<16xi1>, vector<16xf32>
        %mul3A_1111 = arith.constant 8 : i32
        %mul3A_1112 = arith.muli %scan3A_1005, %mul3A_1111 : i32
        %add3A_1113 = arith.constant 6 : i32
        %add3A_1114 = arith.addi %mul3A_1112, %add3A_1113 : i32
        %mul3A_1115 = arith.constant 16 : i32
        %mul3A_1116 = arith.muli %add3A_1114, %mul3A_1115 : i32
        %get3A_1117 = arith.constant 6 : i32
        %get3A_1118 = arith.constant 0 : i32
        %get3A_1119 = arith.index_cast %get3A_1117 : i32 to index
        %get3A_1120 = arith.index_cast %get3A_1118 : i32 to index
        %get3A_1121 = arith.index_cast %mul3A_1116 : i32 to index
        %get3A_1122 = tpu.vector_load %arg10[%get3A_1119, %get3A_1120, %get3A_1121] {strides = array<i32>} : memref<8x1x8192xf32, #tpu.memory_space<vmem>>, vector<1x1x16xf32>,
        %get3A_1123 = vector.shape_cast %get3A_1122 : vector<1x1x16xf32> to vector<16xf32>
        %exp3A_1124 = math.exp %get3A_1123 : vector<16xf32>
        %add3A_1125 = arith.addf %add3A_1057, %exp3A_1124 : vector<16xf32>
        %eq3A_1126 = arith.cmpi eq, %scan3A_1011, %sub3A_851 : vector<16xi32>
        %select_n3A_1127 = arith.select %eq3A_1126, %get3A_1123, %select_n3A_1110 : vector<16xi1>, vector<16xf32>
        %mul3A_1128 = arith.constant 8 : i32
        %mul3A_1129 = arith.muli %scan3A_1005, %mul3A_1128 : i32
        %add3A_1130 = arith.constant 7 : i32
        %add3A_1131 = arith.addi %mul3A_1129, %add3A_1130 : i32
        %mul3A_1132 = arith.constant 16 : i32
        %mul3A_1133 = arith.muli %add3A_1131, %mul3A_1132 : i32
        %get3A_1134 = arith.constant 6 : i32
        %get3A_1135 = arith.constant 0 : i32
        %get3A_1136 = arith.index_cast %get3A_1134 : i32 to index
        %get3A_1137 = arith.index_cast %get3A_1135 : i32 to index
        %get3A_1138 = arith.index_cast %mul3A_1133 : i32 to index
        %get3A_1139 = tpu.vector_load %arg10[%get3A_1136, %get3A_1137, %get3A_1138] {strides = array<i32>} : memref<8x1x8192xf32, #tpu.memory_space<vmem>>, vector<1x1x16xf32>,
        %get3A_1140 = vector.shape_cast %get3A_1139 : vector<1x1x16xf32> to vector<16xf32>
        %exp3A_1141 = math.exp %get3A_1140 : vector<16xf32>
        %add3A_1142 = arith.addf %add3A_1074, %exp3A_1141 : vector<16xf32>
        %eq3A_1143 = arith.cmpi eq, %scan3A_1011, %sub3A_855 : vector<16xi32>
        %select_n3A_1144 = arith.select %eq3A_1143, %get3A_1140, %select_n3A_1127 : vector<16xi1>, vector<16xf32>
        %add3A_1145 = arith.constant 128 : i32
        %add3A_1146 = vector.broadcast %add3A_1145 : i32 to vector<16xi32>
        %add3A_1147 = arith.addi %scan3A_1011, %add3A_1146 : vector<16xi32>
        scf.yield %add3A_1091, %add3A_1108, %add3A_1125, %add3A_1142, %select_n3A_1144, %add3A_1147 : vector<16xf32>, vector<16xf32>, vector<16xf32>, vector<16xf32>, vector<16xf32>, vector<16xi32>
      }
      %scan3A_865 = arith.constant 64 : i32
      %add3A_866 = arith.addf %scan3A_864#0, %scan3A_864#1 : vector<16xf32>
      %add3A_867 = arith.addf %scan3A_864#2, %scan3A_864#3 : vector<16xf32>
      %add3A_868 = arith.addf %add3A_866, %add3A_867 : vector<16xf32>
      %swap3A_869 = arith.index_cast %multiple_of3A_820 : i32 to index
      %swap3A_870 = tpu.vector_load %arg11[%swap3A_869] {strides = array<i32>} : memref<4096xf32, #tpu.memory_space<vmem>>, vector<16xf32>,
      %swap3A_871 = vector.shape_cast %swap3A_870 : vector<16xf32> to vector<16xf32>
      %swap3A_872 = vector.shape_cast %add3A_868 : vector<16xf32> to vector<16xf32>
      tpu.vector_store %arg11[%swap3A_869], %swap3A_872 {strides = array<i32>} : memref<4096xf32, #tpu.memory_space<vmem>>, vector<16xf32>,
      %swap3A_873 = arith.index_cast %multiple_of3A_820 : i32 to index
      %swap3A_874 = tpu.vector_load %arg12[%swap3A_873] {strides = array<i32>} : memref<4096xf32, #tpu.memory_space<vmem>>, vector<16xf32>,
      %swap3A_875 = vector.shape_cast %swap3A_874 : vector<16xf32> to vector<16xf32>
      %swap3A_876 = vector.shape_cast %scan3A_864#4 : vector<16xf32> to vector<16xf32>
      tpu.vector_store %arg12[%swap3A_873], %swap3A_876 {strides = array<i32>} : memref<4096xf32, #tpu.memory_space<vmem>>, vector<16xf32>,
      %mul3A_877 = arith.constant 1 : i32
      %mul3A_878 = arith.muli %add3A_782, %mul3A_877 : i32
      %add3A_879 = arith.addi %mul3A_2, %mul3A_878 : i32
      %dma_start3A_880 = arith.constant 6 : i32
      %dma_start3A_881 = arith.constant 0 : i32
      %dma_start3A_882 = arith.constant 0 : i32
      %dma_start3A_883 = tpu.memref_slice %arg10[%dma_start3A_880, %dma_start3A_881, %dma_start3A_882] : memref<8x1x8192xf32, #tpu.memory_space<vmem>> -> memref<1x1x8192xf32, #tpu.memory_space<vmem>>
      %dma_start3A_884 = tpu.memref_squeeze %dma_start3A_883 : memref<1x1x8192xf32, #tpu.memory_space<vmem>> -> memref<1x8192xf32, #tpu.memory_space<vmem>>
      %dma_start3A_885 = arith.constant 0 : i32
      %dma_start3A_886 = tpu.memref_slice %arg5[%add3A_879, %dma_start3A_885] : memref<8192x8192xf32, #tpu.memory_space<hbm>> -> memref<1x8192xf32, #tpu.memory_space<hbm>>
      %dma_start3A_887 = arith.constant 0 : i32
      %dma_start3A_888 = tpu.memref_slice %arg5[%add3A_879, %dma_start3A_887] : memref<8192x8192xf32, #tpu.memory_space<hbm>> -> memref<1x8192xf32, #tpu.memory_space<hbm>>
      %dma_start3A_889 = arith.constant 0 : i32
      %dma_start3A_890 = arith.constant 0 : i32
      %dma_start3A_891 = tpu.memref_slice %arg10[%dma_start3A_880, %dma_start3A_889, %dma_start3A_890] : memref<8x1x8192xf32, #tpu.memory_space<vmem>> -> memref<1x1x8192xf32, #tpu.memory_space<vmem>>
      %dma_start3A_892 = tpu.memref_squeeze %dma_start3A_891 : memref<1x1x8192xf32, #tpu.memory_space<vmem>> -> memref<1x8192xf32, #tpu.memory_space<vmem>>
      tpu.enqueue_dma source(%dma_start3A_892 : memref<1x8192xf32, #tpu.memory_space<vmem>>) target(%dma_start3A_888 : memref<1x8192xf32, #tpu.memory_space<hbm>>) target_semaphore(%arg27 : memref<!tpu.dma_semaphore, #tpu.memory_space<semaphore_mem>>)
      %add3A_893 = arith.constant 7 : i32
      %add3A_894 = arith.addi %add3A_117, %add3A_893 : i32
      %add3A_895 = arith.constant 4 : i32
      %add3A_896 = arith.addi %add3A_894, %add3A_895 : i32
      %sub3A_897 = arith.constant 8 : i32
      %sub3A_898 = arith.subi %add3A_896, %sub3A_897 : i32
      %ge3A_899 = arith.constant 0 : i32
      %ge3A_900 = arith.cmpi sge, %sub3A_898, %ge3A_899 : i32
      %convert_element_type3A_901 = arith.extui %ge3A_900 : i1 to i32
      %cond3A_902 = arith.constant 0 : i32
      %cond3A_903 = arith.cmpi ne, %convert_element_type3A_901, %cond3A_902 : i32
      scf.if %cond3A_903 {
        %dma_wait3A_1005 = arith.constant 3 : i32
        %dma_wait3A_1006 = arith.constant 0 : i32
        %dma_wait3A_1007 = arith.constant 0 : i32
        %dma_wait3A_1008 = tpu.memref_slice %arg10[%dma_wait3A_1005, %dma_wait3A_1006, %dma_wait3A_1007] : memref<8x1x8192xf32, #tpu.memory_space<vmem>> -> memref<1x1x8192xf32, #tpu.memory_space<vmem>>
        %dma_wait3A_1009 = tpu.memref_squeeze %dma_wait3A_1008 : memref<1x1x8192xf32, #tpu.memory_space<vmem>> -> memref<1x8192xf32, #tpu.memory_space<vmem>>
        %dma_wait3A_1010 = arith.constant 0 : i32
        %dma_wait3A_1011 = arith.constant 0 : i32
        %dma_wait3A_1012 = tpu.memref_slice %arg5[%dma_wait3A_1010, %dma_wait3A_1011] : memref<8192x8192xf32, #tpu.memory_space<hbm>> -> memref<1x8192xf32, #tpu.memory_space<hbm>>
        %dma_wait3A_1013 = arith.constant 0 : i32
        %dma_wait3A_1014 = arith.constant 0 : i32
        %dma_wait3A_1015 = tpu.memref_slice %arg5[%dma_wait3A_1013, %dma_wait3A_1014] : memref<8192x8192xf32, #tpu.memory_space<hbm>> -> memref<1x8192xf32, #tpu.memory_space<hbm>>
        %dma_wait3A_1016 = arith.constant 0 : i32
        %dma_wait3A_1017 = arith.constant 0 : i32
        %dma_wait3A_1018 = tpu.memref_slice %arg10[%dma_wait3A_1005, %dma_wait3A_1016, %dma_wait3A_1017] : memref<8x1x8192xf32, #tpu.memory_space<vmem>> -> memref<1x1x8192xf32, #tpu.memory_space<vmem>>
        %dma_wait3A_1019 = tpu.memref_squeeze %dma_wait3A_1018 : memref<1x1x8192xf32, #tpu.memory_space<vmem>> -> memref<1x8192xf32, #tpu.memory_space<vmem>>
        tpu.wait_dma2 semaphore(%arg24 : memref<!tpu.dma_semaphore, #tpu.memory_space<semaphore_mem>>) src(%dma_wait3A_1019 : memref<1x8192xf32, #tpu.memory_space<vmem>>) dst(%dma_wait3A_1015 : memref<1x8192xf32, #tpu.memory_space<hbm>>)
      } else {
      }
      %add3A_904 = arith.constant 4 : i32
      %add3A_905 = arith.addi %add3A_894, %add3A_904 : i32
      %lt3A_906 = arith.constant 256 : i32
      %lt3A_907 = arith.cmpi slt, %add3A_905, %lt3A_906 : i32
      %convert_element_type3A_908 = arith.extui %lt3A_907 : i1 to i32
      %cond3A_909 = arith.constant 0 : i32
      %cond3A_910 = arith.cmpi ne, %convert_element_type3A_908, %cond3A_909 : i32
      scf.if %cond3A_910 {
        %add3A_1005 = arith.constant 4 : i32
        %add3A_1006 = arith.addi %add3A_894, %add3A_1005 : i32
        %dma_start3A_1007 = arith.constant 3 : i32
        %dma_start3A_1008 = arith.constant 0 : i32
        %dma_start3A_1009 = arith.constant 0 : i32
        %dma_start3A_1010 = tpu.memref_slice %arg10[%dma_start3A_1007, %dma_start3A_1008, %dma_start3A_1009] : memref<8x1x8192xf32, #tpu.memory_space<vmem>> -> memref<1x1x8192xf32, #tpu.memory_space<vmem>>
        %dma_start3A_1011 = tpu.memref_squeeze %dma_start3A_1010 : memref<1x1x8192xf32, #tpu.memory_space<vmem>> -> memref<1x8192xf32, #tpu.memory_space<vmem>>
        %dma_start3A_1012 = arith.constant 0 : i32
        %dma_start3A_1013 = tpu.memref_slice %arg8[%add3A_1006, %dma_start3A_1012] : memref<256x1xi32, #tpu.memory_space<vmem>> -> memref<1x1xi32, #tpu.memory_space<vmem>>
        %dma_start3A_1014 = tpu.memref_squeeze %dma_start3A_1013 : memref<1x1xi32, #tpu.memory_space<vmem>> -> memref<1xi32, #tpu.memory_space<vmem>>
        %dma_start3A_1015 = arith.constant 0 : i32
        %dma_start3A_1016 = arith.constant 0 : i32
        %dma_start3A_1017 = tpu.memref_slice %arg4[%dma_start3A_1015, %dma_start3A_1016] : memref<8192x8192xf32, #tpu.memory_space<hbm>> -> memref<8192x8192xf32, #tpu.memory_space<hbm>>
        tpu.enqueue_indirect_dma source(%dma_start3A_1017 : memref<8192x8192xf32, #tpu.memory_space<hbm>>) target(%dma_start3A_1011 : memref<1x8192xf32, #tpu.memory_space<vmem>>) offsets(%dma_start3A_1014 : memref<1xi32, #tpu.memory_space<vmem>>) semaphore(%arg16 : memref<!tpu.dma_semaphore, #tpu.memory_space<semaphore_mem>>)
      } else {
      }
      %dma_wait3A_911 = arith.constant 7 : i32
      %dma_wait3A_912 = arith.constant 0 : i32
      %dma_wait3A_913 = arith.constant 0 : i32
      %dma_wait3A_914 = tpu.memref_slice %arg10[%dma_wait3A_911, %dma_wait3A_912, %dma_wait3A_913] : memref<8x1x8192xf32, #tpu.memory_space<vmem>> -> memref<1x1x8192xf32, #tpu.memory_space<vmem>>
      %dma_wait3A_915 = tpu.memref_squeeze %dma_wait3A_914 : memref<1x1x8192xf32, #tpu.memory_space<vmem>> -> memref<1x8192xf32, #tpu.memory_space<vmem>>
      %dma_wait3A_916 = arith.constant 0 : i32
      %dma_wait3A_917 = arith.constant 0 : i32
      %dma_wait3A_918 = tpu.memref_slice %arg4[%dma_wait3A_916, %dma_wait3A_917] : memref<8192x8192xf32, #tpu.memory_space<hbm>> -> memref<1x8192xf32, #tpu.memory_space<hbm>>
      %dma_wait3A_919 = arith.constant 0 : i32
      %dma_wait3A_920 = arith.constant 0 : i32
      %dma_wait3A_921 = tpu.memref_slice %arg10[%dma_wait3A_911, %dma_wait3A_919, %dma_wait3A_920] : memref<8x1x8192xf32, #tpu.memory_space<vmem>> -> memref<1x1x8192xf32, #tpu.memory_space<vmem>>
      %dma_wait3A_922 = tpu.memref_squeeze %dma_wait3A_921 : memref<1x1x8192xf32, #tpu.memory_space<vmem>> -> memref<1x8192xf32, #tpu.memory_space<vmem>>
      %dma_wait3A_923 = arith.constant 0 : i32
      %dma_wait3A_924 = arith.constant 0 : i32
      %dma_wait3A_925 = tpu.memref_slice %arg4[%dma_wait3A_923, %dma_wait3A_924] : memref<8192x8192xf32, #tpu.memory_space<hbm>> -> memref<1x8192xf32, #tpu.memory_space<hbm>>
      tpu.wait_dma2 semaphore(%arg20 : memref<!tpu.dma_semaphore, #tpu.memory_space<semaphore_mem>>) src(%dma_wait3A_925 : memref<1x8192xf32, #tpu.memory_space<hbm>>) dst(%dma_wait3A_922 : memref<1x8192xf32, #tpu.memory_space<vmem>>)
      %mul3A_926 = arith.constant 1 : i32
      %mul3A_927 = arith.muli %add3A_894, %mul3A_926 : i32
      %add3A_928 = arith.constant 0 : i32
      %add3A_929 = arith.addi %mul3A_927, %add3A_928 : i32
      %mul3A_930 = arith.constant 16 : i32
      %mul3A_931 = arith.muli %add3A_929, %mul3A_930 : i32
      %multiple_of3A_932 = tpu.assume_multiple %mul3A_931, 16 : i32
      %get3A_933 = arith.index_cast %multiple_of3A_932 : i32 to index
      %get3A_934 = tpu.vector_load %arg9[%get3A_933] {strides = array<i32>} : memref<4096xi32, #tpu.memory_space<vmem>>, vector<16xi32>,
      %get3A_935 = vector.shape_cast %get3A_934 : vector<16xi32> to vector<16xi32>
      %sub3A_936 = arith.subi %get3A_935, %iota3A : vector<16xi32>
      %sub3A_937 = arith.constant 0 : i32
      %sub3A_938 = vector.broadcast %sub3A_937 : i32 to vector<16xi32>
      %sub3A_939 = arith.subi %sub3A_936, %sub3A_938 : vector<16xi32>
      %sub3A_940 = arith.subi %get3A_935, %iota3A : vector<16xi32>
      %sub3A_941 = arith.constant 16 : i32
      %sub3A_942 = vector.broadcast %sub3A_941 : i32 to vector<16xi32>
      %sub3A_943 = arith.subi %sub3A_940, %sub3A_942 : vector<16xi32>
      %sub3A_944 = arith.subi %get3A_935, %iota3A : vector<16xi32>
      %sub3A_945 = arith.constant 32 : i32
      %sub3A_946 = vector.broadcast %sub3A_945 : i32 to vector<16xi32>
      %sub3A_947 = arith.subi %sub3A_944, %sub3A_946 : vector<16xi32>
      %sub3A_948 = arith.subi %get3A_935, %iota3A : vector<16xi32>
      %sub3A_949 = arith.constant 48 : i32
      %sub3A_950 = vector.broadcast %sub3A_949 : i32 to vector<16xi32>
      %sub3A_951 = arith.subi %sub3A_948, %sub3A_950 : vector<16xi32>
      %sub3A_952 = arith.subi %get3A_935, %iota3A : vector<16xi32>
      %sub3A_953 = arith.constant 64 : i32
      %sub3A_954 = vector.broadcast %sub3A_953 : i32 to vector<16xi32>
      %sub3A_955 = arith.subi %sub3A_952, %sub3A_954 : vector<16xi32>
      %sub3A_956 = arith.subi %get3A_935, %iota3A : vector<16xi32>
      %sub3A_957 = arith.constant 80 : i32
      %sub3A_958 = vector.broadcast %sub3A_957 : i32 to vector<16xi32>
      %sub3A_959 = arith.subi %sub3A_956, %sub3A_958 : vector<16xi32>
      %sub3A_960 = arith.subi %get3A_935, %iota3A : vector<16xi32>
      %sub3A_961 = arith.constant 96 : i32
      %sub3A_962 = vector.broadcast %sub3A_961 : i32 to vector<16xi32>
      %sub3A_963 = arith.subi %sub3A_960, %sub3A_962 : vector<16xi32>
      %sub3A_964 = arith.subi %get3A_935, %iota3A : vector<16xi32>
      %sub3A_965 = arith.constant 112 : i32
      %sub3A_966 = vector.broadcast %sub3A_965 : i32 to vector<16xi32>
      %sub3A_967 = arith.subi %sub3A_964, %sub3A_966 : vector<16xi32>
      %broadcast_in_dim3A_968 = arith.constant 0.000000e+00 : f32
      %broadcast_in_dim3A_969 = vector.broadcast %broadcast_in_dim3A_968 : f32 to vector<16xf32>
      %broadcast_in_dim3A_970 = arith.constant 0 : i32
      %broadcast_in_dim3A_971 = vector.broadcast %broadcast_in_dim3A_970 : i32 to vector<16xi32>
      %scan3A_972 = arith.constant 0 : i32
      %scan3A_973 = arith.constant 64 : i32
      %scan3A_974 = arith.addi %scan3A_972, %scan3A_973 : i32
      %scan3A_975 = arith.constant 1 : i32
      %scan3A_976:6 = scf.for %scan3A_1005 = %scan3A_972 to %scan3A_974 step %scan3A_975 iter_args(%scan3A_1006 = %broadcast_in_dim3A_969, %scan3A_1007 = %broadcast_in_dim3A_969, %scan3A_1008 = %broadcast_in_dim3A_969, %scan3A_1009 = %broadcast_in_dim3A_969, %scan3A_1010 = %broadcast_in_dim3A_969, %scan3A_1011 = %broadcast_in_dim3A_971) -> (vector<16xf32>, vector<16xf32>, vector<16xf32>, vector<16xf32>, vector<16xf32>, vector<16xi32>)  : i32 {
        %mul3A_1012 = arith.constant 8 : i32
        %mul3A_1013 = arith.muli %scan3A_1005, %mul3A_1012 : i32
        %add3A_1014 = arith.constant 0 : i32
        %add3A_1015 = arith.addi %mul3A_1013, %add3A_1014 : i32
        %mul3A_1016 = arith.constant 16 : i32
        %mul3A_1017 = arith.muli %add3A_1015, %mul3A_1016 : i32
        %get3A_1018 = arith.constant 7 : i32
        %get3A_1019 = arith.constant 0 : i32
        %get3A_1020 = arith.index_cast %get3A_1018 : i32 to index
        %get3A_1021 = arith.index_cast %get3A_1019 : i32 to index
        %get3A_1022 = arith.index_cast %mul3A_1017 : i32 to index
        %get3A_1023 = tpu.vector_load %arg10[%get3A_1020, %get3A_1021, %get3A_1022] {strides = array<i32>} : memref<8x1x8192xf32, #tpu.memory_space<vmem>>, vector<1x1x16xf32>,
        %get3A_1024 = vector.shape_cast %get3A_1023 : vector<1x1x16xf32> to vector<16xf32>
        %exp3A = math.exp %get3A_1024 : vector<16xf32>
        %add3A_1025 = arith.addf %scan3A_1006, %exp3A : vector<16xf32>
        %eq3A = arith.cmpi eq, %scan3A_1011, %sub3A_939 : vector<16xi32>
        %select_n3A = arith.select %eq3A, %get3A_1024, %scan3A_1010 : vector<16xi1>, vector<16xf32>
        %mul3A_1026 = arith.constant 8 : i32
        %mul3A_1027 = arith.muli %scan3A_1005, %mul3A_1026 : i32
        %add3A_1028 = arith.constant 1 : i32
        %add3A_1029 = arith.addi %mul3A_1027, %add3A_1028 : i32
        %mul3A_1030 = arith.constant 16 : i32
        %mul3A_1031 = arith.muli %add3A_1029, %mul3A_1030 : i32
        %get3A_1032 = arith.constant 7 : i32
        %get3A_1033 = arith.constant 0 : i32
        %get3A_1034 = arith.index_cast %get3A_1032 : i32 to index
        %get3A_1035 = arith.index_cast %get3A_1033 : i32 to index
        %get3A_1036 = arith.index_cast %mul3A_1031 : i32 to index
        %get3A_1037 = tpu.vector_load %arg10[%get3A_1034, %get3A_1035, %get3A_1036] {strides = array<i32>} : memref<8x1x8192xf32, #tpu.memory_space<vmem>>, vector<1x1x16xf32>,
        %get3A_1038 = vector.shape_cast %get3A_1037 : vector<1x1x16xf32> to vector<16xf32>
        %exp3A_1039 = math.exp %get3A_1038 : vector<16xf32>
        %add3A_1040 = arith.addf %scan3A_1007, %exp3A_1039 : vector<16xf32>
        %eq3A_1041 = arith.cmpi eq, %scan3A_1011, %sub3A_943 : vector<16xi32>
        %select_n3A_1042 = arith.select %eq3A_1041, %get3A_1038, %select_n3A : vector<16xi1>, vector<16xf32>
        %mul3A_1043 = arith.constant 8 : i32
        %mul3A_1044 = arith.muli %scan3A_1005, %mul3A_1043 : i32
        %add3A_1045 = arith.constant 2 : i32
        %add3A_1046 = arith.addi %mul3A_1044, %add3A_1045 : i32
        %mul3A_1047 = arith.constant 16 : i32
        %mul3A_1048 = arith.muli %add3A_1046, %mul3A_1047 : i32
        %get3A_1049 = arith.constant 7 : i32
        %get3A_1050 = arith.constant 0 : i32
        %get3A_1051 = arith.index_cast %get3A_1049 : i32 to index
        %get3A_1052 = arith.index_cast %get3A_1050 : i32 to index
        %get3A_1053 = arith.index_cast %mul3A_1048 : i32 to index
        %get3A_1054 = tpu.vector_load %arg10[%get3A_1051, %get3A_1052, %get3A_1053] {strides = array<i32>} : memref<8x1x8192xf32, #tpu.memory_space<vmem>>, vector<1x1x16xf32>,
        %get3A_1055 = vector.shape_cast %get3A_1054 : vector<1x1x16xf32> to vector<16xf32>
        %exp3A_1056 = math.exp %get3A_1055 : vector<16xf32>
        %add3A_1057 = arith.addf %scan3A_1008, %exp3A_1056 : vector<16xf32>
        %eq3A_1058 = arith.cmpi eq, %scan3A_1011, %sub3A_947 : vector<16xi32>
        %select_n3A_1059 = arith.select %eq3A_1058, %get3A_1055, %select_n3A_1042 : vector<16xi1>, vector<16xf32>
        %mul3A_1060 = arith.constant 8 : i32
        %mul3A_1061 = arith.muli %scan3A_1005, %mul3A_1060 : i32
        %add3A_1062 = arith.constant 3 : i32
        %add3A_1063 = arith.addi %mul3A_1061, %add3A_1062 : i32
        %mul3A_1064 = arith.constant 16 : i32
        %mul3A_1065 = arith.muli %add3A_1063, %mul3A_1064 : i32
        %get3A_1066 = arith.constant 7 : i32
        %get3A_1067 = arith.constant 0 : i32
        %get3A_1068 = arith.index_cast %get3A_1066 : i32 to index
        %get3A_1069 = arith.index_cast %get3A_1067 : i32 to index
        %get3A_1070 = arith.index_cast %mul3A_1065 : i32 to index
        %get3A_1071 = tpu.vector_load %arg10[%get3A_1068, %get3A_1069, %get3A_1070] {strides = array<i32>} : memref<8x1x8192xf32, #tpu.memory_space<vmem>>, vector<1x1x16xf32>,
        %get3A_1072 = vector.shape_cast %get3A_1071 : vector<1x1x16xf32> to vector<16xf32>
        %exp3A_1073 = math.exp %get3A_1072 : vector<16xf32>
        %add3A_1074 = arith.addf %scan3A_1009, %exp3A_1073 : vector<16xf32>
        %eq3A_1075 = arith.cmpi eq, %scan3A_1011, %sub3A_951 : vector<16xi32>
        %select_n3A_1076 = arith.select %eq3A_1075, %get3A_1072, %select_n3A_1059 : vector<16xi1>, vector<16xf32>
        %mul3A_1077 = arith.constant 8 : i32
        %mul3A_1078 = arith.muli %scan3A_1005, %mul3A_1077 : i32
        %add3A_1079 = arith.constant 4 : i32
        %add3A_1080 = arith.addi %mul3A_1078, %add3A_1079 : i32
        %mul3A_1081 = arith.constant 16 : i32
        %mul3A_1082 = arith.muli %add3A_1080, %mul3A_1081 : i32
        %get3A_1083 = arith.constant 7 : i32
        %get3A_1084 = arith.constant 0 : i32
        %get3A_1085 = arith.index_cast %get3A_1083 : i32 to index
        %get3A_1086 = arith.index_cast %get3A_1084 : i32 to index
        %get3A_1087 = arith.index_cast %mul3A_1082 : i32 to index
        %get3A_1088 = tpu.vector_load %arg10[%get3A_1085, %get3A_1086, %get3A_1087] {strides = array<i32>} : memref<8x1x8192xf32, #tpu.memory_space<vmem>>, vector<1x1x16xf32>,
        %get3A_1089 = vector.shape_cast %get3A_1088 : vector<1x1x16xf32> to vector<16xf32>
        %exp3A_1090 = math.exp %get3A_1089 : vector<16xf32>
        %add3A_1091 = arith.addf %add3A_1025, %exp3A_1090 : vector<16xf32>
        %eq3A_1092 = arith.cmpi eq, %scan3A_1011, %sub3A_955 : vector<16xi32>
        %select_n3A_1093 = arith.select %eq3A_1092, %get3A_1089, %select_n3A_1076 : vector<16xi1>, vector<16xf32>
        %mul3A_1094 = arith.constant 8 : i32
        %mul3A_1095 = arith.muli %scan3A_1005, %mul3A_1094 : i32
        %add3A_1096 = arith.constant 5 : i32
        %add3A_1097 = arith.addi %mul3A_1095, %add3A_1096 : i32
        %mul3A_1098 = arith.constant 16 : i32
        %mul3A_1099 = arith.muli %add3A_1097, %mul3A_1098 : i32
        %get3A_1100 = arith.constant 7 : i32
        %get3A_1101 = arith.constant 0 : i32
        %get3A_1102 = arith.index_cast %get3A_1100 : i32 to index
        %get3A_1103 = arith.index_cast %get3A_1101 : i32 to index
        %get3A_1104 = arith.index_cast %mul3A_1099 : i32 to index
        %get3A_1105 = tpu.vector_load %arg10[%get3A_1102, %get3A_1103, %get3A_1104] {strides = array<i32>} : memref<8x1x8192xf32, #tpu.memory_space<vmem>>, vector<1x1x16xf32>,
        %get3A_1106 = vector.shape_cast %get3A_1105 : vector<1x1x16xf32> to vector<16xf32>
        %exp3A_1107 = math.exp %get3A_1106 : vector<16xf32>
        %add3A_1108 = arith.addf %add3A_1040, %exp3A_1107 : vector<16xf32>
        %eq3A_1109 = arith.cmpi eq, %scan3A_1011, %sub3A_959 : vector<16xi32>
        %select_n3A_1110 = arith.select %eq3A_1109, %get3A_1106, %select_n3A_1093 : vector<16xi1>, vector<16xf32>
        %mul3A_1111 = arith.constant 8 : i32
        %mul3A_1112 = arith.muli %scan3A_1005, %mul3A_1111 : i32
        %add3A_1113 = arith.constant 6 : i32
        %add3A_1114 = arith.addi %mul3A_1112, %add3A_1113 : i32
        %mul3A_1115 = arith.constant 16 : i32
        %mul3A_1116 = arith.muli %add3A_1114, %mul3A_1115 : i32
        %get3A_1117 = arith.constant 7 : i32
        %get3A_1118 = arith.constant 0 : i32
        %get3A_1119 = arith.index_cast %get3A_1117 : i32 to index
        %get3A_1120 = arith.index_cast %get3A_1118 : i32 to index
        %get3A_1121 = arith.index_cast %mul3A_1116 : i32 to index
        %get3A_1122 = tpu.vector_load %arg10[%get3A_1119, %get3A_1120, %get3A_1121] {strides = array<i32>} : memref<8x1x8192xf32, #tpu.memory_space<vmem>>, vector<1x1x16xf32>,
        %get3A_1123 = vector.shape_cast %get3A_1122 : vector<1x1x16xf32> to vector<16xf32>
        %exp3A_1124 = math.exp %get3A_1123 : vector<16xf32>
        %add3A_1125 = arith.addf %add3A_1057, %exp3A_1124 : vector<16xf32>
        %eq3A_1126 = arith.cmpi eq, %scan3A_1011, %sub3A_963 : vector<16xi32>
        %select_n3A_1127 = arith.select %eq3A_1126, %get3A_1123, %select_n3A_1110 : vector<16xi1>, vector<16xf32>
        %mul3A_1128 = arith.constant 8 : i32
        %mul3A_1129 = arith.muli %scan3A_1005, %mul3A_1128 : i32
        %add3A_1130 = arith.constant 7 : i32
        %add3A_1131 = arith.addi %mul3A_1129, %add3A_1130 : i32
        %mul3A_1132 = arith.constant 16 : i32
        %mul3A_1133 = arith.muli %add3A_1131, %mul3A_1132 : i32
        %get3A_1134 = arith.constant 7 : i32
        %get3A_1135 = arith.constant 0 : i32
        %get3A_1136 = arith.index_cast %get3A_1134 : i32 to index
        %get3A_1137 = arith.index_cast %get3A_1135 : i32 to index
        %get3A_1138 = arith.index_cast %mul3A_1133 : i32 to index
        %get3A_1139 = tpu.vector_load %arg10[%get3A_1136, %get3A_1137, %get3A_1138] {strides = array<i32>} : memref<8x1x8192xf32, #tpu.memory_space<vmem>>, vector<1x1x16xf32>,
        %get3A_1140 = vector.shape_cast %get3A_1139 : vector<1x1x16xf32> to vector<16xf32>
        %exp3A_1141 = math.exp %get3A_1140 : vector<16xf32>
        %add3A_1142 = arith.addf %add3A_1074, %exp3A_1141 : vector<16xf32>
        %eq3A_1143 = arith.cmpi eq, %scan3A_1011, %sub3A_967 : vector<16xi32>
        %select_n3A_1144 = arith.select %eq3A_1143, %get3A_1140, %select_n3A_1127 : vector<16xi1>, vector<16xf32>
        %add3A_1145 = arith.constant 128 : i32
        %add3A_1146 = vector.broadcast %add3A_1145 : i32 to vector<16xi32>
        %add3A_1147 = arith.addi %scan3A_1011, %add3A_1146 : vector<16xi32>
        scf.yield %add3A_1091, %add3A_1108, %add3A_1125, %add3A_1142, %select_n3A_1144, %add3A_1147 : vector<16xf32>, vector<16xf32>, vector<16xf32>, vector<16xf32>, vector<16xf32>, vector<16xi32>
      }
      %scan3A_977 = arith.constant 64 : i32
      %add3A_978 = arith.addf %scan3A_976#0, %scan3A_976#1 : vector<16xf32>
      %add3A_979 = arith.addf %scan3A_976#2, %scan3A_976#3 : vector<16xf32>
      %add3A_980 = arith.addf %add3A_978, %add3A_979 : vector<16xf32>
      %swap3A_981 = arith.index_cast %multiple_of3A_932 : i32 to index
      %swap3A_982 = tpu.vector_load %arg11[%swap3A_981] {strides = array<i32>} : memref<4096xf32, #tpu.memory_space<vmem>>, vector<16xf32>,
      %swap3A_983 = vector.shape_cast %swap3A_982 : vector<16xf32> to vector<16xf32>
      %swap3A_984 = vector.shape_cast %add3A_980 : vector<16xf32> to vector<16xf32>
      tpu.vector_store %arg11[%swap3A_981], %swap3A_984 {strides = array<i32>} : memref<4096xf32, #tpu.memory_space<vmem>>, vector<16xf32>,
      %swap3A_985 = arith.index_cast %multiple_of3A_932 : i32 to index
      %swap3A_986 = tpu.vector_load %arg12[%swap3A_985] {strides = array<i32>} : memref<4096xf32, #tpu.memory_space<vmem>>, vector<16xf32>,
      %swap3A_987 = vector.shape_cast %swap3A_986 : vector<16xf32> to vector<16xf32>
      %swap3A_988 = vector.shape_cast %scan3A_976#4 : vector<16xf32> to vector<16xf32>
      tpu.vector_store %arg12[%swap3A_985], %swap3A_988 {strides = array<i32>} : memref<4096xf32, #tpu.memory_space<vmem>>, vector<16xf32>,
      %mul3A_989 = arith.constant 1 : i32
      %mul3A_990 = arith.muli %add3A_894, %mul3A_989 : i32
      %add3A_991 = arith.addi %mul3A_2, %mul3A_990 : i32
      %dma_start3A_992 = arith.constant 7 : i32
      %dma_start3A_993 = arith.constant 0 : i32
      %dma_start3A_994 = arith.constant 0 : i32
      %dma_start3A_995 = tpu.memref_slice %arg10[%dma_start3A_992, %dma_start3A_993, %dma_start3A_994] : memref<8x1x8192xf32, #tpu.memory_space<vmem>> -> memref<1x1x8192xf32, #tpu.memory_space<vmem>>
      %dma_start3A_996 = tpu.memref_squeeze %dma_start3A_995 : memref<1x1x8192xf32, #tpu.memory_space<vmem>> -> memref<1x8192xf32, #tpu.memory_space<vmem>>
      %dma_start3A_997 = arith.constant 0 : i32
      %dma_start3A_998 = tpu.memref_slice %arg5[%add3A_991, %dma_start3A_997] : memref<8192x8192xf32, #tpu.memory_space<hbm>> -> memref<1x8192xf32, #tpu.memory_space<hbm>>
      %dma_start3A_999 = arith.constant 0 : i32
      %dma_start3A_1000 = tpu.memref_slice %arg5[%add3A_991, %dma_start3A_999] : memref<8192x8192xf32, #tpu.memory_space<hbm>> -> memref<1x8192xf32, #tpu.memory_space<hbm>>
      %dma_start3A_1001 = arith.constant 0 : i32
      %dma_start3A_1002 = arith.constant 0 : i32
      %dma_start3A_1003 = tpu.memref_slice %arg10[%dma_start3A_992, %dma_start3A_1001, %dma_start3A_1002] : memref<8x1x8192xf32, #tpu.memory_space<vmem>> -> memref<1x1x8192xf32, #tpu.memory_space<vmem>>
      %dma_start3A_1004 = tpu.memref_squeeze %dma_start3A_1003 : memref<1x1x8192xf32, #tpu.memory_space<vmem>> -> memref<1x8192xf32, #tpu.memory_space<vmem>>
      tpu.enqueue_dma source(%dma_start3A_1004 : memref<1x8192xf32, #tpu.memory_space<vmem>>) target(%dma_start3A_1000 : memref<1x8192xf32, #tpu.memory_space<hbm>>) target_semaphore(%arg28 : memref<!tpu.dma_semaphore, #tpu.memory_space<semaphore_mem>>)
    }
    %scan3A_53 = arith.constant 32 : i32
    %dma_wait3A = arith.constant 4 : i32
    %dma_wait3A_54 = arith.constant 0 : i32
    %dma_wait3A_55 = arith.constant 0 : i32
    %dma_wait3A_56 = tpu.memref_slice %arg10[%dma_wait3A, %dma_wait3A_54, %dma_wait3A_55] : memref<8x1x8192xf32, #tpu.memory_space<vmem>> -> memref<1x1x8192xf32, #tpu.memory_space<vmem>>
    %dma_wait3A_57 = tpu.memref_squeeze %dma_wait3A_56 : memref<1x1x8192xf32, #tpu.memory_space<vmem>> -> memref<1x8192xf32, #tpu.memory_space<vmem>>
    %dma_wait3A_58 = arith.constant 0 : i32
    %dma_wait3A_59 = arith.constant 0 : i32
    %dma_wait3A_60 = tpu.memref_slice %arg5[%dma_wait3A_58, %dma_wait3A_59] : memref<8192x8192xf32, #tpu.memory_space<hbm>> -> memref<1x8192xf32, #tpu.memory_space<hbm>>
    %dma_wait3A_61 = arith.constant 0 : i32
    %dma_wait3A_62 = arith.constant 0 : i32
    %dma_wait3A_63 = tpu.memref_slice %arg5[%dma_wait3A_61, %dma_wait3A_62] : memref<8192x8192xf32, #tpu.memory_space<hbm>> -> memref<1x8192xf32, #tpu.memory_space<hbm>>
    %dma_wait3A_64 = arith.constant 0 : i32
    %dma_wait3A_65 = arith.constant 0 : i32
    %dma_wait3A_66 = tpu.memref_slice %arg10[%dma_wait3A, %dma_wait3A_64, %dma_wait3A_65] : memref<8x1x8192xf32, #tpu.memory_space<vmem>> -> memref<1x1x8192xf32, #tpu.memory_space<vmem>>
    %dma_wait3A_67 = tpu.memref_squeeze %dma_wait3A_66 : memref<1x1x8192xf32, #tpu.memory_space<vmem>> -> memref<1x8192xf32, #tpu.memory_space<vmem>>
    tpu.wait_dma2 semaphore(%arg25 : memref<!tpu.dma_semaphore, #tpu.memory_space<semaphore_mem>>) src(%dma_wait3A_67 : memref<1x8192xf32, #tpu.memory_space<vmem>>) dst(%dma_wait3A_63 : memref<1x8192xf32, #tpu.memory_space<hbm>>)
    %dma_wait3A_68 = arith.constant 5 : i32
    %dma_wait3A_69 = arith.constant 0 : i32
    %dma_wait3A_70 = arith.constant 0 : i32
    %dma_wait3A_71 = tpu.memref_slice %arg10[%dma_wait3A_68, %dma_wait3A_69, %dma_wait3A_70] : memref<8x1x8192xf32, #tpu.memory_space<vmem>> -> memref<1x1x8192xf32, #tpu.memory_space<vmem>>
    %dma_wait3A_72 = tpu.memref_squeeze %dma_wait3A_71 : memref<1x1x8192xf32, #tpu.memory_space<vmem>> -> memref<1x8192xf32, #tpu.memory_space<vmem>>
    %dma_wait3A_73 = arith.constant 0 : i32
    %dma_wait3A_74 = arith.constant 0 : i32
    %dma_wait3A_75 = tpu.memref_slice %arg5[%dma_wait3A_73, %dma_wait3A_74] : memref<8192x8192xf32, #tpu.memory_space<hbm>> -> memref<1x8192xf32, #tpu.memory_space<hbm>>
    %dma_wait3A_76 = arith.constant 0 : i32
    %dma_wait3A_77 = arith.constant 0 : i32
    %dma_wait3A_78 = tpu.memref_slice %arg5[%dma_wait3A_76, %dma_wait3A_77] : memref<8192x8192xf32, #tpu.memory_space<hbm>> -> memref<1x8192xf32, #tpu.memory_space<hbm>>
    %dma_wait3A_79 = arith.constant 0 : i32
    %dma_wait3A_80 = arith.constant 0 : i32
    %dma_wait3A_81 = tpu.memref_slice %arg10[%dma_wait3A_68, %dma_wait3A_79, %dma_wait3A_80] : memref<8x1x8192xf32, #tpu.memory_space<vmem>> -> memref<1x1x8192xf32, #tpu.memory_space<vmem>>
    %dma_wait3A_82 = tpu.memref_squeeze %dma_wait3A_81 : memref<1x1x8192xf32, #tpu.memory_space<vmem>> -> memref<1x8192xf32, #tpu.memory_space<vmem>>
    tpu.wait_dma2 semaphore(%arg26 : memref<!tpu.dma_semaphore, #tpu.memory_space<semaphore_mem>>) src(%dma_wait3A_82 : memref<1x8192xf32, #tpu.memory_space<vmem>>) dst(%dma_wait3A_78 : memref<1x8192xf32, #tpu.memory_space<hbm>>)
    %dma_wait3A_83 = arith.constant 6 : i32
    %dma_wait3A_84 = arith.constant 0 : i32
    %dma_wait3A_85 = arith.constant 0 : i32
    %dma_wait3A_86 = tpu.memref_slice %arg10[%dma_wait3A_83, %dma_wait3A_84, %dma_wait3A_85] : memref<8x1x8192xf32, #tpu.memory_space<vmem>> -> memref<1x1x8192xf32, #tpu.memory_space<vmem>>
    %dma_wait3A_87 = tpu.memref_squeeze %dma_wait3A_86 : memref<1x1x8192xf32, #tpu.memory_space<vmem>> -> memref<1x8192xf32, #tpu.memory_space<vmem>>
    %dma_wait3A_88 = arith.constant 0 : i32
    %dma_wait3A_89 = arith.constant 0 : i32
    %dma_wait3A_90 = tpu.memref_slice %arg5[%dma_wait3A_88, %dma_wait3A_89] : memref<8192x8192xf32, #tpu.memory_space<hbm>> -> memref<1x8192xf32, #tpu.memory_space<hbm>>
    %dma_wait3A_91 = arith.constant 0 : i32
    %dma_wait3A_92 = arith.constant 0 : i32
    %dma_wait3A_93 = tpu.memref_slice %arg5[%dma_wait3A_91, %dma_wait3A_92] : memref<8192x8192xf32, #tpu.memory_space<hbm>> -> memref<1x8192xf32, #tpu.memory_space<hbm>>
    %dma_wait3A_94 = arith.constant 0 : i32
    %dma_wait3A_95 = arith.constant 0 : i32
    %dma_wait3A_96 = tpu.memref_slice %arg10[%dma_wait3A_83, %dma_wait3A_94, %dma_wait3A_95] : memref<8x1x8192xf32, #tpu.memory_space<vmem>> -> memref<1x1x8192xf32, #tpu.memory_space<vmem>>
    %dma_wait3A_97 = tpu.memref_squeeze %dma_wait3A_96 : memref<1x1x8192xf32, #tpu.memory_space<vmem>> -> memref<1x8192xf32, #tpu.memory_space<vmem>>
    tpu.wait_dma2 semaphore(%arg27 : memref<!tpu.dma_semaphore, #tpu.memory_space<semaphore_mem>>) src(%dma_wait3A_97 : memref<1x8192xf32, #tpu.memory_space<vmem>>) dst(%dma_wait3A_93 : memref<1x8192xf32, #tpu.memory_space<hbm>>)
    %dma_wait3A_98 = arith.constant 7 : i32
    %dma_wait3A_99 = arith.constant 0 : i32
    %dma_wait3A_100 = arith.constant 0 : i32
    %dma_wait3A_101 = tpu.memref_slice %arg10[%dma_wait3A_98, %dma_wait3A_99, %dma_wait3A_100] : memref<8x1x8192xf32, #tpu.memory_space<vmem>> -> memref<1x1x8192xf32, #tpu.memory_space<vmem>>
    %dma_wait3A_102 = tpu.memref_squeeze %dma_wait3A_101 : memref<1x1x8192xf32, #tpu.memory_space<vmem>> -> memref<1x8192xf32, #tpu.memory_space<vmem>>
    %dma_wait3A_103 = arith.constant 0 : i32
    %dma_wait3A_104 = arith.constant 0 : i32
    %dma_wait3A_105 = tpu.memref_slice %arg5[%dma_wait3A_103, %dma_wait3A_104] : memref<8192x8192xf32, #tpu.memory_space<hbm>> -> memref<1x8192xf32, #tpu.memory_space<hbm>>
    %dma_wait3A_106 = arith.constant 0 : i32
    %dma_wait3A_107 = arith.constant 0 : i32
    %dma_wait3A_108 = tpu.memref_slice %arg5[%dma_wait3A_106, %dma_wait3A_107] : memref<8192x8192xf32, #tpu.memory_space<hbm>> -> memref<1x8192xf32, #tpu.memory_space<hbm>>
    %dma_wait3A_109 = arith.constant 0 : i32
    %dma_wait3A_110 = arith.constant 0 : i32
    %dma_wait3A_111 = tpu.memref_slice %arg10[%dma_wait3A_98, %dma_wait3A_109, %dma_wait3A_110] : memref<8x1x8192xf32, #tpu.memory_space<vmem>> -> memref<1x1x8192xf32, #tpu.memory_space<vmem>>
    %dma_wait3A_112 = tpu.memref_squeeze %dma_wait3A_111 : memref<1x1x8192xf32, #tpu.memory_space<vmem>> -> memref<1x8192xf32, #tpu.memory_space<vmem>>
    tpu.wait_dma2 semaphore(%arg28 : memref<!tpu.dma_semaphore, #tpu.memory_space<semaphore_mem>>) src(%dma_wait3A_112 : memref<1x8192xf32, #tpu.memory_space<vmem>>) dst(%dma_wait3A_108 : memref<1x8192xf32, #tpu.memory_space<hbm>>)
    "tpu.region"() ({
      %run_scoped3A = tpu.sem_alloc : memref<!tpu.dma_semaphore, #tpu.memory_space<semaphore_mem>>
      %dma_start3A_113 = arith.constant 0 : i32
      %dma_start3A_114 = tpu.memref_slice %arg6[%add3A, %dma_start3A_113] : memref<32x4096xf32, #tpu.memory_space<hbm>> -> memref<1x4096xf32, #tpu.memory_space<hbm>>
      %dma_start3A_115 = tpu.memref_squeeze %dma_start3A_114 : memref<1x4096xf32, #tpu.memory_space<hbm>> -> memref<4096xf32, #tpu.memory_space<hbm>>
      %dma_start3A_116 = arith.constant 0 : i32
      %dma_start3A_117 = tpu.memref_slice %arg6[%add3A, %dma_start3A_116] : memref<32x4096xf32, #tpu.memory_space<hbm>> -> memref<1x4096xf32, #tpu.memory_space<hbm>>
      %dma_start3A_118 = tpu.memref_squeeze %dma_start3A_117 : memref<1x4096xf32, #tpu.memory_space<hbm>> -> memref<4096xf32, #tpu.memory_space<hbm>>
      tpu.enqueue_dma source(%arg11 : memref<4096xf32, #tpu.memory_space<vmem>>) target(%dma_start3A_118 : memref<4096xf32, #tpu.memory_space<hbm>>) target_semaphore(%run_scoped3A : memref<!tpu.dma_semaphore, #tpu.memory_space<semaphore_mem>>)
      %dma_wait3A_119 = arith.constant 0 : i32
      %dma_wait3A_120 = tpu.memref_slice %arg6[%add3A, %dma_wait3A_119] : memref<32x4096xf32, #tpu.memory_space<hbm>> -> memref<1x4096xf32, #tpu.memory_space<hbm>>
      %dma_wait3A_121 = tpu.memref_squeeze %dma_wait3A_120 : memref<1x4096xf32, #tpu.memory_space<hbm>> -> memref<4096xf32, #tpu.memory_space<hbm>>
      %dma_wait3A_122 = arith.constant 0 : i32
      %dma_wait3A_123 = tpu.memref_slice %arg6[%add3A, %dma_wait3A_122] : memref<32x4096xf32, #tpu.memory_space<hbm>> -> memref<1x4096xf32, #tpu.memory_space<hbm>>
      %dma_wait3A_124 = tpu.memref_squeeze %dma_wait3A_123 : memref<1x4096xf32, #tpu.memory_space<hbm>> -> memref<4096xf32, #tpu.memory_space<hbm>>
      tpu.wait_dma2 semaphore(%run_scoped3A : memref<!tpu.dma_semaphore, #tpu.memory_space<semaphore_mem>>) src(%arg11 : memref<4096xf32, #tpu.memory_space<vmem>>) dst(%dma_wait3A_124 : memref<4096xf32, #tpu.memory_space<hbm>>)
      tpu.yield
    }) : () -> ()
    "tpu.region"() ({
      %run_scoped3A = tpu.sem_alloc : memref<!tpu.dma_semaphore, #tpu.memory_space<semaphore_mem>>
      %dma_start3A_113 = arith.constant 0 : i32
      %dma_start3A_114 = tpu.memref_slice %arg7[%add3A, %dma_start3A_113] : memref<32x4096xf32, #tpu.memory_space<hbm>> -> memref<1x4096xf32, #tpu.memory_space<hbm>>
      %dma_start3A_115 = tpu.memref_squeeze %dma_start3A_114 : memref<1x4096xf32, #tpu.memory_space<hbm>> -> memref<4096xf32, #tpu.memory_space<hbm>>
      %dma_start3A_116 = arith.constant 0 : i32
      %dma_start3A_117 = tpu.memref_slice %arg7[%add3A, %dma_start3A_116] : memref<32x4096xf32, #tpu.memory_space<hbm>> -> memref<1x4096xf32, #tpu.memory_space<hbm>>
      %dma_start3A_118 = tpu.memref_squeeze %dma_start3A_117 : memref<1x4096xf32, #tpu.memory_space<hbm>> -> memref<4096xf32, #tpu.memory_space<hbm>>
      tpu.enqueue_dma source(%arg12 : memref<4096xf32, #tpu.memory_space<vmem>>) target(%dma_start3A_118 : memref<4096xf32, #tpu.memory_space<hbm>>) target_semaphore(%run_scoped3A : memref<!tpu.dma_semaphore, #tpu.memory_space<semaphore_mem>>)
      %dma_wait3A_119 = arith.constant 0 : i32
      %dma_wait3A_120 = tpu.memref_slice %arg7[%add3A, %dma_wait3A_119] : memref<32x4096xf32, #tpu.memory_space<hbm>> -> memref<1x4096xf32, #tpu.memory_space<hbm>>
      %dma_wait3A_121 = tpu.memref_squeeze %dma_wait3A_120 : memref<1x4096xf32, #tpu.memory_space<hbm>> -> memref<4096xf32, #tpu.memory_space<hbm>>
      %dma_wait3A_122 = arith.constant 0 : i32
      %dma_wait3A_123 = tpu.memref_slice %arg7[%add3A, %dma_wait3A_122] : memref<32x4096xf32, #tpu.memory_space<hbm>> -> memref<1x4096xf32, #tpu.memory_space<hbm>>
      %dma_wait3A_124 = tpu.memref_squeeze %dma_wait3A_123 : memref<1x4096xf32, #tpu.memory_space<hbm>> -> memref<4096xf32, #tpu.memory_space<hbm>>
      tpu.wait_dma2 semaphore(%run_scoped3A : memref<!tpu.dma_semaphore, #tpu.memory_space<semaphore_mem>>) src(%arg12 : memref<4096xf32, #tpu.memory_space<vmem>>) dst(%dma_wait3A_124 : memref<4096xf32, #tpu.memory_space<hbm>>)
      tpu.yield
    }) : () -> ()
    return
  }
}

module attributes {stable_mosaic.version = 14 : i64} {
  func.func @_loss_body(%arg0: memref<8192x16xf32, #tpu.memory_space<vmem>>, %arg1: memref<8192x16xf32, #tpu.memory_space<vmem>>, %arg2: memref<1x1xf32, #tpu.memory_space<vmem>>) attributes {dimension_semantics = [], scalar_prefetch = 0 : i64, scratch_operands = 0 : i64, tpu.core_type = #tpu.core_type<tc>} {
    %get3A = arith.constant 0 : index
    %get3A_0 = arith.constant 0 : index
    %get3A_1 = vector.load %arg0[%get3A, %get3A_0] : memref<8192x16xf32, #tpu.memory_space<vmem>>, vector<8192x16xf32>
    %reduce_sum3A = arith.constant dense<0.000000e+00> : vector<8192xf32>
    %reduce_sum3A_2 = vector.multi_reduction <add>, %get3A_1, %reduce_sum3A [1] : vector<8192x16xf32> to vector<8192xf32>
    %broadcast_in_dim3A = vector.shape_cast %reduce_sum3A_2 : vector<8192xf32> to vector<8192x1xf32>
    %log3A = math.log %broadcast_in_dim3A : vector<8192x1xf32>
    %reduce_sum3A_3 = vector.shape_cast %log3A : vector<8192x1xf32> to vector<1x8192x1xf32>
    %reduce_sum3A_4 = arith.constant dense<0.000000e+00> : vector<1xf32>
    %reduce_sum3A_5 = vector.multi_reduction <add>, %reduce_sum3A_3, %reduce_sum3A_4 [1, 2] : vector<1x8192x1xf32> to vector<1xf32>
    %reduce_sum3A_6 = vector.shape_cast %reduce_sum3A_5 : vector<1xf32> to vector<1x1x1xf32>
    %reduce_sum3A_7 = vector.extract %reduce_sum3A_6[0, 0, 0] : f32 from vector<1x1x1xf32>
    %get3A_8 = arith.constant 0 : index
    %get3A_9 = arith.constant 0 : index
    %get3A_10 = vector.load %arg1[%get3A_8, %get3A_9] : memref<8192x16xf32, #tpu.memory_space<vmem>>, vector<8192x16xf32>
    %reduce_sum3A_11 = vector.shape_cast %get3A_10 : vector<8192x16xf32> to vector<1x8192x16xf32>
    %reduce_sum3A_12 = arith.constant dense<0.000000e+00> : vector<1xf32>
    %reduce_sum3A_13 = vector.multi_reduction <add>, %reduce_sum3A_11, %reduce_sum3A_12 [1, 2] : vector<1x8192x16xf32> to vector<1xf32>
    %reduce_sum3A_14 = vector.shape_cast %reduce_sum3A_13 : vector<1xf32> to vector<1x1x1xf32>
    %reduce_sum3A_15 = vector.extract %reduce_sum3A_14[0, 0, 0] : f32 from vector<1x1x1xf32>
    %sub3A = arith.subf %reduce_sum3A_7, %reduce_sum3A_15 : f32
    %div3A = arith.constant 8.192000e+03 : f32
    %div3A_16 = arith.divf %sub3A, %div3A : f32
    %broadcast_in_dim3A_17 = vector.broadcast %div3A_16 : f32 to vector<1x1xf32>
    %swap3A = arith.constant 0 : index
    %swap3A_18 = arith.constant 0 : index
    %swap3A_19 = vector.load %arg2[%swap3A, %swap3A_18] : memref<1x1xf32, #tpu.memory_space<vmem>>, vector<1x1xf32>
    tpu.vector_store %arg2[%swap3A, %swap3A_18], %broadcast_in_dim3A_17 {strides = array<i32>} : memref<1x1xf32, #tpu.memory_space<vmem>>, vector<1x1xf32>,
    return
  }
}

</mosaic_0001>

<sc_bundles>
// kernel: kernel.4.cloned.1.call-start
scs
__scs_entry_jumppad:
0x0: {  	(pc) =	sbr.rel $0x88, $3  }
0x1: {  	(tag) =	ssettag $0x0;
	lr =	simm.s32 $0x1  }
0x2: {  	[smem:$0x3F9E] =	sst lr;
	_ =	strace $0xD0000000  }
0x3: {  	_ = 	snop  }
0x4: {  	_ = 	snop  }
0x5: {  	_ = 	snop  }
0x6: {  	_ = 	snop  }
0x7: {  	_ = 	snop  }
__scs_overlays_trampoline_lowered:
0x8: {  	[smem:$0x3FAD] =	sst s0  }
0x9: {  	[smem:$0x3FAE] =	sst s1  }
0xa: {  	[smem:$0x3FAF] =	sst s2  }
0xb: {  	[smem:$0x3FB0] =	sst s3  }
0xc: {  	[smem:$0x3FB1] =	sst s4  }
0xd: {  	[smem:$0x3FB2] =	sst s5  }
0xe: {  	[smem:$0x3FB3] =	sst s6  }
0xf: {  	[smem:$0x3FB4] =	sst s7  }
0x10: {  	[smem:$0x3FB5] =	sst s8  }
0x11: {  	[smem:$0x3FB6] =	sst s9;
	s0 =	simm.s32 @!p0 $0x0  }
0x12: {  	s1 =	sld [smem:$0x3F9C];
	s0 =	simm.s32 @p0 $0x1  }
0x13: {  	[smem:$0x3FB7] =	sst s0;
	s0 =	simm.s32 @!p1 $0x0  }
0x14: {  	s2 =	sld [smem:$0x3F9B];
	s0 =	simm.s32 @p1 $0x1  }
0x15: {  	[smem:$0x3FB8] =	sst s0;
	s0 =	simm.s32 @!p2 $0x0  }
0x16: {  	s3 =	sld [smem:$0x3FDB];
	s0 =	simm.s32 @p2 $0x1  }
0x17: {  	s4 =	simm.s32 $0x1BF5;
	[smem:$0x3FBA] =	sst s0  }
0x18: {  	s0 =	sld [smem:$0x3F9D];
	_ =	swait.ge [sflag:s4], $0x0  }
0x19: {  	s7 =	sld [smem:$0x3F9E]  }
0x1a: {  	s8 =	sadd.s32 $0xFFFFE003, lr  }
0x1b: {  	s9 =	sadd.s32 $0xFFFFFEF7, lr;
	s5 =	simm.s32 $0xFFFFFFFF;
	p2 =	slt.u32 s8, $0xFFFFF086  }
0x1c: {  	p1 =	slt.u32 s9, $0xF7A;
	s5 =	simm.s32 @!p2 $0x0  }
0x1d: {  	s5 =	simm.s32 @p1 $0x1;
	p0 =	seq.s32 s7, s2  }
0x1e: {  	s7 =	smul.u32 @!p0 $0xF7A, s2;
	p2 =	seq.s32 @!p0 s5, $0x0  }
0x1f: {  	s9 =	smul.u32 $0xF7A, s1;
	s8 =	simm.s32 @!p0 $0x1BF5;
	p2 =	por !p2, p0  }
0x20: {  	[sflag:s8] =	ssyncset.s32 @!p0 $0xFFFFF086;
	s6 =	sadd.s32 @!p0 s3, s7;
	s7 =	simm.s32 @!p0 $0x108  }
0x21: {  	s3 =	sadd.s32 s3, s9;
	s6 =	sadd.s32 @!p0 $0x88, s6;
	s7 =	simm.s32 @p2 $0x1082  }
0x22: {  	[simem:s7], [sflag:s8] =	dma.local @!p0 [hbm:s6], $0xF7A  }
0x23: {  	s9 =	sor.u32 $0xD0000000, s2;
	s6 =	simm.s32 $0x108;
	_ =	swait.ge @!p0 [sflag:s8], $0x0  }
0x24: {  	s3 =	sadd.s32 $0x88, s3;
	s6 =	simm.s32 @!p1 $0x1082;
	[sflag:s4] =	ssyncset.s32 $0xFFFFF086  }
0x25: {  	[simem:s6], [sflag:s4] =	dma.local [hbm:s3], $0xF7A  }
0x26: {  	[smem:$0x3F9E] =	sst s1;
	(tag) =	ssettag s2;
	_ =	strace s9  }
0x27: {  	s1 =	sld [smem:$0x3FAE]  }
0x28: {  	s2 =	sld [smem:$0x3FAF]  }
0x29: {  	s4 =	sld [smem:$0x3FB1]  }
0x2a: {  	p0 =	seq.s32 s5, $0x0;
	s5 =	sld [smem:$0x3FB2]  }
0x2b: {  	s6 =	sld [smem:$0x3FB3]  }
0x2c: {  	s7 =	sld [smem:$0x3FB4]  }
0x2d: {  	s3 =	simm.s32 $0x108;
	s8 =	sld [smem:$0x3FB5]  }
0x2e: {  	s3 =	simm.s32 @!p0 $0x1082;
	s9 =	sld [smem:$0x3FB6]  }
0x2f: {  	lr =	sadd.s32 s0, s3;
	s0 =	sld [smem:$0x3FAD]  }
0x30: {  	s3 =	sld [smem:$0x3FB0]  }
0x31: {  	[smem:$0x3FB9] =	sst s10  }
0x32: {  	s10 =	sld [smem:$0x3FB7];
	_ =	sdelay $0x3  }
0x33: {  	p0 =	seq.s32 s10, $0x1;
	s10 =	sld [smem:$0x3FB9];
	_ =	sdelay $0x3  }
0x34: {  	[smem:$0x3FB9] =	sst s10  }
0x35: {  	s10 =	sld [smem:$0x3FB8];
	_ =	sdelay $0x3  }
0x36: {  	p1 =	seq.s32 s10, $0x1;
	s10 =	sld [smem:$0x3FB9];
	_ =	sdelay $0x3  }
0x37: {  	[smem:$0x3FB9] =	sst s10  }
0x38: {  	s10 =	sld [smem:$0x3FBA]  }
0x39: {  	_ = 	snop;
	(pc) =	sbr.ind lr, $3  }
0x3a: {  	_ = 	snop  }
0x3b: {  	_ = 	snop  }
0x3c: {  	p2 =	seq.s32 s10, $0x1;
	s10 =	sld [smem:$0x3FB9]  }
0x3d: {  	_ =	shalt  }
0x3e: {  	_ =	shalt  }
0x3f: {  	_ =	shalt  }
0x40: {  	_ =	shalt  }
0x41: {  	_ =	shalt  }
0x42: {  	_ =	shalt  }
0x43: {  	_ =	shalt  }
0x44: {  	_ =	shalt  }
0x45: {  	_ =	shalt  }
0x46: {  	_ =	shalt  }
0x47: {  	_ =	shalt  }
0x48: {  	_ =	shalt  }
0x49: {  	_ =	shalt  }
0x4a: {  	_ =	shalt  }
0x4b: {  	_ =	shalt  }
0x4c: {  	_ =	shalt  }
0x4d: {  	_ =	shalt  }
0x4e: {  	_ =	shalt  }
0x4f: {  	_ =	shalt  }
0x50: {  	_ =	shalt  }
0x51: {  	_ =	shalt  }
0x52: {  	_ =	shalt  }
0x53: {  	_ =	shalt  }
0x54: {  	_ =	shalt  }
0x55: {  	_ =	shalt  }
0x56: {  	_ =	shalt  }
0x57: {  	_ =	shalt  }
0x58: {  	_ =	shalt  }
0x59: {  	_ =	shalt  }
0x5a: {  	_ =	shalt  }
0x5b: {  	_ =	shalt  }
0x5c: {  	_ =	shalt  }
0x5d: {  	_ =	shalt  }
0x5e: {  	_ =	shalt  }
0x5f: {  	_ =	shalt  }
0x60: {  	_ =	shalt  }
0x61: {  	_ =	shalt  }
0x62: {  	_ =	shalt  }
0x63: {  	_ =	shalt  }
0x64: {  	_ =	shalt  }
0x65: {  	_ =	shalt  }
0x66: {  	_ =	shalt  }
0x67: {  	_ =	shalt  }
0x68: {  	_ =	shalt  }
0x69: {  	_ =	shalt  }
0x6a: {  	_ =	shalt  }
0x6b: {  	_ =	shalt  }
0x6c: {  	_ =	shalt  }
0x6d: {  	_ =	shalt  }
0x6e: {  	_ =	shalt  }
0x6f: {  	_ =	shalt  }
0x70: {  	_ =	shalt  }
0x71: {  	_ =	shalt  }
0x72: {  	_ =	shalt  }
0x73: {  	_ =	shalt  }
0x74: {  	_ =	shalt  }
0x75: {  	_ =	shalt  }
0x76: {  	_ =	shalt  }
0x77: {  	_ =	shalt  }
0x78: {  	_ =	shalt  }
0x79: {  	_ =	shalt  }
0x7a: {  	_ =	shalt  }
0x7b: {  	_ =	shalt  }
0x7c: {  	_ =	shalt  }
0x7d: {  	_ =	shalt  }
0x7e: {  	_ =	shalt  }
0x7f: {  	_ =	shalt  }
0x80: {  	_ =	shalt  }
0x81: {  	_ =	shalt  }
0x82: {  	_ =	shalt  }
0x83: {  	_ =	shalt  }
0x84: {  	_ =	shalt  }
0x85: {  	_ =	shalt  }
0x86: {  	_ =	shalt  }
0x87: {  	_ =	shalt  }
.Lfunc_end0:
.L_simem_size_0:
called_computation_lowered:
.L_overlay_start_0:
0x88: {  	s2 =	sld [smem:$0x3FD9]  }
0x89: {  	s3 =	sld [smem:$0x3FFE];
	_ =	sdelay $0x1  }
0x8a: {  	s1 =	srdreg.scid  }
0x8b: {  	s0 =	sand.u32 $0x1, s1  }
0x8c: {  	s14 =	sshll.u32 s0, $0xA;
	s2 =	sadd.s32 s3, s2  }
0x8d: {  	s2 =	sadd.s32 s2, s14  }
0x8e: {  	[smem:$0x3FC5] =	sst s2  }
0x8f: {  	_ = 	snop  }
0x90: {  	s2 =	sld [smem:$0x3FD0];
	_ =	sdelay $0x2  }
0x91: {  	s4 =	simm.s32 $0xA;
	s5 =	simm.s32 $0x10;
	s15 =	sld [smem:$0x3FC7]  }
0x92: {  	[smem:s5], [sflag:s4] =	dma.local [hbm:s2], $0x1  }
0x93: {  	_ =	swait.eq [sflag:s4], $0x1  }
0x94: {  	[sflag:s4] =	ssyncset.done $0x0  }
0x95: {  	[sflag:s4] =	ssyncadd.s32 $0xFFFFFFFF  }
0x96: {  	s16 =	sld [smem:$0x10];
	(tm) =	ssettm $0x1  }
0x97: {  	s17 =	sld [smem:$0x3FFB];
	_ =	sdelay $0x3  }
0x98: {  	_ =	strace s17  }
0x99: {  	s4 =	sld [smem:$0x3FFC];
	_ =	sdelay $0x3  }
0x9a: {  	_ =	strace s4  }
0x9b: {  	s4 =	sld [smem:$0x3FFD];
	_ =	sdelay $0x3  }
0x9c: {  	_ =	strace s4  }
0x9d: {  	_ =	strace $0x8FFFFFFF  }
0x9e: {  	s18 =	sld [smem:$0x3FDB];
	_ =	sdelay $0x1  }
0x9f: {  	s19 =	simm.s32 $_scs_section_size  }
0xa0: {  	s6 =	simm.s32 $_size__tile_overlayer_lowered;
	s7 =	simm.s32 $_tile_overlayer_lowered  }
0xa1: {  	s22 =	simm.s32 $0x1BFF;
	s21 =	sshll.u32 s7, $0x1;
	s4 =	sadd.s32 s19, s18  }
0xa2: {  	s8 =	simm.s32 $0x0;
	s20 =	sshll.u32 s6, $0x1;
	s6 =	sadd.s32 s21, s4  }
0xa3: {  	[timem:s8], [sflag:s22] =	dma.local [hbm:s6], s20  }
0xa4: {  	_ =	swait.ge [sflag:s22], s20  }
0xa5: {  	s5 =	ssub.s32 $0x0, s20;
	[sflag:s22] =	ssyncset.done $0x0  }
0xa6: {  	[sflag:s22] =	ssyncadd.s32 s5;
	_ =	sdelay $0x1  }
0xa7: {  	s23 =	simm.s32 $0x1B8B  }
0xa8: {  	_ =	swait.ge [sflag:s23], $0x1  }
0xa9: {  	[sflag:s23] =	ssyncset.done $0x0  }
0xaa: {  	s25 =	simm.s32 $0x1B8E;
	s24 =	sld [smem:$0x3FFE];
	[sflag:s23] =	ssyncadd.s32 $0xFFFFFFFF  }
0xab: {  	s26 =	simm.s32 $execute0_lowered;
	[smem:$0x3FD2] =	sst s25  }
0xac: {  	s6 =	sshll.u32 s26, $0x1;
	_ =	strace $0x80000046;
	[dreg:$0x1] =	wrdreg $0xFFFFFFFF  }
0xad: {  	s28 =	simm.s32 $_size_execute0_lowered;
	s4 =	sadd.s32 s4, s6;
	[dreg:$0x0] =	wrdreg $0x0  }
0xae: {  	s6 =	sshll.u32 s28, $0x1;
	[dreg:$0x2] =	wrdreg s4  }
0xaf: {  	[dreg:$0x3] =	wrdreg s6  }
0xb0: {  	[dreg:$0x4] =	wrdreg $0xC0  }
0xb1: {  	_ =	task [dreg:s8], $0x5FFFF  }
0xb2: {  	[dreg:$0x1] =	wrdreg $0xFFFFFFFF  }
0xb3: {  	[dreg:$0x0] =	wrdreg $0x60  }
0xb4: {  	[dreg:$0x2] =	wrdreg s24  }
0xb5: {  	[dreg:$0x3] =	wrdreg s15  }
0xb6: {  	[dreg:$0x4] =	wrdreg s16  }
0xb7: {  	[dreg:$0x5] =	wrdreg $0x9  }
0xb8: {  	_ =	task.clear_ibuf [dreg:s8], $0x6FFFF;
	_ =	strace $0x90000046  }
0xb9: {  	s29 =	simm.s32 $0x9;
	_ =	strace $0x80000048  }
0xba: {  	_ =	swait.ge [sflag:s29], $0x1  }
0xbb: {  	[sflag:s29] =	ssyncadd.s32 $0xFFFFFFFF  }
0xbc: {  	_ =	strace $0x90000048  }
0xbd: {  	_ =	sfence  }
0xbe: {  	s30 =	sld [smem:$0x0];
	_ =	sdelay $0x2  }
0xbf: {  	s31 =	sshll.u32 s1, $0xD;
	s1 =	sshrl.u32 s1, $0x2  }
0xc0: {  	s3 =	sand.u32 $0x4000, s31;
	s1 =	sadd.s32 s1, s30  }
0xc1: {  	s0 =	sor.u32 s3, s0;
	s1 =	sshll.u32 s1, $0x11  }
0xc2: {  	s0 =	sor.u32 s1, s0  }
0xc3: {  	s0 =	sadd.s32 $0x8F2B, s0  }
0xc4: {  	[sflag:s0] =	ssyncadd.remote.s32 $0x1  }
0xc5: {  	_ =	sfence.sel $0xFFFF  }
0xc6: {  	[dreg:$0x0] =	wrdreg $0xFFFFFFFF;
	(pc) =	sbr.abs _section_cstart, $3  }
0xc7: {  	[dreg:$0x1] =	wrdreg $0xFFFFFFFF  }
0xc8: {  	_ =	task.clear_ibuf [dreg:s8], $0x2FFFF;
	_ =	strace $0x9FFFFFFF  }
0xc9: {  	(tm) =	ssettm $0x7FFFFFFF  }
tec
execute0_lowered:
.L_overlay_start_1:
0x0: {  	(tag) =	ssettag $0x1  }
0x1: {  	s0 =	srdreg.scid;
	s1 =	rddreg [dreg:$0x0]  }
0x2: {  	s2 =	stileid.u32;
	s6 =	rddreg [dreg:$0x2];
	s7 =	simm.s32 $0x0  }
0x3: {  	s12 =	simm.s32 $0x11;
	s28 =	simm.s32 $0x11000;
	s29 =	simm.s32 $0x5  }
0x4: {  	s18 =	simm.s32 $0x6;
	s30 =	simm.s32 $0xC;
	s11 =	simm.s32 $0x0  }
0x5: {  	s0 =	sand.u32 $0x1, s0;
	s3 =	sshll.u32 s2, $0x1;
	s2 =	rddreg [dreg:$0x1]  }
0x6: {  	[smem:$0x7FF] =	sst s7;
	s22 =	sadd.s32 $0x10, s6;
	s23 =	sadd.s32 $0x20, s6  }
0x7: {  	s24 =	sadd.s32 $0x30, s6;
	s25 =	sadd.s32 $0x40, s6;
	s26 =	sadd.s32 $0x50, s6  }
0x8: {  	s16 =	sadd.s32 $0x60, s6;
	_ =	strace $0x80000047;
	[dreg:$0x7] =	wrdreg s22  }
0x9: {  	s17 =	sadd.s32 $0x70, s6;
	s6 =	simm.s32 $0x13000;
	[dreg:$0x8] =	wrdreg s23  }
0xa: {  	s7 =	simm.s32 $0xA;
	s3 =	sor.u32 s0, s3;
	[dreg:$0x9] =	wrdreg s24  }
0xb: {  	s0 =	ssub.s32 $0x2, s0;
	s8 =	sadd.s32 $0x800, s2;
	[dreg:$0xa] =	wrdreg s25  }
0xc: {  	s9 =	sadd.s32 $0x1000, s2;
	s10 =	sadd.s32 $0x1800, s2;
	[dreg:$0xb] =	wrdreg s26  }
0xd: {  	s22 =	simm.s32 $0x80;
	s23 =	simm.s32 $0x400;
	s26 =	simm.s32 $0x1  }
0xe: {  	s25 =	simm.s32 $0x7;
	s24 =	simm.s32 $0x8;
	s4 =	sshll.u32 s3, $0xC  }
0xf: {  	s5 =	sshll.u32 s3, $0x7;
	s19 =	sshrl.u32 s0, $0x1;
	s3 =	sshll.u32 s3, $0x12  }
0x10: {  	s5 =	sor.u32 s5, s4;
	s4 =	sadd.s32 s4, s1;
	s0 =	ssub.s32 s0, s19  }
0x11: {  	[dreg:$0x4] =	wrdreg s3;
	s3 =	simm.s32 $0x9;
	s5 =	sand.u32 $0x18380, s5  }
0x12: {  	v2 =	vlaneseq.u32;
	s19 =	simm.s32 $0xB;
	s20 =	sadd.s32 $0x4C00, s4;
	s5 =	sshrl.u32 s5, $0x3  }
0x13: {  	v0 =	vmul.u32 $0xFFFFFFFF, v2;
	s0 =	smax.u32 s0, $0x1;
	[dreg:$0x5] =	wrdreg s20;
	s1 =	sadd.s32 s5, s1  }
0x14: {  	v1 =	vimm.s32 $0x0;
	s4 =	simm.s32 $0x4;
	[dreg:$0xe] =	wrdreg s0;
	s21 =	sadd.s32 $0xC00, s1  }
0x15: {  	vm0 =	vmmov $0xffff;
	v2 =	vmul.u32 $0x8, v2;
	v3 =	vadd.s32 $0xFFFFFFF0, v0;
	s20 =	simm.s32 $0x2;
	s31 =	sadd.s32 $0x24C00, s1;
	[dreg:$0x6] =	wrdreg s21  }
0x16: {  	v4 =	vadd.s32 $0xFFFFFFE0, v0;
	v5 =	vadd.s32 $0xFFFFFFD0, v0;
	v6 =	vadd.s32 $0xFFFFFFC0, v0;
	s0 =	simm.s32 $0x17000;
	s1 =	sadd.s32 $0x28C00, s1;
	[dreg:$0xc] =	wrdreg s31  }
0x17: {  	v7 =	vadd.s32 $0xFFFFFFB0, v0;
	v8 =	vadd.s32 $0xFFFFFFA0, v0;
	v9 =	vadd.s32 $0xFFFFFF90, v0;
	[dreg:$0xd] =	wrdreg s1;
	s21 =	simm.s32 $0x15000;
	s1 =	simm.s32 $0x3  }
.LBB2_1:
0x18: {  	[dreg:$0xf] =	wrdreg s11  }
0x19: {  	s5 =	simm.s32 $0x0;
	s14 =	rddreg [dreg:$0x5]  }
0x1a: {  	[tilespmem:s5], [sflag:$0x11] =	stream.linear.gather [hbm4b:s14+s5], $0x8000, $0x38;
	[tilespmem:$0x1B000] =	vst v63  }
0x1b: {  	_ =	swait.ge [sflag:s12], $0x8000  }
0x1c: {  	[sflag:s12] =	ssyncset.done $0x0  }
0x1d: {  	s13 =	simm.s32 $0x8000;
	s15 =	rddreg [dreg:$0x6];
	[sflag:s12] =	ssyncadd.s32 $0xFFFF8000  }
0x1e: {  	[tilespmem:s13], [sflag:$0x11] =	stream.strided.gather [hbm4b:s15+s22], $0x1000, s23, s22, $0x38;
	[tilespmem:$0x1B000] =	vst v63  }
0x1f: {  	_ =	swait.ge [sflag:s12], $0x1000  }
0x20: {  	[sflag:s12] =	ssyncset.done $0x0  }
0x21: {  	[sflag:s12] =	ssyncadd.s32 $0xFFFFF000  }
0x22: {  	v10 =	vld.msk [tilespmem:$0x0], $0x1;
	_ =	sdelay $0x4  }
0x23: {  	v11 =	vshll.u32 v10, $0x6  }
0x24: {  	v10 =	vand.u32 $0x7, v10;
	v11 =	vand.u32 $0xFFFFFE00, v11  }
0x25: {  	v10 =	vor.u32 v10, v11  }
0x26: {  	v10 =	vperm.xlane v10, v1;
	_ =	sdelay $0x1  }
0x27: {  	v10 =	vadd.s32 v2, v10;
	_ =	sdelay $0x3  }
0x28: {  	s12 =	simm.s32 $0x9000  }
0x29: {  	[tilespmem:s12], [sflag:$0x1] =	stream.indirect_vreg.gather [hbm4b:s2+s5], $0x80, v10, vm0, $0xb8;
	[tilespmem:$0x1B000] =	vst v63  }
0x2a: {  	s13 =	simm.s32 $0x9800  }
0x2b: {  	[tilespmem:s13], [sflag:$0x1] =	stream.indirect_vreg.gather [hbm4b:s8+s5], $0x80, v10, vm0, $0xb8;
	[tilespmem:$0x1B000] =	vst v63  }
0x2c: {  	s14 =	simm.s32 $0xA000  }
0x2d: {  	[tilespmem:s14], [sflag:$0x1] =	stream.indirect_vreg.gather [hbm4b:s9+s5], $0x80, v10, vm0, $0xb8;
	[tilespmem:$0x1B000] =	vst v63  }
0x2e: {  	s15 =	simm.s32 $0xA800  }
0x2f: {  	[tilespmem:s15], [sflag:$0x1] =	stream.indirect_vreg.gather [hbm4b:s10+s5], $0x80, v10, vm0, $0xb8;
	[tilespmem:$0x1B000] =	vst v63  }
0x30: {  	v10 =	vld.msk [tilespmem:$0x80], $0x1;
	_ =	sdelay $0x4  }
0x31: {  	v11 =	vshll.u32 v10, $0x6  }
0x32: {  	v10 =	vand.u32 $0x7, v10;
	v11 =	vand.u32 $0xFFFFFE00, v11  }
0x33: {  	v10 =	vor.u32 v10, v11  }
0x34: {  	v10 =	vperm.xlane v10, v1;
	_ =	sdelay $0x1  }
0x35: {  	v10 =	vadd.s32 v2, v10;
	_ =	sdelay $0x3  }
0x36: {  	s12 =	simm.s32 $0xB000  }
0x37: {  	[tilespmem:s12], [sflag:$0x2] =	stream.indirect_vreg.gather [hbm4b:s2+s5], $0x80, v10, vm0, $0xb8;
	[tilespmem:$0x1B000] =	vst v63  }
0x38: {  	s13 =	simm.s32 $0xB800  }
0x39: {  	[tilespmem:s13], [sflag:$0x2] =	stream.indirect_vreg.gather [hbm4b:s8+s5], $0x80, v10, vm0, $0xb8;
	[tilespmem:$0x1B000] =	vst v63  }
0x3a: {  	s14 =	simm.s32 $0xC000  }
0x3b: {  	[tilespmem:s14], [sflag:$0x2] =	stream.indirect_vreg.gather [hbm4b:s9+s5], $0x80, v10, vm0, $0xb8;
	[tilespmem:$0x1B000] =	vst v63  }
0x3c: {  	s15 =	simm.s32 $0xC800  }
0x3d: {  	[tilespmem:s15], [sflag:$0x2] =	stream.indirect_vreg.gather [hbm4b:s10+s5], $0x80, v10, vm0, $0xb8;
	[tilespmem:$0x1B000] =	vst v63  }
0x3e: {  	v10 =	vld.msk [tilespmem:$0x100], $0x1;
	_ =	sdelay $0x4  }
0x3f: {  	v11 =	vshll.u32 v10, $0x6  }
0x40: {  	v10 =	vand.u32 $0x7, v10;
	v11 =	vand.u32 $0xFFFFFE00, v11  }
0x41: {  	v10 =	vor.u32 v10, v11  }
0x42: {  	v10 =	vperm.xlane v10, v1;
	_ =	sdelay $0x1  }
0x43: {  	v10 =	vadd.s32 v2, v10;
	_ =	sdelay $0x3  }
0x44: {  	s12 =	simm.s32 $0xD000  }
0x45: {  	[tilespmem:s12], [sflag:$0x3] =	stream.indirect_vreg.gather [hbm4b:s2+s5], $0x80, v10, vm0, $0xb8;
	[tilespmem:$0x1B000] =	vst v63  }
0x46: {  	s13 =	simm.s32 $0xD800  }
0x47: {  	[tilespmem:s13], [sflag:$0x3] =	stream.indirect_vreg.gather [hbm4b:s8+s5], $0x80, v10, vm0, $0xb8;
	[tilespmem:$0x1B000] =	vst v63  }
0x48: {  	s14 =	simm.s32 $0xE000  }
0x49: {  	[tilespmem:s14], [sflag:$0x3] =	stream.indirect_vreg.gather [hbm4b:s9+s5], $0x80, v10, vm0, $0xb8;
	[tilespmem:$0x1B000] =	vst v63  }
0x4a: {  	s15 =	simm.s32 $0xE800  }
0x4b: {  	[tilespmem:s15], [sflag:$0x3] =	stream.indirect_vreg.gather [hbm4b:s10+s5], $0x80, v10, vm0, $0xb8;
	[tilespmem:$0x1B000] =	vst v63  }
0x4c: {  	v10 =	vld.msk [tilespmem:$0x180], $0x1;
	_ =	sdelay $0x4  }
0x4d: {  	v11 =	vshll.u32 v10, $0x6  }
0x4e: {  	v10 =	vand.u32 $0x7, v10;
	v11 =	vand.u32 $0xFFFFFE00, v11  }
0x4f: {  	v10 =	vor.u32 v10, v11  }
0x50: {  	v10 =	vperm.xlane v10, v1;
	_ =	sdelay $0x1  }
0x51: {  	v10 =	vadd.s32 v2, v10;
	_ =	sdelay $0x3  }
0x52: {  	s12 =	simm.s32 $0xF000  }
0x53: {  	[tilespmem:s12], [sflag:$0x4] =	stream.indirect_vreg.gather [hbm4b:s2+s5], $0x80, v10, vm0, $0xb8;
	[tilespmem:$0x1B000] =	vst v63  }
0x54: {  	s13 =	simm.s32 $0xF800  }
0x55: {  	[tilespmem:s13], [sflag:$0x4] =	stream.indirect_vreg.gather [hbm4b:s8+s5], $0x80, v10, vm0, $0xb8;
	[tilespmem:$0x1B000] =	vst v63  }
0x56: {  	s14 =	simm.s32 $0x10000  }
0x57: {  	[tilespmem:s14], [sflag:$0x4] =	stream.indirect_vreg.gather [hbm4b:s9+s5], $0x80, v10, vm0, $0xb8;
	[tilespmem:$0x1B000] =	vst v63  }
0x58: {  	s31 =	simm.s32 $0x0;
	s15 =	simm.s32 $0x10800  }
0x59: {  	[tilespmem:s15], [sflag:$0x4] =	stream.indirect_vreg.gather [hbm4b:s10+s5], $0x80, v10, vm0, $0xb8;
	[tilespmem:$0x1B000] =	vst v63  }
.LBB2_2:
0x5a: {  	p0 =	seq.s32 s31, $0x0  }
0x5b: {  	s5 =	simm.s32 @!p0 $0xD  }
0x5c: {  	s11 =	sshll.u32 s31, $0xA;
	_ =	swait.ge @!p0 [sflag:s5], $0x2000  }
0x5d: {  	s12 =	sand.u32 $0x3FFFFC00, s11;
	[sflag:s5] =	ssyncset.done @!p0 $0x0  }
0x5e: {  	s14 =	sor.u32 $0x200, s12;
	[sflag:s5] =	ssyncadd.s32 @!p0 $0xFFFFE000  }
0x5f: {  	v10 =	vld.msk [tilespmem:s14+$0x0], $0x1;
	_ =	sdelay $0x4  }
0x60: {  	v11 =	vshll.u32 v10, $0x6  }
0x61: {  	v10 =	vand.u32 $0x7, v10;
	v11 =	vand.u32 $0xFFFFFE00, v11  }
0x62: {  	v11 =	vor.u32 v10, v11;
	v10 =	vimm.s32 $0x0  }
0x63: {  	v11 =	vperm.xlane v11, v10;
	_ =	sdelay $0x1  }
0x64: {  	v11 =	vadd.s32 v2, v11;
	_ =	sdelay $0x3  }
0x65: {  	s5 =	simm.s32 $0x0  }
0x66: {  	[tilespmem:s28], [sflag:$0x5] =	stream.indirect_vreg.gather [hbm4b:s2+s5], $0x80, v11, vm0, $0xb8;
	[tilespmem:$0x1B000] =	vst v63  }
0x67: {  	s15 =	simm.s32 $0x11800  }
0x68: {  	[tilespmem:s15], [sflag:$0x5] =	stream.indirect_vreg.gather [hbm4b:s8+s5], $0x80, v11, vm0, $0xb8;
	[tilespmem:$0x1B000] =	vst v63  }
0x69: {  	s13 =	simm.s32 $0x12000  }
0x6a: {  	[tilespmem:s13], [sflag:$0x5] =	stream.indirect_vreg.gather [hbm4b:s9+s5], $0x80, v11, vm0, $0xb8;
	[tilespmem:$0x1B000] =	vst v63  }
0x6b: {  	s14 =	simm.s32 $0x12800  }
0x6c: {  	[tilespmem:s14], [sflag:$0x5] =	stream.indirect_vreg.gather [hbm4b:s10+s5], $0x80, v11, vm0, $0xb8;
	[tilespmem:$0x1B000] =	vst v63  }
0x6d: {  	_ =	swait.ge [sflag:s26], $0x2000  }
0x6e: {  	[sflag:s26] =	ssyncset.done $0x0  }
0x6f: {  	s5 =	sshll.u32 s31, $0x7;
	[sflag:s26] =	ssyncadd.s32 $0xFFFFE000  }
0x70: {  	s15 =	simm.s32 $0x0;
	v15 =	vld [tilespmem:s5+$0x8000]  }
0x71: {  	v26 =	vld [tilespmem:s15+$0x9040]  }
0x72: {  	v25 =	vld [tilespmem:s15+$0x9050]  }
0x73: {  	v30 =	vld [tilespmem:s15+$0x9000]  }
0x74: {  	v34 =	vld [tilespmem:s15+$0x9010]  }
0x75: {  	v23 =	vld [tilespmem:s15+$0x9020]  }
0x76: {  	v28 =	vld [tilespmem:s15+$0x9030]  }
0x77: {  	v24 =	vld [tilespmem:s15+$0x9060]  }
0x78: {  	v29 =	vimm.f32 $0.0e+00;
	s13 =	simm.s32 $0x80;
	v27 =	vld [tilespmem:s15+$0x9070];
	v12 =	vmul.f32 $1.442695020e+00, v26  }
0x79: {  	v36 =	vimm.f32 $0.0e+00;
	v22 =	vld [tilespmem:s13+$0x9000];
	v13 =	vmul.f32 $1.442695020e+00, v25;
	v18 =	vmul.f32 $1.442695020e+00, v30  }
0x7a: {  	v17 =	vadd.s32 v0, v15;
	v19 =	vmul.f32 $1.442695020e+00, v34;
	(erf) = vpow2.f32 v12  }
0x7b: {  	v16 =	vadd.s32 v3, v15;
	v21 =	vmul.f32 $1.442695020e+00, v23;
	(erf) = vpow2.f32 v13  }
0x7c: {  	v20 =	vadd.s32 v4, v15;
	v31 =	vmul.f32 $1.442695020e+00, v28;
	(erf) = vpow2.f32 v18  }
0x7d: {  	v11 =	vadd.s32 v5, v15;
	v32 =	vmul.f32 $1.442695020e+00, v24;
	(erf) = vpow2.f32 v19  }
0x7e: {  	v14 =	vadd.s32 v6, v15;
	v33 =	vmul.f32 $1.442695020e+00, v27;
	v39 =	vmul.f32 $1.442695020e+00, v22;
	v18 =	vld [tilespmem:s13+$0x9040]  }
0x7f: {  	vm4 =	veq.s32 v10, v14;
	vm6 =	veq.s32 v10, v20;
	v19 =	vld [tilespmem:s13+$0x9050];
	(erf) = vpow2.f32 v21  }
0x80: {  	vm5 =	veq.s32 v10, v11;
	vm7 =	veq.s32 v10, v17;
	(erf) = vpow2.f32 v31  }
0x81: {  	vm8 =	veq.s32 v10, v16;
	v12 =	vadd.s32 v7, v15;
	v21 =	vld [tilespmem:s13+$0x9010];
	(erf) = vpow2.f32 v32  }
0x82: {  	v30 =	vsel vm7, v30, v29;
	v13 =	vadd.s32 v8, v15;
	(erf) = vpow2.f32 v33;
	v33 =	vld [tilespmem:s13+$0x9020]  }
0x83: {  	v15 =	vadd.s32 v9, v15;
	v40 =	vsel vm8, v34, v30;
	v30 =	vld [tilespmem:s13+$0x9030];
	v63 =	vmul.f32 $1.442695020e+00, v18;
	v31 =	vpop (erf)  }
0x84: {  	vm3 =	veq.s32 v10, v12;
	v34 =	vimm.f32 $0.0e+00;
	v35 =	vmul.f32 $1.442695020e+00, v19;
	v32 =	vpop (erf)  }
0x85: {  	vm2 =	veq.s32 v10, v13;
	vm1 =	veq.s32 v10, v15;
	(erf) = vpow2.f32 v63;
	v37 =	vpop (erf)  }
0x86: {  	s11 =	sshll.u32 s31, $0xD;
	s14 =	simm.s32 $0x400;
	v41 =	vmul.f32 $1.442695020e+00, v21;
	(erf) = vpow2.f32 v35;
	v35 =	vimm.f32 $0.0e+00;
	v38 =	vpop (erf)  }
.LBB2_3:
0x87: {  	p1 =	sne.s32 s14, $0x7E00;
	v42 =	vmul.f32 $1.442695020e+00, v33;
	(erf) = vpow2.f32 v39;
	v43 =	vsel vm6, v23, v40;
	v23 =	vmovc v33  }
0x88: {  	v33 =	vmul.f32 $1.442695020e+00, v30;
	v40 =	vld [tilespmem:s13+$0x9060];
	(erf) = vpow2.f32 v41;
	v43 =	vsel vm5, v28, v43;
	v39 =	vpop (erf)  }
0x89: {  	v29 =	vadd.f32 v37, v29;
	v36 =	vadd.f32 v38, v36;
	v41 =	vld [tilespmem:s13+$0x9070];
	v37 =	vsel vm4, v26, v43;
	v28 =	vpop (erf)  }
0x8a: {  	v34 =	vadd.f32 v39, v34;
	v38 =	vadd.f32 v28, v35;
	v35 =	vsel vm3, v25, v37;
	v26 =	vpop (erf)  }
0x8b: {  	s13 =	sshra.s32 s14, $0x2;
	v29 =	vadd.f32 v31, v29;
	v36 =	vadd.f32 v32, v36;
	v31 =	vsel vm2, v24, v35;
	v25 =	vpop (erf)  }
0x8c: {  	v34 =	vadd.f32 v26, v34;
	v26 =	vmovc v18;
	v35 =	vadd.f32 v25, v38;
	v43 =	vsel vm1, v27, v31;
	v18 =	vld [tilespmem:s13+$0x9040]  }
0x8d: {  	v28 =	vmovc v30;
	v25 =	vmovc v19;
	v27 =	vmul.f32 $1.442695020e+00, v40;
	(erf) = vpow2.f32 v42;
	v24 =	vmov v40;
	v19 =	vld [tilespmem:s13+$0x9050]  }
0x8e: {  	v10 =	vadd.s32 $0x80, v10;
	v40 =	vld [tilespmem:s13+$0x9000];
	v30 =	vmul.f32 $1.442695020e+00, v41;
	(erf) = vpow2.f32 v33;
	v31 =	vpop (erf)  }
0x8f: {  	vm2 =	veq.s32 v10, v13;
	vm1 =	veq.s32 v10, v15;
	v42 =	vld [tilespmem:s13+$0x9010];
	v32 =	vpop (erf);
	(erf) = vpow2.f32 v27  }
.Ltmp0:
0x90: {  	vm4 =	veq.s32 v10, v14;
	vm3 =	veq.s32 v10, v12;
	v33 =	vld [tilespmem:s13+$0x9020];
	v37 =	vpop (erf);
	(erf) = vpow2.f32 v30;
	(pc) =	sbr.rel @p1 .LBB2_3-.Ltmp0, $4  }
0x91: {  	vm6 =	veq.s32 v10, v20;
	vm5 =	veq.s32 v10, v11;
	v30 =	vld [tilespmem:s13+$0x9030];
	v44 =	vmul.f32 $1.442695020e+00, v18;
	v38 =	vpop (erf)  }
0x92: {  	vm7 =	veq.s32 v10, v17;
	vm8 =	veq.s32 v10, v16;
	v27 =	vmovc v41;
	v45 =	vmul.f32 $1.442695020e+00, v19  }
0x93: {  	v43 =	vsel vm7, v22, v43;
	v39 =	vmul.f32 $1.442695020e+00, v40;
	(erf) = vpow2.f32 v44;
	v22 =	vmovc v40  }
0x94: {  	s14 =	sadd.s32 $0x200, s14;
	v40 =	vsel vm8, v21, v43;
	v41 =	vmul.f32 $1.442695020e+00, v42;
	(erf) = vpow2.f32 v45;
	v21 =	vmovc v42  }
0x95: {  	v42 =	vld [tilespmem:s13+$0x9060]  }
0x96: {  	v43 =	vld [tilespmem:s13+$0x9070]  }
0x97: {  	(erf) = vpow2.f32 v39  }
0x98: {  	v44 =	vmul.f32 $1.442695020e+00, v33;
	(erf) = vpow2.f32 v41  }
0x99: {  	v50 =	vmul.f32 $1.442695020e+00, v30  }
0x9a: {  	v23 =	vsel vm6, v23, v40;
	v52 =	vpop (erf);
	(erf) = vpow2.f32 v44;
	v51 =	vmul.f32 $1.442695020e+00, v42  }
0x9b: {  	v23 =	vsel vm5, v28, v23;
	v53 =	vpop (erf);
	(erf) = vpow2.f32 v50;
	v45 =	vmul.f32 $1.442695020e+00, v43  }
0x9c: {  	v28 =	vadd.f32 v37, v29;
	v29 =	vadd.f32 v38, v36;
	v54 =	vpop (erf);
	(erf) = vpow2.f32 v51  }
0x9d: {  	v23 =	vsel vm4, v26, v23;
	v26 =	vadd.f32 v52, v34;
	v55 =	vpop (erf);
	(erf) = vpow2.f32 v45  }
0x9e: {  	v56 =	vpop (erf)  }
0x9f: {  	v10 =	vadd.s32 $0x80, v10;
	v57 =	vadd.f32 v53, v35;
	v23 =	vsel vm3, v25, v23;
	v58 =	vpop (erf)  }
0xa0: {  	v25 =	vadd.f32 v31, v28;
	v28 =	vadd.f32 v32, v29;
	vm3 =	veq.s32 v10, v16;
	v29 =	vpop (erf)  }
0xa1: {  	v23 =	vsel vm2, v24, v23;
	v24 =	vadd.f32 v54, v26;
	vm2 =	veq.s32 v10, v17;
	v26 =	vpop (erf)  }
0xa2: {  	v23 =	vsel vm1, v27, v23;
	v17 =	vadd.f32 v29, v25;
	v25 =	vadd.f32 v26, v28  }
0xa3: {  	v31 =	vadd.f32 v55, v57;
	vm1 =	veq.s32 v10, v20;
	v22 =	vsel vm2, v22, v23;
	v20 =	vpop (erf)  }
0xa4: {  	vm2 =	veq.s32 v10, v14;
	v21 =	vsel vm3, v21, v22;
	v26 =	vpop (erf)  }
0xa5: {  	vm3 =	veq.s32 v10, v11;
	v16 =	vadd.f32 v20, v24;
	v20 =	vadd.f32 v26, v31;
	v24 =	vpop (erf)  }
0xa6: {  	v11 =	vsel vm1, v33, v21;
	v17 =	vadd.f32 v56, v17;
	v23 =	vadd.f32 v58, v25;
	v25 =	vpop (erf)  }
0xa7: {  	v11 =	vsel vm3, v30, v11;
	v16 =	vadd.f32 v24, v16;
	v20 =	vadd.f32 v25, v20  }
0xa8: {  	vm1 =	veq.s32 v10, v12;
	v11 =	vsel vm2, v18, v11;
	vm2 =	veq.s32 v10, v13  }
0xa9: {  	v11 =	vsel vm1, v19, v11;
	v14 =	vadd.f32 v23, v17;
	v16 =	vadd.f32 v20, v16  }
0xaa: {  	vm1 =	veq.s32 v10, v15;
	v10 =	vsel vm2, v42, v11  }
0xab: {  	s15 =	rddreg [dreg:$0x4];
	v10 =	vsel vm1, v43, v10;
	v12 =	vadd.f32 v16, v14  }
0xac: {  	s14 =	rddreg [dreg:$0x2];
	s11 =	sadd.s32 s15, s11;
	[tilespmem:s5+$0x1A000] =	vst v10  }
0xad: {  	s13 =	sadd.s32 s14, s11;
	s14 =	simm.s32 $0x9000;
	[tilespmem:s5+$0x19000] =	vst v12  }
0xae: {  	[hbm4b:s13+s22] =	stream.strided.scatter [tilespmem:s14], [sflag:$0x9], $0x2000, s23, s22, $0x38;
	[tilespmem:$0x1B000] =	vst v63  }
0xaf: {  	s13 =	simm.s32 @!p0 $0xE  }
0xb0: {  	_ =	swait.ge @!p0 [sflag:s13], $0x2000  }
0xb1: {  	[sflag:s13] =	ssyncset.done @!p0 $0x0  }
0xb2: {  	[sflag:s13] =	ssyncadd.s32 @!p0 $0xFFFFE000  }
0xb3: {  	v10 =	vld.msk [tilespmem:s12+$0x280], $0x1;
	_ =	sdelay $0x4  }
0xb4: {  	v11 =	vshll.u32 v10, $0x6  }
0xb5: {  	v10 =	vand.u32 $0x7, v10;
	v11 =	vand.u32 $0xFFFFFE00, v11  }
0xb6: {  	v11 =	vor.u32 v10, v11;
	v10 =	vimm.s32 $0x0  }
0xb7: {  	v11 =	vperm.xlane v11, v10;
	_ =	sdelay $0x1  }
0xb8: {  	v11 =	vadd.s32 v2, v11;
	_ =	sdelay $0x3  }
0xb9: {  	s13 =	simm.s32 $0x0  }
0xba: {  	[tilespmem:s6], [sflag:$0x6] =	stream.indirect_vreg.gather [hbm4b:s2+s13], $0x80, v11, vm0, $0xb8;
	[tilespmem:$0x1B000] =	vst v63  }
0xbb: {  	s15 =	simm.s32 $0x13800  }
0xbc: {  	[tilespmem:s15], [sflag:$0x6] =	stream.indirect_vreg.gather [hbm4b:s8+s13], $0x80, v11, vm0, $0xb8;
	[tilespmem:$0x1B000] =	vst v63  }
0xbd: {  	s15 =	simm.s32 $0x14000  }
0xbe: {  	[tilespmem:s15], [sflag:$0x6] =	stream.indirect_vreg.gather [hbm4b:s9+s13], $0x80, v11, vm0, $0xb8;
	[tilespmem:$0x1B000] =	vst v63  }
0xbf: {  	s15 =	simm.s32 $0x14800  }
0xc0: {  	[tilespmem:s15], [sflag:$0x6] =	stream.indirect_vreg.gather [hbm4b:s10+s13], $0x80, v11, vm0, $0xb8;
	[tilespmem:$0x1B000] =	vst v63  }
0xc1: {  	_ =	swait.ge [sflag:s20], $0x2000  }
0xc2: {  	[sflag:s20] =	ssyncset.done $0x0  }
0xc3: {  	[sflag:s20] =	ssyncadd.s32 $0xFFFFE000  }
0xc4: {  	s15 =	simm.s32 $0x0;
	v15 =	vld [tilespmem:s5+$0x8010]  }
0xc5: {  	v26 =	vld [tilespmem:s15+$0xB040]  }
0xc6: {  	v25 =	vld [tilespmem:s15+$0xB050]  }
0xc7: {  	v29 =	vld [tilespmem:s15+$0xB000]  }
0xc8: {  	v59 =	vld [tilespmem:s15+$0xB010]  }
0xc9: {  	v23 =	vld [tilespmem:s15+$0xB020]  }
0xca: {  	v28 =	vld [tilespmem:s15+$0xB030]  }
0xcb: {  	v36 =	vimm.f32 $0.0e+00;
	v24 =	vld [tilespmem:s15+$0xB060];
	v12 =	vmul.f32 $1.442695020e+00, v26  }
0xcc: {  	v34 =	vimm.f32 $0.0e+00;
	v35 =	vimm.f32 $0.0e+00;
	s14 =	simm.s32 $0x80;
	v27 =	vld [tilespmem:s15+$0xB070];
	v13 =	vmul.f32 $1.442695020e+00, v25  }
0xcd: {  	v30 =	vimm.f32 $0.0e+00;
	v22 =	vld [tilespmem:s14+$0xB000];
	v18 =	vmul.f32 $1.442695020e+00, v29;
	(erf) = vpow2.f32 v12  }
0xce: {  	v17 =	vadd.s32 v0, v15;
	v19 =	vmul.f32 $1.442695020e+00, v59;
	(erf) = vpow2.f32 v13  }
0xcf: {  	v16 =	vadd.s32 v3, v15;
	v21 =	vmul.f32 $1.442695020e+00, v23;
	(erf) = vpow2.f32 v18  }
0xd0: {  	v20 =	vadd.s32 v4, v15;
	v31 =	vmul.f32 $1.442695020e+00, v28;
	(erf) = vpow2.f32 v19  }
0xd1: {  	v11 =	vadd.s32 v5, v15;
	v60 =	vmul.f32 $1.442695020e+00, v24;
	v61 =	vmul.f32 $1.442695020e+00, v27;
	v18 =	vld [tilespmem:s14+$0xB040]  }
0xd2: {  	v14 =	vadd.s32 v6, v15;
	v39 =	vmul.f32 $1.442695020e+00, v22;
	v19 =	vld [tilespmem:s14+$0xB050];
	(erf) = vpow2.f32 v21  }
0xd3: {  	vm4 =	veq.s32 v10, v14;
	vm6 =	veq.s32 v10, v20;
	(erf) = vpow2.f32 v31  }
0xd4: {  	vm5 =	veq.s32 v10, v11;
	vm7 =	veq.s32 v10, v17;
	v21 =	vld [tilespmem:s14+$0xB010];
	(erf) = vpow2.f32 v60  }
0xd5: {  	v33 =	vld [tilespmem:s14+$0xB020];
	vm8 =	veq.s32 v10, v16;
	v29 =	vsel vm7, v29, v30;
	(erf) = vpow2.f32 v61  }
0xd6: {  	v12 =	vadd.s32 v7, v15;
	v40 =	vsel vm8, v59, v29;
	v29 =	vld [tilespmem:s14+$0xB030];
	v62 =	vmul.f32 $1.442695020e+00, v18;
	v31 =	vpop (erf)  }
0xd7: {  	v13 =	vadd.s32 v8, v15;
	v15 =	vadd.s32 v9, v15;
	v63 =	vmul.f32 $1.442695020e+00, v19;
	v32 =	vpop (erf)  }
0xd8: {  	vm3 =	veq.s32 v10, v12;
	vm2 =	veq.s32 v10, v13;
	(erf) = vpow2.f32 v62;
	v37 =	vpop (erf)  }
0xd9: {  	s13 =	sor.u32 $0x10, s5;
	s15 =	simm.s32 $0x400;
	vm1 =	veq.s32 v10, v15;
	v41 =	vmul.f32 $1.442695020e+00, v21;
	(erf) = vpow2.f32 v63;
	v38 =	vpop (erf)  }
.LBB2_5:
0xda: {  	p1 =	sne.s32 s15, $0x7E00;
	v42 =	vmul.f32 $1.442695020e+00, v33;
	(erf) = vpow2.f32 v39;
	v43 =	vsel vm6, v23, v40;
	v23 =	vmovc v33  }
0xdb: {  	v33 =	vmul.f32 $1.442695020e+00, v29;
	v40 =	vld [tilespmem:s14+$0xB060];
	(erf) = vpow2.f32 v41;
	v43 =	vsel vm5, v28, v43;
	v39 =	vpop (erf)  }
0xdc: {  	v30 =	vadd.f32 v37, v30;
	v36 =	vadd.f32 v38, v36;
	v41 =	vld [tilespmem:s14+$0xB070];
	v37 =	vsel vm4, v26, v43;
	v28 =	vpop (erf)  }
0xdd: {  	v34 =	vadd.f32 v39, v34;
	v38 =	vadd.f32 v28, v35;
	v35 =	vsel vm3, v25, v37;
	v26 =	vpop (erf)  }
0xde: {  	s14 =	sshra.s32 s15, $0x2;
	v30 =	vadd.f32 v31, v30;
	v36 =	vadd.f32 v32, v36;
	v31 =	vsel vm2, v24, v35;
	v25 =	vpop (erf)  }
0xdf: {  	v34 =	vadd.f32 v26, v34;
	v26 =	vmovc v18;
	v35 =	vadd.f32 v25, v38;
	v43 =	vsel vm1, v27, v31;
	v18 =	vld [tilespmem:s14+$0xB040]  }
0xe0: {  	v28 =	vmovc v29;
	v25 =	vmovc v19;
	v27 =	vmul.f32 $1.442695020e+00, v40;
	(erf) = vpow2.f32 v42;
	v24 =	vmov v40;
	v19 =	vld [tilespmem:s14+$0xB050]  }
0xe1: {  	v10 =	vadd.s32 $0x80, v10;
	v40 =	vld [tilespmem:s14+$0xB000];
	v29 =	vmul.f32 $1.442695020e+00, v41;
	(erf) = vpow2.f32 v33;
	v31 =	vpop (erf)  }
0xe2: {  	vm2 =	veq.s32 v10, v13;
	vm1 =	veq.s32 v10, v15;
	v42 =	vld [tilespmem:s14+$0xB010];
	v32 =	vpop (erf);
	(erf) = vpow2.f32 v27  }
.Ltmp1:
0xe3: {  	vm4 =	veq.s32 v10, v14;
	vm3 =	veq.s32 v10, v12;
	v33 =	vld [tilespmem:s14+$0xB020];
	v37 =	vpop (erf);
	(erf) = vpow2.f32 v29;
	(pc) =	sbr.rel @p1 .LBB2_5-.Ltmp1, $4  }
0xe4: {  	vm6 =	veq.s32 v10, v20;
	vm5 =	veq.s32 v10, v11;
	v29 =	vld [tilespmem:s14+$0xB030];
	v44 =	vmul.f32 $1.442695020e+00, v18;
	v38 =	vpop (erf)  }
0xe5: {  	vm7 =	veq.s32 v10, v17;
	vm8 =	veq.s32 v10, v16;
	v27 =	vmovc v41;
	v45 =	vmul.f32 $1.442695020e+00, v19  }
0xe6: {  	v43 =	vsel vm7, v22, v43;
	v39 =	vmul.f32 $1.442695020e+00, v40;
	(erf) = vpow2.f32 v44;
	v22 =	vmovc v40  }
0xe7: {  	s15 =	sadd.s32 $0x200, s15;
	v40 =	vsel vm8, v21, v43;
	v41 =	vmul.f32 $1.442695020e+00, v42;
	(erf) = vpow2.f32 v45;
	v21 =	vmovc v42  }
0xe8: {  	v42 =	vld [tilespmem:s14+$0xB060]  }
0xe9: {  	v43 =	vld [tilespmem:s14+$0xB070]  }
0xea: {  	(erf) = vpow2.f32 v39  }
0xeb: {  	v44 =	vmul.f32 $1.442695020e+00, v33;
	(erf) = vpow2.f32 v41  }
0xec: {  	v50 =	vmul.f32 $1.442695020e+00, v29  }
0xed: {  	v23 =	vsel vm6, v23, v40;
	v52 =	vpop (erf);
	(erf) = vpow2.f32 v44;
	v51 =	vmul.f32 $1.442695020e+00, v42  }
0xee: {  	v23 =	vsel vm5, v28, v23;
	v53 =	vpop (erf);
	(erf) = vpow2.f32 v50;
	v45 =	vmul.f32 $1.442695020e+00, v43  }
0xef: {  	v28 =	vadd.f32 v37, v30;
	v30 =	vadd.f32 v38, v36;
	v54 =	vpop (erf);
	(erf) = vpow2.f32 v51  }
0xf0: {  	v23 =	vsel vm4, v26, v23;
	v26 =	vadd.f32 v52, v34;
	v55 =	vpop (erf);
	(erf) = vpow2.f32 v45  }
0xf1: {  	v56 =	vpop (erf)  }
0xf2: {  	v10 =	vadd.s32 $0x80, v10;
	v57 =	vadd.f32 v53, v35;
	v23 =	vsel vm3, v25, v23;
	v58 =	vpop (erf)  }
0xf3: {  	v25 =	vadd.f32 v31, v28;
	v28 =	vadd.f32 v32, v30;
	vm3 =	veq.s32 v10, v16;
	v30 =	vpop (erf)  }
0xf4: {  	v23 =	vsel vm2, v24, v23;
	v24 =	vadd.f32 v54, v26;
	vm2 =	veq.s32 v10, v17;
	v26 =	vpop (erf)  }
0xf5: {  	v23 =	vsel vm1, v27, v23;
	v17 =	vadd.f32 v30, v25;
	v25 =	vadd.f32 v26, v28  }
0xf6: {  	v31 =	vadd.f32 v55, v57;
	vm1 =	veq.s32 v10, v20;
	v22 =	vsel vm2, v22, v23;
	v20 =	vpop (erf)  }
0xf7: {  	vm2 =	veq.s32 v10, v14;
	v21 =	vsel vm3, v21, v22;
	v26 =	vpop (erf)  }
0xf8: {  	vm3 =	veq.s32 v10, v11;
	v16 =	vadd.f32 v20, v24;
	v20 =	vadd.f32 v26, v31;
	v24 =	vpop (erf)  }
0xf9: {  	v11 =	vsel vm1, v33, v21;
	v17 =	vadd.f32 v56, v17;
	v23 =	vadd.f32 v58, v25;
	v25 =	vpop (erf)  }
0xfa: {  	v11 =	vsel vm3, v29, v11;
	v16 =	vadd.f32 v24, v16;
	v20 =	vadd.f32 v25, v20  }
0xfb: {  	vm1 =	veq.s32 v10, v12;
	v11 =	vsel vm2, v18, v11;
	vm2 =	veq.s32 v10, v13  }
0xfc: {  	v11 =	vsel vm1, v19, v11;
	v14 =	vadd.f32 v23, v17;
	v16 =	vadd.f32 v20, v16  }
0xfd: {  	vm1 =	veq.s32 v10, v15;
	v10 =	vsel vm2, v42, v11  }
0xfe: {  	v10 =	vsel vm1, v43, v10;
	v12 =	vadd.f32 v16, v14  }
0xff: {  	s14 =	rddreg [dreg:$0x7];
	[tilespmem:s13+$0x1A000] =	vst v10  }
0x100: {  	s15 =	simm.s32 $0xB000;
	[tilespmem:s13+$0x19000] =	vst v12;
	s13 =	sadd.s32 s11, s14  }
0x101: {  	[hbm4b:s13+s22] =	stream.strided.scatter [tilespmem:s15], [sflag:$0xA], $0x2000, s23, s22, $0x38;
	[tilespmem:$0x1B000] =	vst v63  }
0x102: {  	s13 =	simm.s32 @!p0 $0xF  }
0x103: {  	_ =	swait.ge @!p0 [sflag:s13], $0x2000  }
0x104: {  	[sflag:s13] =	ssyncset.done @!p0 $0x0  }
0x105: {  	[sflag:s13] =	ssyncadd.s32 @!p0 $0xFFFFE000  }
0x106: {  	v10 =	vld.msk [tilespmem:s12+$0x300], $0x1;
	_ =	sdelay $0x4  }
0x107: {  	v11 =	vshll.u32 v10, $0x6  }
0x108: {  	v10 =	vand.u32 $0x7, v10;
	v11 =	vand.u32 $0xFFFFFE00, v11  }
0x109: {  	v11 =	vor.u32 v10, v11;
	v10 =	vimm.s32 $0x0  }
0x10a: {  	v11 =	vperm.xlane v11, v10;
	_ =	sdelay $0x1  }
0x10b: {  	v11 =	vadd.s32 v2, v11;
	_ =	sdelay $0x3  }
0x10c: {  	s13 =	simm.s32 $0x0  }
0x10d: {  	[tilespmem:s21], [sflag:$0x7] =	stream.indirect_vreg.gather [hbm4b:s2+s13], $0x80, v11, vm0, $0xb8;
	[tilespmem:$0x1B000] =	vst v63  }
0x10e: {  	s15 =	simm.s32 $0x15800  }
0x10f: {  	[tilespmem:s15], [sflag:$0x7] =	stream.indirect_vreg.gather [hbm4b:s8+s13], $0x80, v11, vm0, $0xb8;
	[tilespmem:$0x1B000] =	vst v63  }
0x110: {  	s15 =	simm.s32 $0x16000  }
0x111: {  	[tilespmem:s15], [sflag:$0x7] =	stream.indirect_vreg.gather [hbm4b:s9+s13], $0x80, v11, vm0, $0xb8;
	[tilespmem:$0x1B000] =	vst v63  }
0x112: {  	s15 =	simm.s32 $0x16800  }
0x113: {  	[tilespmem:s15], [sflag:$0x7] =	stream.indirect_vreg.gather [hbm4b:s10+s13], $0x80, v11, vm0, $0xb8;
	[tilespmem:$0x1B000] =	vst v63  }
0x114: {  	_ =	swait.ge [sflag:s1], $0x2000  }
0x115: {  	[sflag:s1] =	ssyncset.done $0x0  }
0x116: {  	[sflag:s1] =	ssyncadd.s32 $0xFFFFE000  }
0x117: {  	s15 =	simm.s32 $0x0;
	v15 =	vld [tilespmem:s5+$0x8020]  }
0x118: {  	v26 =	vld [tilespmem:s15+$0xD040]  }
0x119: {  	v25 =	vld [tilespmem:s15+$0xD050]  }
0x11a: {  	v29 =	vld [tilespmem:s15+$0xD000]  }
0x11b: {  	v59 =	vld [tilespmem:s15+$0xD010]  }
0x11c: {  	v23 =	vld [tilespmem:s15+$0xD020]  }
0x11d: {  	v28 =	vld [tilespmem:s15+$0xD030]  }
0x11e: {  	v36 =	vimm.f32 $0.0e+00;
	v24 =	vld [tilespmem:s15+$0xD060];
	v12 =	vmul.f32 $1.442695020e+00, v26  }
0x11f: {  	v34 =	vimm.f32 $0.0e+00;
	v35 =	vimm.f32 $0.0e+00;
	s14 =	simm.s32 $0x80;
	v27 =	vld [tilespmem:s15+$0xD070];
	v13 =	vmul.f32 $1.442695020e+00, v25  }
0x120: {  	v30 =	vimm.f32 $0.0e+00;
	v22 =	vld [tilespmem:s14+$0xD000];
	v18 =	vmul.f32 $1.442695020e+00, v29;
	(erf) = vpow2.f32 v12  }
0x121: {  	v17 =	vadd.s32 v0, v15;
	v19 =	vmul.f32 $1.442695020e+00, v59;
	(erf) = vpow2.f32 v13  }
0x122: {  	v16 =	vadd.s32 v3, v15;
	v21 =	vmul.f32 $1.442695020e+00, v23;
	(erf) = vpow2.f32 v18  }
0x123: {  	v20 =	vadd.s32 v4, v15;
	v31 =	vmul.f32 $1.442695020e+00, v28;
	(erf) = vpow2.f32 v19  }
0x124: {  	v11 =	vadd.s32 v5, v15;
	v60 =	vmul.f32 $1.442695020e+00, v24;
	v61 =	vmul.f32 $1.442695020e+00, v27;
	v18 =	vld [tilespmem:s14+$0xD040]  }
0x125: {  	v14 =	vadd.s32 v6, v15;
	v39 =	vmul.f32 $1.442695020e+00, v22;
	v19 =	vld [tilespmem:s14+$0xD050];
	(erf) = vpow2.f32 v21  }
0x126: {  	vm4 =	veq.s32 v10, v14;
	vm6 =	veq.s32 v10, v20;
	(erf) = vpow2.f32 v31  }
0x127: {  	vm5 =	veq.s32 v10, v11;
	vm7 =	veq.s32 v10, v17;
	v21 =	vld [tilespmem:s14+$0xD010];
	(erf) = vpow2.f32 v60  }
0x128: {  	v33 =	vld [tilespmem:s14+$0xD020];
	vm8 =	veq.s32 v10, v16;
	v29 =	vsel vm7, v29, v30;
	(erf) = vpow2.f32 v61  }
0x129: {  	v12 =	vadd.s32 v7, v15;
	v40 =	vsel vm8, v59, v29;
	v29 =	vld [tilespmem:s14+$0xD030];
	v62 =	vmul.f32 $1.442695020e+00, v18;
	v31 =	vpop (erf)  }
0x12a: {  	v13 =	vadd.s32 v8, v15;
	v15 =	vadd.s32 v9, v15;
	v63 =	vmul.f32 $1.442695020e+00, v19;
	v32 =	vpop (erf)  }
0x12b: {  	vm3 =	veq.s32 v10, v12;
	vm2 =	veq.s32 v10, v13;
	(erf) = vpow2.f32 v62;
	v37 =	vpop (erf)  }
0x12c: {  	s13 =	sor.u32 $0x20, s5;
	s15 =	simm.s32 $0x400;
	vm1 =	veq.s32 v10, v15;
	v41 =	vmul.f32 $1.442695020e+00, v21;
	(erf) = vpow2.f32 v63;
	v38 =	vpop (erf)  }
.LBB2_7:
0x12d: {  	p1 =	sne.s32 s15, $0x7E00;
	v42 =	vmul.f32 $1.442695020e+00, v33;
	(erf) = vpow2.f32 v39;
	v43 =	vsel vm6, v23, v40;
	v23 =	vmovc v33  }
0x12e: {  	v33 =	vmul.f32 $1.442695020e+00, v29;
	v40 =	vld [tilespmem:s14+$0xD060];
	(erf) = vpow2.f32 v41;
	v43 =	vsel vm5, v28, v43;
	v39 =	vpop (erf)  }
0x12f: {  	v30 =	vadd.f32 v37, v30;
	v36 =	vadd.f32 v38, v36;
	v41 =	vld [tilespmem:s14+$0xD070];
	v37 =	vsel vm4, v26, v43;
	v28 =	vpop (erf)  }
0x130: {  	v34 =	vadd.f32 v39, v34;
	v38 =	vadd.f32 v28, v35;
	v35 =	vsel vm3, v25, v37;
	v26 =	vpop (erf)  }
0x131: {  	s14 =	sshra.s32 s15, $0x2;
	v30 =	vadd.f32 v31, v30;
	v36 =	vadd.f32 v32, v36;
	v31 =	vsel vm2, v24, v35;
	v25 =	vpop (erf)  }
0x132: {  	v34 =	vadd.f32 v26, v34;
	v26 =	vmovc v18;
	v35 =	vadd.f32 v25, v38;
	v43 =	vsel vm1, v27, v31;
	v18 =	vld [tilespmem:s14+$0xD040]  }
0x133: {  	v28 =	vmovc v29;
	v25 =	vmovc v19;
	v27 =	vmul.f32 $1.442695020e+00, v40;
	(erf) = vpow2.f32 v42;
	v24 =	vmov v40;
	v19 =	vld [tilespmem:s14+$0xD050]  }
0x134: {  	v10 =	vadd.s32 $0x80, v10;
	v40 =	vld [tilespmem:s14+$0xD000];
	v29 =	vmul.f32 $1.442695020e+00, v41;
	(erf) = vpow2.f32 v33;
	v31 =	vpop (erf)  }
0x135: {  	vm2 =	veq.s32 v10, v13;
	vm1 =	veq.s32 v10, v15;
	v42 =	vld [tilespmem:s14+$0xD010];
	v32 =	vpop (erf);
	(erf) = vpow2.f32 v27  }
.Ltmp2:
0x136: {  	vm4 =	veq.s32 v10, v14;
	vm3 =	veq.s32 v10, v12;
	v33 =	vld [tilespmem:s14+$0xD020];
	v37 =	vpop (erf);
	(erf) = vpow2.f32 v29;
	(pc) =	sbr.rel @p1 .LBB2_7-.Ltmp2, $4  }
0x137: {  	vm6 =	veq.s32 v10, v20;
	vm5 =	veq.s32 v10, v11;
	v29 =	vld [tilespmem:s14+$0xD030];
	v44 =	vmul.f32 $1.442695020e+00, v18;
	v38 =	vpop (erf)  }
0x138: {  	vm7 =	veq.s32 v10, v17;
	vm8 =	veq.s32 v10, v16;
	v27 =	vmovc v41;
	v45 =	vmul.f32 $1.442695020e+00, v19  }
0x139: {  	v43 =	vsel vm7, v22, v43;
	v39 =	vmul.f32 $1.442695020e+00, v40;
	(erf) = vpow2.f32 v44;
	v22 =	vmovc v40  }
0x13a: {  	s15 =	sadd.s32 $0x200, s15;
	v40 =	vsel vm8, v21, v43;
	v41 =	vmul.f32 $1.442695020e+00, v42;
	(erf) = vpow2.f32 v45;
	v21 =	vmovc v42  }
0x13b: {  	v42 =	vld [tilespmem:s14+$0xD060]  }
0x13c: {  	v43 =	vld [tilespmem:s14+$0xD070]  }
0x13d: {  	(erf) = vpow2.f32 v39  }
0x13e: {  	v44 =	vmul.f32 $1.442695020e+00, v33;
	(erf) = vpow2.f32 v41  }
0x13f: {  	v50 =	vmul.f32 $1.442695020e+00, v29  }
0x140: {  	v23 =	vsel vm6, v23, v40;
	v52 =	vpop (erf);
	(erf) = vpow2.f32 v44;
	v51 =	vmul.f32 $1.442695020e+00, v42  }
0x141: {  	v23 =	vsel vm5, v28, v23;
	v53 =	vpop (erf);
	(erf) = vpow2.f32 v50;
	v45 =	vmul.f32 $1.442695020e+00, v43  }
0x142: {  	v28 =	vadd.f32 v37, v30;
	v30 =	vadd.f32 v38, v36;
	v54 =	vpop (erf);
	(erf) = vpow2.f32 v51  }
0x143: {  	v23 =	vsel vm4, v26, v23;
	v26 =	vadd.f32 v52, v34;
	v55 =	vpop (erf);
	(erf) = vpow2.f32 v45  }
0x144: {  	v56 =	vpop (erf)  }
0x145: {  	v10 =	vadd.s32 $0x80, v10;
	v57 =	vadd.f32 v53, v35;
	v23 =	vsel vm3, v25, v23;
	v58 =	vpop (erf)  }
0x146: {  	v25 =	vadd.f32 v31, v28;
	v28 =	vadd.f32 v32, v30;
	vm3 =	veq.s32 v10, v16;
	v30 =	vpop (erf)  }
0x147: {  	v23 =	vsel vm2, v24, v23;
	v24 =	vadd.f32 v54, v26;
	vm2 =	veq.s32 v10, v17;
	v26 =	vpop (erf)  }
0x148: {  	v23 =	vsel vm1, v27, v23;
	v17 =	vadd.f32 v30, v25;
	v25 =	vadd.f32 v26, v28  }
0x149: {  	v31 =	vadd.f32 v55, v57;
	vm1 =	veq.s32 v10, v20;
	v22 =	vsel vm2, v22, v23;
	v20 =	vpop (erf)  }
0x14a: {  	vm2 =	veq.s32 v10, v14;
	v21 =	vsel vm3, v21, v22;
	v26 =	vpop (erf)  }
0x14b: {  	vm3 =	veq.s32 v10, v11;
	v16 =	vadd.f32 v20, v24;
	v20 =	vadd.f32 v26, v31;
	v24 =	vpop (erf)  }
0x14c: {  	v11 =	vsel vm1, v33, v21;
	v17 =	vadd.f32 v56, v17;
	v23 =	vadd.f32 v58, v25;
	v25 =	vpop (erf)  }
0x14d: {  	v11 =	vsel vm3, v29, v11;
	v16 =	vadd.f32 v24, v16;
	v20 =	vadd.f32 v25, v20  }
0x14e: {  	vm1 =	veq.s32 v10, v12;
	v11 =	vsel vm2, v18, v11;
	vm2 =	veq.s32 v10, v13  }
0x14f: {  	v11 =	vsel vm1, v19, v11;
	v14 =	vadd.f32 v23, v17;
	v16 =	vadd.f32 v20, v16  }
0x150: {  	vm1 =	veq.s32 v10, v15;
	v10 =	vsel vm2, v42, v11  }
0x151: {  	v10 =	vsel vm1, v43, v10;
	v12 =	vadd.f32 v16, v14  }
0x152: {  	s14 =	rddreg [dreg:$0x8];
	[tilespmem:s13+$0x1A000] =	vst v10  }
0x153: {  	s15 =	simm.s32 $0xD000;
	[tilespmem:s13+$0x19000] =	vst v12;
	s13 =	sadd.s32 s11, s14  }
0x154: {  	[hbm4b:s13+s22] =	stream.strided.scatter [tilespmem:s15], [sflag:$0xB], $0x2000, s23, s22, $0x38;
	[tilespmem:$0x1B000] =	vst v63  }
0x155: {  	s13 =	simm.s32 @!p0 $0x10  }
0x156: {  	_ =	swait.ge @!p0 [sflag:s13], $0x2000  }
0x157: {  	[sflag:s13] =	ssyncset.done @!p0 $0x0  }
0x158: {  	[sflag:s13] =	ssyncadd.s32 @!p0 $0xFFFFE000  }
0x159: {  	v10 =	vld.msk [tilespmem:s12+$0x380], $0x1;
	_ =	sdelay $0x4  }
0x15a: {  	v11 =	vshll.u32 v10, $0x6  }
0x15b: {  	v10 =	vand.u32 $0x7, v10;
	v11 =	vand.u32 $0xFFFFFE00, v11  }
0x15c: {  	v11 =	vor.u32 v10, v11;
	v10 =	vimm.s32 $0x0  }
0x15d: {  	v11 =	vperm.xlane v11, v10;
	_ =	sdelay $0x1  }
0x15e: {  	v11 =	vadd.s32 v2, v11;
	_ =	sdelay $0x3  }
0x15f: {  	s13 =	simm.s32 $0x0  }
0x160: {  	[tilespmem:s0], [sflag:$0x8] =	stream.indirect_vreg.gather [hbm4b:s2+s13], $0x80, v11, vm0, $0xb8;
	[tilespmem:$0x1B000] =	vst v63  }
0x161: {  	s15 =	simm.s32 $0x17800  }
0x162: {  	[tilespmem:s15], [sflag:$0x8] =	stream.indirect_vreg.gather [hbm4b:s8+s13], $0x80, v11, vm0, $0xb8;
	[tilespmem:$0x1B000] =	vst v63  }
0x163: {  	s15 =	simm.s32 $0x18000  }
0x164: {  	[tilespmem:s15], [sflag:$0x8] =	stream.indirect_vreg.gather [hbm4b:s9+s13], $0x80, v11, vm0, $0xb8;
	[tilespmem:$0x1B000] =	vst v63  }
0x165: {  	s15 =	simm.s32 $0x18800  }
0x166: {  	[tilespmem:s15], [sflag:$0x8] =	stream.indirect_vreg.gather [hbm4b:s10+s13], $0x80, v11, vm0, $0xb8;
	[tilespmem:$0x1B000] =	vst v63  }
0x167: {  	_ =	swait.ge [sflag:s4], $0x2000  }
0x168: {  	[sflag:s4] =	ssyncset.done $0x0  }
0x169: {  	[sflag:s4] =	ssyncadd.s32 $0xFFFFE000  }
0x16a: {  	s15 =	simm.s32 $0x0;
	v15 =	vld [tilespmem:s5+$0x8030]  }
0x16b: {  	v26 =	vld [tilespmem:s15+$0xF040]  }
0x16c: {  	v25 =	vld [tilespmem:s15+$0xF050]  }
0x16d: {  	v29 =	vld [tilespmem:s15+$0xF000]  }
0x16e: {  	v59 =	vld [tilespmem:s15+$0xF010]  }
0x16f: {  	v23 =	vld [tilespmem:s15+$0xF020]  }
0x170: {  	v28 =	vld [tilespmem:s15+$0xF030]  }
0x171: {  	v36 =	vimm.f32 $0.0e+00;
	v24 =	vld [tilespmem:s15+$0xF060];
	v12 =	vmul.f32 $1.442695020e+00, v26  }
0x172: {  	v34 =	vimm.f32 $0.0e+00;
	v35 =	vimm.f32 $0.0e+00;
	s14 =	simm.s32 $0x80;
	v27 =	vld [tilespmem:s15+$0xF070];
	v13 =	vmul.f32 $1.442695020e+00, v25  }
0x173: {  	v30 =	vimm.f32 $0.0e+00;
	v22 =	vld [tilespmem:s14+$0xF000];
	v18 =	vmul.f32 $1.442695020e+00, v29;
	(erf) = vpow2.f32 v12  }
0x174: {  	v17 =	vadd.s32 v0, v15;
	v19 =	vmul.f32 $1.442695020e+00, v59;
	(erf) = vpow2.f32 v13  }
0x175: {  	v16 =	vadd.s32 v3, v15;
	v21 =	vmul.f32 $1.442695020e+00, v23;
	(erf) = vpow2.f32 v18  }
0x176: {  	v20 =	vadd.s32 v4, v15;
	v31 =	vmul.f32 $1.442695020e+00, v28;
	(erf) = vpow2.f32 v19  }
0x177: {  	v11 =	vadd.s32 v5, v15;
	v60 =	vmul.f32 $1.442695020e+00, v24;
	v61 =	vmul.f32 $1.442695020e+00, v27;
	v18 =	vld [tilespmem:s14+$0xF040]  }
0x178: {  	v14 =	vadd.s32 v6, v15;
	v39 =	vmul.f32 $1.442695020e+00, v22;
	v19 =	vld [tilespmem:s14+$0xF050];
	(erf) = vpow2.f32 v21  }
0x179: {  	vm4 =	veq.s32 v10, v14;
	vm6 =	veq.s32 v10, v20;
	(erf) = vpow2.f32 v31  }
0x17a: {  	vm5 =	veq.s32 v10, v11;
	vm7 =	veq.s32 v10, v17;
	v21 =	vld [tilespmem:s14+$0xF010];
	(erf) = vpow2.f32 v60  }
0x17b: {  	v33 =	vld [tilespmem:s14+$0xF020];
	vm8 =	veq.s32 v10, v16;
	v29 =	vsel vm7, v29, v30;
	(erf) = vpow2.f32 v61  }
0x17c: {  	v12 =	vadd.s32 v7, v15;
	v40 =	vsel vm8, v59, v29;
	v29 =	vld [tilespmem:s14+$0xF030];
	v62 =	vmul.f32 $1.442695020e+00, v18;
	v31 =	vpop (erf)  }
0x17d: {  	v13 =	vadd.s32 v8, v15;
	v15 =	vadd.s32 v9, v15;
	v63 =	vmul.f32 $1.442695020e+00, v19;
	v32 =	vpop (erf)  }
0x17e: {  	vm3 =	veq.s32 v10, v12;
	vm2 =	veq.s32 v10, v13;
	(erf) = vpow2.f32 v62;
	v37 =	vpop (erf)  }
0x17f: {  	s13 =	sor.u32 $0x30, s5;
	s15 =	simm.s32 $0x400;
	vm1 =	veq.s32 v10, v15;
	v41 =	vmul.f32 $1.442695020e+00, v21;
	(erf) = vpow2.f32 v63;
	v38 =	vpop (erf)  }
.LBB2_9:
0x180: {  	p0 =	sne.s32 s15, $0x7E00;
	v42 =	vmul.f32 $1.442695020e+00, v33;
	(erf) = vpow2.f32 v39;
	v43 =	vsel vm6, v23, v40;
	v23 =	vmovc v33  }
0x181: {  	v33 =	vmul.f32 $1.442695020e+00, v29;
	v40 =	vld [tilespmem:s14+$0xF060];
	(erf) = vpow2.f32 v41;
	v43 =	vsel vm5, v28, v43;
	v39 =	vpop (erf)  }
0x182: {  	v30 =	vadd.f32 v37, v30;
	v36 =	vadd.f32 v38, v36;
	v41 =	vld [tilespmem:s14+$0xF070];
	v37 =	vsel vm4, v26, v43;
	v28 =	vpop (erf)  }
0x183: {  	v34 =	vadd.f32 v39, v34;
	v38 =	vadd.f32 v28, v35;
	v35 =	vsel vm3, v25, v37;
	v26 =	vpop (erf)  }
0x184: {  	s14 =	sshra.s32 s15, $0x2;
	v30 =	vadd.f32 v31, v30;
	v36 =	vadd.f32 v32, v36;
	v31 =	vsel vm2, v24, v35;
	v25 =	vpop (erf)  }
0x185: {  	v34 =	vadd.f32 v26, v34;
	v26 =	vmovc v18;
	v35 =	vadd.f32 v25, v38;
	v43 =	vsel vm1, v27, v31;
	v18 =	vld [tilespmem:s14+$0xF040]  }
0x186: {  	v28 =	vmovc v29;
	v25 =	vmovc v19;
	v27 =	vmul.f32 $1.442695020e+00, v40;
	(erf) = vpow2.f32 v42;
	v24 =	vmov v40;
	v19 =	vld [tilespmem:s14+$0xF050]  }
0x187: {  	v10 =	vadd.s32 $0x80, v10;
	v40 =	vld [tilespmem:s14+$0xF000];
	v29 =	vmul.f32 $1.442695020e+00, v41;
	(erf) = vpow2.f32 v33;
	v31 =	vpop (erf)  }
0x188: {  	vm2 =	veq.s32 v10, v13;
	vm1 =	veq.s32 v10, v15;
	v42 =	vld [tilespmem:s14+$0xF010];
	v32 =	vpop (erf);
	(erf) = vpow2.f32 v27  }
.Ltmp3:
0x189: {  	vm4 =	veq.s32 v10, v14;
	vm3 =	veq.s32 v10, v12;
	v33 =	vld [tilespmem:s14+$0xF020];
	v37 =	vpop (erf);
	(erf) = vpow2.f32 v29;
	(pc) =	sbr.rel @p0 .LBB2_9-.Ltmp3, $4  }
0x18a: {  	vm6 =	veq.s32 v10, v20;
	vm5 =	veq.s32 v10, v11;
	v29 =	vld [tilespmem:s14+$0xF030];
	v44 =	vmul.f32 $1.442695020e+00, v18;
	v38 =	vpop (erf)  }
0x18b: {  	vm7 =	veq.s32 v10, v17;
	vm8 =	veq.s32 v10, v16;
	v27 =	vmovc v41;
	v45 =	vmul.f32 $1.442695020e+00, v19  }
0x18c: {  	v43 =	vsel vm7, v22, v43;
	v39 =	vmul.f32 $1.442695020e+00, v40;
	(erf) = vpow2.f32 v44;
	v22 =	vmovc v40  }
0x18d: {  	s15 =	sadd.s32 $0x200, s15;
	v40 =	vsel vm8, v21, v43;
	v41 =	vmul.f32 $1.442695020e+00, v42;
	(erf) = vpow2.f32 v45;
	v21 =	vmovc v42  }
0x18e: {  	v42 =	vld [tilespmem:s14+$0xF060]  }
0x18f: {  	v43 =	vld [tilespmem:s14+$0xF070]  }
0x190: {  	(erf) = vpow2.f32 v39  }
0x191: {  	v44 =	vmul.f32 $1.442695020e+00, v33;
	(erf) = vpow2.f32 v41  }
0x192: {  	v50 =	vmul.f32 $1.442695020e+00, v29  }
0x193: {  	v23 =	vsel vm6, v23, v40;
	v52 =	vpop (erf);
	(erf) = vpow2.f32 v44;
	v51 =	vmul.f32 $1.442695020e+00, v42  }
0x194: {  	v23 =	vsel vm5, v28, v23;
	v53 =	vpop (erf);
	(erf) = vpow2.f32 v50;
	v45 =	vmul.f32 $1.442695020e+00, v43  }
0x195: {  	v28 =	vadd.f32 v37, v30;
	v30 =	vadd.f32 v38, v36;
	v54 =	vpop (erf);
	(erf) = vpow2.f32 v51  }
0x196: {  	v23 =	vsel vm4, v26, v23;
	v26 =	vadd.f32 v52, v34;
	v55 =	vpop (erf);
	(erf) = vpow2.f32 v45  }
0x197: {  	v56 =	vpop (erf)  }
0x198: {  	v10 =	vadd.s32 $0x80, v10;
	v57 =	vadd.f32 v53, v35;
	v23 =	vsel vm3, v25, v23;
	v58 =	vpop (erf)  }
0x199: {  	v25 =	vadd.f32 v31, v28;
	v28 =	vadd.f32 v32, v30;
	vm3 =	veq.s32 v10, v16;
	v30 =	vpop (erf)  }
0x19a: {  	v23 =	vsel vm2, v24, v23;
	v24 =	vadd.f32 v54, v26;
	vm2 =	veq.s32 v10, v17;
	v26 =	vpop (erf)  }
0x19b: {  	v23 =	vsel vm1, v27, v23;
	v17 =	vadd.f32 v30, v25;
	v25 =	vadd.f32 v26, v28  }
0x19c: {  	v31 =	vadd.f32 v55, v57;
	vm1 =	veq.s32 v10, v20;
	v22 =	vsel vm2, v22, v23;
	v20 =	vpop (erf)  }
0x19d: {  	vm2 =	veq.s32 v10, v14;
	v21 =	vsel vm3, v21, v22;
	v26 =	vpop (erf)  }
0x19e: {  	vm3 =	veq.s32 v10, v11;
	v16 =	vadd.f32 v20, v24;
	v20 =	vadd.f32 v26, v31;
	v24 =	vpop (erf)  }
0x19f: {  	v11 =	vsel vm1, v33, v21;
	v17 =	vadd.f32 v56, v17;
	v23 =	vadd.f32 v58, v25;
	v25 =	vpop (erf)  }
0x1a0: {  	v11 =	vsel vm3, v29, v11;
	v16 =	vadd.f32 v24, v16;
	v20 =	vadd.f32 v25, v20  }
0x1a1: {  	vm1 =	veq.s32 v10, v12;
	v11 =	vsel vm2, v18, v11;
	vm2 =	veq.s32 v10, v13  }
0x1a2: {  	v11 =	vsel vm1, v19, v11;
	v14 =	vadd.f32 v23, v17;
	v16 =	vadd.f32 v20, v16  }
0x1a3: {  	vm1 =	veq.s32 v10, v15;
	v10 =	vsel vm2, v42, v11  }
0x1a4: {  	v10 =	vsel vm1, v43, v10;
	v12 =	vadd.f32 v16, v14  }
0x1a5: {  	s14 =	rddreg [dreg:$0x9];
	[tilespmem:s13+$0x1A000] =	vst v10  }
0x1a6: {  	s15 =	simm.s32 $0xF000;
	[tilespmem:s13+$0x19000] =	vst v12;
	s13 =	sadd.s32 s11, s14  }
0x1a7: {  	[hbm4b:s13+s22] =	stream.strided.scatter [tilespmem:s15], [sflag:$0xC], $0x2000, s23, s22, $0x38;
	[tilespmem:$0x1B000] =	vst v63  }
0x1a8: {  	_ =	swait.ge [sflag:s3], $0x2000  }
0x1a9: {  	[sflag:s3] =	ssyncset.done $0x0  }
0x1aa: {  	p0 =	seq.s32 s31, $0x1F;
	[sflag:s3] =	ssyncadd.s32 $0xFFFFE000  }
0x1ab: {  	v10 =	vld.msk @!p0 [tilespmem:s12+$0x400], $0x1;
	_ =	sdelay $0x4  }
0x1ac: {  	v11 =	vshll.u32 @!p0 v10, $0x6  }
0x1ad: {  	v10 =	vand.u32 @!p0 $0x7, v10;
	v11 =	vand.u32 @!p0 $0xFFFFFE00, v11  }
0x1ae: {  	v12 =	vlaneseq.u32 @!p0;
	v10 =	vor.u32 @!p0 v10, v11;
	v11 =	vimm.s32 @!p0 $0x0  }
0x1af: {  	v10 =	vperm.xlane @!p0 v10, v11;
	v11 =	vmul.u32 @!p0 $0x8, v12;
	_ =	sdelay $0x1  }
0x1b0: {  	v10 =	vadd.s32 @!p0 v11, v10;
	_ =	sdelay $0x3  }
0x1b1: {  	vm1 =	vmmov @!p0 $0xffff;
	s14 =	simm.s32 @!p0 $0x9000;
	s13 =	simm.s32 @!p0 $0x0  }
0x1b2: {  	[tilespmem:s14], [sflag:$0x1] =	stream.indirect_vreg.gather @!p0 [hbm4b:s2+s13], $0x80, v10, vm1, $0xb8;
	[tilespmem:$0x1B000] =	vst v63  }
0x1b3: {  	s14 =	simm.s32 @!p0 $0x9800  }
0x1b4: {  	[tilespmem:s14], [sflag:$0x1] =	stream.indirect_vreg.gather @!p0 [hbm4b:s8+s13], $0x80, v10, vm1, $0xb8;
	[tilespmem:$0x1B000] =	vst v63  }
0x1b5: {  	s14 =	simm.s32 @!p0 $0xA000  }
0x1b6: {  	[tilespmem:s14], [sflag:$0x1] =	stream.indirect_vreg.gather @!p0 [hbm4b:s9+s13], $0x80, v10, vm1, $0xb8;
	[tilespmem:$0x1B000] =	vst v63  }
0x1b7: {  	s14 =	simm.s32 @!p0 $0xA800  }
0x1b8: {  	[tilespmem:s14], [sflag:$0x1] =	stream.indirect_vreg.gather @!p0 [hbm4b:s10+s13], $0x80, v10, vm1, $0xb8;
	[tilespmem:$0x1B000] =	vst v63  }
0x1b9: {  	_ =	swait.ge [sflag:s29], $0x2000  }
0x1ba: {  	[sflag:s29] =	ssyncset.done $0x0  }
0x1bb: {  	[sflag:s29] =	ssyncadd.s32 $0xFFFFE000  }
0x1bc: {  	s15 =	simm.s32 $0x0;
	v14 =	vld [tilespmem:s5+$0x8040]  }
0x1bd: {  	v25 =	vld [tilespmem:s15+$0x11040]  }
0x1be: {  	v23 =	vld [tilespmem:s15+$0x11050]  }
0x1bf: {  	v30 =	vld [tilespmem:s15+$0x11000]  }
0x1c0: {  	v59 =	vld [tilespmem:s15+$0x11010]  }
0x1c1: {  	v21 =	vld [tilespmem:s15+$0x11020]  }
0x1c2: {  	v28 =	vld [tilespmem:s15+$0x11030]  }
0x1c3: {  	v36 =	vimm.f32 $0.0e+00;
	v34 =	vimm.f32 $0.0e+00;
	v24 =	vld [tilespmem:s15+$0x11060];
	v11 =	vmul.f32 $1.442695020e+00, v25  }
0x1c4: {  	v35 =	vimm.f32 $0.0e+00;
	v29 =	vimm.f32 $0.0e+00;
	s14 =	simm.s32 $0x80;
	v27 =	vld [tilespmem:s15+$0x11070];
	v12 =	vmul.f32 $1.442695020e+00, v23  }
0x1c5: {  	v26 =	vimm.s32 $0x0;
	v22 =	vld [tilespmem:s14+$0x11000];
	v17 =	vmul.f32 $1.442695020e+00, v30;
	(erf) = vpow2.f32 v11  }
0x1c6: {  	v16 =	vadd.s32 v0, v14;
	v18 =	vmul.f32 $1.442695020e+00, v59;
	(erf) = vpow2.f32 v12  }
0x1c7: {  	v15 =	vadd.s32 v3, v14;
	v20 =	vmul.f32 $1.442695020e+00, v21;
	(erf) = vpow2.f32 v17  }
0x1c8: {  	v19 =	vadd.s32 v4, v14;
	v31 =	vmul.f32 $1.442695020e+00, v28;
	(erf) = vpow2.f32 v18  }
0x1c9: {  	v10 =	vadd.s32 v5, v14;
	v60 =	vmul.f32 $1.442695020e+00, v24;
	v61 =	vmul.f32 $1.442695020e+00, v27;
	v17 =	vld [tilespmem:s14+$0x11040]  }
0x1ca: {  	v13 =	vadd.s32 v6, v14;
	v39 =	vmul.f32 $1.442695020e+00, v22;
	v18 =	vld [tilespmem:s14+$0x11050];
	(erf) = vpow2.f32 v20  }
0x1cb: {  	vm5 =	veq.s32 v26, v13;
	vm7 =	veq.s32 v26, v19;
	(erf) = vpow2.f32 v31  }
0x1cc: {  	vm6 =	veq.s32 v26, v10;
	vm8 =	veq.s32 v26, v16;
	v20 =	vld [tilespmem:s14+$0x11010];
	(erf) = vpow2.f32 v60  }
0x1cd: {  	v33 =	vld [tilespmem:s14+$0x11020];
	vm9 =	veq.s32 v26, v15;
	v30 =	vsel vm8, v30, v29;
	(erf) = vpow2.f32 v61  }
0x1ce: {  	v11 =	vadd.s32 v7, v14;
	v40 =	vsel vm9, v59, v30;
	v30 =	vld [tilespmem:s14+$0x11030];
	v62 =	vmul.f32 $1.442695020e+00, v17;
	v31 =	vpop (erf)  }
0x1cf: {  	v12 =	vadd.s32 v8, v14;
	v14 =	vadd.s32 v9, v14;
	v63 =	vmul.f32 $1.442695020e+00, v18;
	v32 =	vpop (erf)  }
0x1d0: {  	vm4 =	veq.s32 v26, v11;
	vm3 =	veq.s32 v26, v12;
	(erf) = vpow2.f32 v62;
	v37 =	vpop (erf)  }
0x1d1: {  	s13 =	sor.u32 $0x40, s5;
	s15 =	simm.s32 $0x400;
	vm2 =	veq.s32 v26, v14;
	v41 =	vmul.f32 $1.442695020e+00, v20;
	(erf) = vpow2.f32 v63;
	v38 =	vpop (erf)  }
.LBB2_11:
0x1d2: {  	p1 =	sne.s32 s15, $0x7E00;
	v42 =	vmul.f32 $1.442695020e+00, v33;
	(erf) = vpow2.f32 v39;
	v43 =	vsel vm7, v21, v40;
	v21 =	vmovc v33  }
0x1d3: {  	v33 =	vmul.f32 $1.442695020e+00, v30;
	v40 =	vld [tilespmem:s14+$0x11060];
	(erf) = vpow2.f32 v41;
	v43 =	vsel vm6, v28, v43;
	v39 =	vpop (erf)  }
0x1d4: {  	v29 =	vadd.f32 v37, v29;
	v36 =	vadd.f32 v38, v36;
	v41 =	vld [tilespmem:s14+$0x11070];
	v37 =	vsel vm5, v25, v43;
	v28 =	vpop (erf)  }
0x1d5: {  	v34 =	vadd.f32 v39, v34;
	v38 =	vadd.f32 v28, v35;
	v23 =	vsel vm4, v23, v37;
	v25 =	vpop (erf)  }
0x1d6: {  	s14 =	sshra.s32 s15, $0x2;
	v29 =	vadd.f32 v31, v29;
	v36 =	vadd.f32 v32, v36;
	v31 =	vsel vm3, v24, v23;
	v24 =	vpop (erf)  }
0x1d7: {  	v34 =	vadd.f32 v25, v34;
	v25 =	vmovc v17;
	v35 =	vadd.f32 v24, v38;
	v43 =	vsel vm2, v27, v31;
	v17 =	vld [tilespmem:s14+$0x11040]  }
0x1d8: {  	v28 =	vmovc v30;
	v27 =	vmul.f32 $1.442695020e+00, v40;
	(erf) = vpow2.f32 v42;
	v24 =	vmovc v40;
	v23 =	vmov v18;
	v18 =	vld [tilespmem:s14+$0x11050]  }
0x1d9: {  	v26 =	vadd.s32 $0x80, v26;
	v40 =	vld [tilespmem:s14+$0x11000];
	v30 =	vmul.f32 $1.442695020e+00, v41;
	(erf) = vpow2.f32 v33;
	v31 =	vpop (erf)  }
0x1da: {  	vm3 =	veq.s32 v26, v12;
	vm2 =	veq.s32 v26, v14;
	v42 =	vld [tilespmem:s14+$0x11010];
	v32 =	vpop (erf);
	(erf) = vpow2.f32 v27  }
.Ltmp4:
0x1db: {  	vm5 =	veq.s32 v26, v13;
	vm4 =	veq.s32 v26, v11;
	v33 =	vld [tilespmem:s14+$0x11020];
	v37 =	vpop (erf);
	(erf) = vpow2.f32 v30;
	(pc) =	sbr.rel @p1 .LBB2_11-.Ltmp4, $4  }
0x1dc: {  	vm7 =	veq.s32 v26, v19;
	vm6 =	veq.s32 v26, v10;
	v30 =	vld [tilespmem:s14+$0x11030];
	v44 =	vmul.f32 $1.442695020e+00, v17;
	v38 =	vpop (erf)  }
0x1dd: {  	vm8 =	veq.s32 v26, v16;
	vm9 =	veq.s32 v26, v15;
	v27 =	vmovc v41;
	v45 =	vmul.f32 $1.442695020e+00, v18  }
0x1de: {  	v43 =	vsel vm8, v22, v43;
	v39 =	vmul.f32 $1.442695020e+00, v40;
	(erf) = vpow2.f32 v44;
	v22 =	vmovc v40  }
0x1df: {  	s15 =	sadd.s32 $0x200, s15;
	v40 =	vsel vm9, v20, v43;
	v41 =	vmul.f32 $1.442695020e+00, v42;
	(erf) = vpow2.f32 v45;
	v20 =	vmovc v42  }
0x1e0: {  	v42 =	vld [tilespmem:s14+$0x11060]  }
0x1e1: {  	v43 =	vld [tilespmem:s14+$0x11070]  }
0x1e2: {  	(erf) = vpow2.f32 v39  }
0x1e3: {  	v44 =	vmul.f32 $1.442695020e+00, v33;
	(erf) = vpow2.f32 v41  }
0x1e4: {  	v50 =	vmul.f32 $1.442695020e+00, v30  }
0x1e5: {  	v21 =	vsel vm7, v21, v40;
	v52 =	vpop (erf);
	(erf) = vpow2.f32 v44;
	v51 =	vmul.f32 $1.442695020e+00, v42  }
0x1e6: {  	v21 =	vsel vm6, v28, v21;
	v53 =	vpop (erf);
	(erf) = vpow2.f32 v50;
	v45 =	vmul.f32 $1.442695020e+00, v43  }
0x1e7: {  	v28 =	vadd.f32 v37, v29;
	v29 =	vadd.f32 v38, v36;
	v54 =	vpop (erf);
	(erf) = vpow2.f32 v51  }
0x1e8: {  	v55 =	vpop (erf);
	(erf) = vpow2.f32 v45  }
0x1e9: {  	v21 =	vsel vm5, v25, v21;
	v25 =	vadd.f32 v52, v34;
	v56 =	vpop (erf)  }
0x1ea: {  	v57 =	vadd.f32 v53, v35;
	v21 =	vsel vm4, v23, v21;
	v23 =	vadd.f32 v31, v28;
	v58 =	vpop (erf)  }
0x1eb: {  	v28 =	vadd.f32 v32, v29;
	v21 =	vsel vm3, v24, v21;
	v24 =	vadd.f32 v54, v25;
	v29 =	vpop (erf)  }
0x1ec: {  	v25 =	vadd.s32 $0x80, v26;
	v31 =	vadd.f32 v55, v57;
	v21 =	vsel vm2, v27, v21;
	v26 =	vpop (erf)  }
0x1ed: {  	vm3 =	veq.s32 v25, v16;
	v16 =	vadd.f32 v29, v23;
	v23 =	vadd.f32 v26, v28  }
0x1ee: {  	vm2 =	veq.s32 v25, v19;
	vm4 =	veq.s32 v25, v15;
	v21 =	vsel vm3, v22, v21;
	v19 =	vpop (erf)  }
0x1ef: {  	vm3 =	veq.s32 v25, v13;
	v20 =	vsel vm4, v20, v21;
	v26 =	vpop (erf)  }
0x1f0: {  	vm4 =	veq.s32 v25, v10;
	v15 =	vadd.f32 v19, v24;
	v19 =	vadd.f32 v26, v31;
	v24 =	vpop (erf)  }
0x1f1: {  	v10 =	vsel vm2, v33, v20;
	v16 =	vadd.f32 v56, v16;
	v22 =	vadd.f32 v58, v23;
	v23 =	vpop (erf)  }
0x1f2: {  	v10 =	vsel vm4, v30, v10;
	v15 =	vadd.f32 v24, v15;
	v19 =	vadd.f32 v23, v19  }
0x1f3: {  	vm2 =	veq.s32 v25, v11;
	v10 =	vsel vm3, v17, v10;
	vm3 =	veq.s32 v25, v12  }
0x1f4: {  	v10 =	vsel vm2, v18, v10;
	v13 =	vadd.f32 v22, v16;
	v15 =	vadd.f32 v19, v15  }
0x1f5: {  	vm2 =	veq.s32 v25, v14;
	v10 =	vsel vm3, v42, v10  }
0x1f6: {  	v10 =	vsel vm2, v43, v10;
	v11 =	vadd.f32 v15, v13  }
0x1f7: {  	s14 =	rddreg [dreg:$0xa];
	[tilespmem:s13+$0x1A000] =	vst v10  }
0x1f8: {  	[tilespmem:s13+$0x19000] =	vst v11;
	s13 =	sadd.s32 s11, s14  }
0x1f9: {  	[hbm4b:s13+s22] =	stream.strided.scatter [tilespmem:s28], [sflag:$0xD], $0x2000, s23, s22, $0x38;
	[tilespmem:$0x1B000] =	vst v63  }
0x1fa: {  	_ =	swait.ge [sflag:s7], $0x2000  }
0x1fb: {  	[sflag:s7] =	ssyncset.done $0x0  }
0x1fc: {  	[sflag:s7] =	ssyncadd.s32 $0xFFFFE000  }
0x1fd: {  	v10 =	vld.msk @!p0 [tilespmem:s12+$0x480], $0x1;
	_ =	sdelay $0x4  }
0x1fe: {  	v11 =	vshll.u32 @!p0 v10, $0x6  }
0x1ff: {  	v10 =	vand.u32 @!p0 $0x7, v10;
	v11 =	vand.u32 @!p0 $0xFFFFFE00, v11  }
0x200: {  	v12 =	vlaneseq.u32 @!p0;
	v10 =	vor.u32 @!p0 v10, v11;
	v11 =	vimm.s32 @!p0 $0x0  }
0x201: {  	v10 =	vperm.xlane @!p0 v10, v11;
	v11 =	vmul.u32 @!p0 $0x8, v12;
	_ =	sdelay $0x1  }
0x202: {  	v10 =	vadd.s32 @!p0 v11, v10;
	_ =	sdelay $0x3  }
0x203: {  	s14 =	simm.s32 @!p0 $0xB000;
	s13 =	simm.s32 @!p0 $0x0  }
0x204: {  	[tilespmem:s14], [sflag:$0x2] =	stream.indirect_vreg.gather @!p0 [hbm4b:s2+s13], $0x80, v10, vm1, $0xb8;
	[tilespmem:$0x1B000] =	vst v63  }
0x205: {  	s14 =	simm.s32 @!p0 $0xB800  }
0x206: {  	[tilespmem:s14], [sflag:$0x2] =	stream.indirect_vreg.gather @!p0 [hbm4b:s8+s13], $0x80, v10, vm1, $0xb8;
	[tilespmem:$0x1B000] =	vst v63  }
0x207: {  	s14 =	simm.s32 @!p0 $0xC000  }
0x208: {  	[tilespmem:s14], [sflag:$0x2] =	stream.indirect_vreg.gather @!p0 [hbm4b:s9+s13], $0x80, v10, vm1, $0xb8;
	[tilespmem:$0x1B000] =	vst v63  }
0x209: {  	s14 =	simm.s32 @!p0 $0xC800  }
0x20a: {  	[tilespmem:s14], [sflag:$0x2] =	stream.indirect_vreg.gather @!p0 [hbm4b:s10+s13], $0x80, v10, vm1, $0xb8;
	[tilespmem:$0x1B000] =	vst v63  }
0x20b: {  	_ =	swait.ge [sflag:s18], $0x2000  }
0x20c: {  	[sflag:s18] =	ssyncset.done $0x0  }
0x20d: {  	[sflag:s18] =	ssyncadd.s32 $0xFFFFE000  }
0x20e: {  	s15 =	simm.s32 $0x0;
	v14 =	vld [tilespmem:s5+$0x8050]  }
0x20f: {  	v25 =	vld [tilespmem:s15+$0x13040]  }
0x210: {  	v23 =	vld [tilespmem:s15+$0x13050]  }
0x211: {  	v30 =	vld [tilespmem:s15+$0x13000]  }
0x212: {  	v59 =	vld [tilespmem:s15+$0x13010]  }
0x213: {  	v21 =	vld [tilespmem:s15+$0x13020]  }
0x214: {  	v28 =	vld [tilespmem:s15+$0x13030]  }
0x215: {  	v36 =	vimm.f32 $0.0e+00;
	v34 =	vimm.f32 $0.0e+00;
	v24 =	vld [tilespmem:s15+$0x13060];
	v11 =	vmul.f32 $1.442695020e+00, v25  }
0x216: {  	v35 =	vimm.f32 $0.0e+00;
	v29 =	vimm.f32 $0.0e+00;
	s14 =	simm.s32 $0x80;
	v27 =	vld [tilespmem:s15+$0x13070];
	v12 =	vmul.f32 $1.442695020e+00, v23  }
0x217: {  	v26 =	vimm.s32 $0x0;
	v22 =	vld [tilespmem:s14+$0x13000];
	v17 =	vmul.f32 $1.442695020e+00, v30;
	(erf) = vpow2.f32 v11  }
0x218: {  	v16 =	vadd.s32 v0, v14;
	v18 =	vmul.f32 $1.442695020e+00, v59;
	(erf) = vpow2.f32 v12  }
0x219: {  	v15 =	vadd.s32 v3, v14;
	v20 =	vmul.f32 $1.442695020e+00, v21;
	(erf) = vpow2.f32 v17  }
0x21a: {  	v19 =	vadd.s32 v4, v14;
	v31 =	vmul.f32 $1.442695020e+00, v28;
	(erf) = vpow2.f32 v18  }
0x21b: {  	v10 =	vadd.s32 v5, v14;
	v60 =	vmul.f32 $1.442695020e+00, v24;
	v61 =	vmul.f32 $1.442695020e+00, v27;
	v17 =	vld [tilespmem:s14+$0x13040]  }
0x21c: {  	v13 =	vadd.s32 v6, v14;
	v39 =	vmul.f32 $1.442695020e+00, v22;
	v18 =	vld [tilespmem:s14+$0x13050];
	(erf) = vpow2.f32 v20  }
0x21d: {  	vm5 =	veq.s32 v26, v13;
	vm7 =	veq.s32 v26, v19;
	(erf) = vpow2.f32 v31  }
0x21e: {  	vm6 =	veq.s32 v26, v10;
	vm8 =	veq.s32 v26, v16;
	v20 =	vld [tilespmem:s14+$0x13010];
	(erf) = vpow2.f32 v60  }
0x21f: {  	v33 =	vld [tilespmem:s14+$0x13020];
	vm9 =	veq.s32 v26, v15;
	v30 =	vsel vm8, v30, v29;
	(erf) = vpow2.f32 v61  }
0x220: {  	v11 =	vadd.s32 v7, v14;
	v40 =	vsel vm9, v59, v30;
	v30 =	vld [tilespmem:s14+$0x13030];
	v62 =	vmul.f32 $1.442695020e+00, v17;
	v31 =	vpop (erf)  }
0x221: {  	v12 =	vadd.s32 v8, v14;
	v14 =	vadd.s32 v9, v14;
	v63 =	vmul.f32 $1.442695020e+00, v18;
	v32 =	vpop (erf)  }
0x222: {  	vm4 =	veq.s32 v26, v11;
	vm3 =	veq.s32 v26, v12;
	(erf) = vpow2.f32 v62;
	v37 =	vpop (erf)  }
0x223: {  	s13 =	sor.u32 $0x50, s5;
	s15 =	simm.s32 $0x400;
	vm2 =	veq.s32 v26, v14;
	v41 =	vmul.f32 $1.442695020e+00, v20;
	(erf) = vpow2.f32 v63;
	v38 =	vpop (erf)  }
.LBB2_13:
0x224: {  	p1 =	sne.s32 s15, $0x7E00;
	v42 =	vmul.f32 $1.442695020e+00, v33;
	(erf) = vpow2.f32 v39;
	v43 =	vsel vm7, v21, v40;
	v21 =	vmovc v33  }
0x225: {  	v33 =	vmul.f32 $1.442695020e+00, v30;
	v40 =	vld [tilespmem:s14+$0x13060];
	(erf) = vpow2.f32 v41;
	v43 =	vsel vm6, v28, v43;
	v39 =	vpop (erf)  }
0x226: {  	v29 =	vadd.f32 v37, v29;
	v36 =	vadd.f32 v38, v36;
	v41 =	vld [tilespmem:s14+$0x13070];
	v37 =	vsel vm5, v25, v43;
	v28 =	vpop (erf)  }
0x227: {  	v34 =	vadd.f32 v39, v34;
	v38 =	vadd.f32 v28, v35;
	v23 =	vsel vm4, v23, v37;
	v25 =	vpop (erf)  }
0x228: {  	s14 =	sshra.s32 s15, $0x2;
	v29 =	vadd.f32 v31, v29;
	v36 =	vadd.f32 v32, v36;
	v31 =	vsel vm3, v24, v23;
	v24 =	vpop (erf)  }
0x229: {  	v34 =	vadd.f32 v25, v34;
	v25 =	vmovc v17;
	v35 =	vadd.f32 v24, v38;
	v43 =	vsel vm2, v27, v31;
	v17 =	vld [tilespmem:s14+$0x13040]  }
0x22a: {  	v28 =	vmovc v30;
	v27 =	vmul.f32 $1.442695020e+00, v40;
	(erf) = vpow2.f32 v42;
	v24 =	vmovc v40;
	v23 =	vmov v18;
	v18 =	vld [tilespmem:s14+$0x13050]  }
0x22b: {  	v26 =	vadd.s32 $0x80, v26;
	v40 =	vld [tilespmem:s14+$0x13000];
	v30 =	vmul.f32 $1.442695020e+00, v41;
	(erf) = vpow2.f32 v33;
	v31 =	vpop (erf)  }
0x22c: {  	vm3 =	veq.s32 v26, v12;
	vm2 =	veq.s32 v26, v14;
	v42 =	vld [tilespmem:s14+$0x13010];
	v32 =	vpop (erf);
	(erf) = vpow2.f32 v27  }
.Ltmp5:
0x22d: {  	vm5 =	veq.s32 v26, v13;
	vm4 =	veq.s32 v26, v11;
	v33 =	vld [tilespmem:s14+$0x13020];
	v37 =	vpop (erf);
	(erf) = vpow2.f32 v30;
	(pc) =	sbr.rel @p1 .LBB2_13-.Ltmp5, $4  }
0x22e: {  	vm7 =	veq.s32 v26, v19;
	vm6 =	veq.s32 v26, v10;
	v30 =	vld [tilespmem:s14+$0x13030];
	v44 =	vmul.f32 $1.442695020e+00, v17;
	v38 =	vpop (erf)  }
0x22f: {  	vm8 =	veq.s32 v26, v16;
	vm9 =	veq.s32 v26, v15;
	v27 =	vmovc v41;
	v45 =	vmul.f32 $1.442695020e+00, v18  }
0x230: {  	v43 =	vsel vm8, v22, v43;
	v39 =	vmul.f32 $1.442695020e+00, v40;
	(erf) = vpow2.f32 v44;
	v22 =	vmovc v40  }
0x231: {  	s15 =	sadd.s32 $0x200, s15;
	v40 =	vsel vm9, v20, v43;
	v41 =	vmul.f32 $1.442695020e+00, v42;
	(erf) = vpow2.f32 v45;
	v20 =	vmovc v42  }
0x232: {  	v42 =	vld [tilespmem:s14+$0x13060]  }
0x233: {  	v43 =	vld [tilespmem:s14+$0x13070]  }
0x234: {  	(erf) = vpow2.f32 v39  }
0x235: {  	v44 =	vmul.f32 $1.442695020e+00, v33;
	(erf) = vpow2.f32 v41  }
0x236: {  	v50 =	vmul.f32 $1.442695020e+00, v30  }
0x237: {  	v21 =	vsel vm7, v21, v40;
	v52 =	vpop (erf);
	(erf) = vpow2.f32 v44;
	v51 =	vmul.f32 $1.442695020e+00, v42  }
0x238: {  	v21 =	vsel vm6, v28, v21;
	v53 =	vpop (erf);
	(erf) = vpow2.f32 v50;
	v45 =	vmul.f32 $1.442695020e+00, v43  }
0x239: {  	v28 =	vadd.f32 v37, v29;
	v29 =	vadd.f32 v38, v36;
	v54 =	vpop (erf);
	(erf) = vpow2.f32 v51  }
0x23a: {  	v55 =	vpop (erf);
	(erf) = vpow2.f32 v45  }
0x23b: {  	v21 =	vsel vm5, v25, v21;
	v25 =	vadd.f32 v52, v34;
	v56 =	vpop (erf)  }
0x23c: {  	v57 =	vadd.f32 v53, v35;
	v21 =	vsel vm4, v23, v21;
	v23 =	vadd.f32 v31, v28;
	v58 =	vpop (erf)  }
0x23d: {  	v28 =	vadd.f32 v32, v29;
	v21 =	vsel vm3, v24, v21;
	v24 =	vadd.f32 v54, v25;
	v29 =	vpop (erf)  }
0x23e: {  	v25 =	vadd.s32 $0x80, v26;
	v31 =	vadd.f32 v55, v57;
	v21 =	vsel vm2, v27, v21;
	v26 =	vpop (erf)  }
0x23f: {  	vm3 =	veq.s32 v25, v16;
	v16 =	vadd.f32 v29, v23;
	v23 =	vadd.f32 v26, v28  }
0x240: {  	vm2 =	veq.s32 v25, v19;
	vm4 =	veq.s32 v25, v15;
	v21 =	vsel vm3, v22, v21;
	v19 =	vpop (erf)  }
0x241: {  	vm3 =	veq.s32 v25, v13;
	v20 =	vsel vm4, v20, v21;
	v26 =	vpop (erf)  }
0x242: {  	vm4 =	veq.s32 v25, v10;
	v15 =	vadd.f32 v19, v24;
	v19 =	vadd.f32 v26, v31;
	v24 =	vpop (erf)  }
0x243: {  	v10 =	vsel vm2, v33, v20;
	v16 =	vadd.f32 v56, v16;
	v22 =	vadd.f32 v58, v23;
	v23 =	vpop (erf)  }
0x244: {  	v10 =	vsel vm4, v30, v10;
	v15 =	vadd.f32 v24, v15;
	v19 =	vadd.f32 v23, v19  }
0x245: {  	vm2 =	veq.s32 v25, v11;
	v10 =	vsel vm3, v17, v10;
	vm3 =	veq.s32 v25, v12  }
0x246: {  	v10 =	vsel vm2, v18, v10;
	v13 =	vadd.f32 v22, v16;
	v15 =	vadd.f32 v19, v15  }
0x247: {  	vm2 =	veq.s32 v25, v14;
	v10 =	vsel vm3, v42, v10  }
0x248: {  	v10 =	vsel vm2, v43, v10;
	v11 =	vadd.f32 v15, v13  }
0x249: {  	s14 =	rddreg [dreg:$0xb];
	[tilespmem:s13+$0x1A000] =	vst v10  }
0x24a: {  	[tilespmem:s13+$0x19000] =	vst v11;
	s13 =	sadd.s32 s11, s14  }
0x24b: {  	[hbm4b:s13+s22] =	stream.strided.scatter [tilespmem:s6], [sflag:$0xE], $0x2000, s23, s22, $0x38;
	[tilespmem:$0x1B000] =	vst v63  }
0x24c: {  	_ =	swait.ge [sflag:s19], $0x2000  }
0x24d: {  	[sflag:s19] =	ssyncset.done $0x0  }
0x24e: {  	[sflag:s19] =	ssyncadd.s32 $0xFFFFE000  }
0x24f: {  	v10 =	vld.msk @!p0 [tilespmem:s12+$0x500], $0x1;
	_ =	sdelay $0x4  }
0x250: {  	v11 =	vshll.u32 @!p0 v10, $0x6  }
0x251: {  	v10 =	vand.u32 @!p0 $0x7, v10;
	v11 =	vand.u32 @!p0 $0xFFFFFE00, v11  }
0x252: {  	v12 =	vlaneseq.u32 @!p0;
	v10 =	vor.u32 @!p0 v10, v11;
	v11 =	vimm.s32 @!p0 $0x0  }
0x253: {  	v10 =	vperm.xlane @!p0 v10, v11;
	v11 =	vmul.u32 @!p0 $0x8, v12;
	_ =	sdelay $0x1  }
0x254: {  	v10 =	vadd.s32 @!p0 v11, v10;
	_ =	sdelay $0x3  }
0x255: {  	s14 =	simm.s32 @!p0 $0xD000;
	s13 =	simm.s32 @!p0 $0x0  }
0x256: {  	[tilespmem:s14], [sflag:$0x3] =	stream.indirect_vreg.gather @!p0 [hbm4b:s2+s13], $0x80, v10, vm1, $0xb8;
	[tilespmem:$0x1B000] =	vst v63  }
0x257: {  	s14 =	simm.s32 @!p0 $0xD800  }
0x258: {  	[tilespmem:s14], [sflag:$0x3] =	stream.indirect_vreg.gather @!p0 [hbm4b:s8+s13], $0x80, v10, vm1, $0xb8;
	[tilespmem:$0x1B000] =	vst v63  }
0x259: {  	s14 =	simm.s32 @!p0 $0xE000  }
0x25a: {  	[tilespmem:s14], [sflag:$0x3] =	stream.indirect_vreg.gather @!p0 [hbm4b:s9+s13], $0x80, v10, vm1, $0xb8;
	[tilespmem:$0x1B000] =	vst v63  }
0x25b: {  	s14 =	simm.s32 @!p0 $0xE800  }
0x25c: {  	[tilespmem:s14], [sflag:$0x3] =	stream.indirect_vreg.gather @!p0 [hbm4b:s10+s13], $0x80, v10, vm1, $0xb8;
	[tilespmem:$0x1B000] =	vst v63  }
0x25d: {  	_ =	swait.ge [sflag:s25], $0x2000  }
0x25e: {  	[sflag:s25] =	ssyncset.done $0x0  }
0x25f: {  	[sflag:s25] =	ssyncadd.s32 $0xFFFFE000  }
0x260: {  	s15 =	simm.s32 $0x0;
	v14 =	vld [tilespmem:s5+$0x8060]  }
0x261: {  	v25 =	vld [tilespmem:s15+$0x15040]  }
0x262: {  	v23 =	vld [tilespmem:s15+$0x15050]  }
0x263: {  	v30 =	vld [tilespmem:s15+$0x15000]  }
0x264: {  	v59 =	vld [tilespmem:s15+$0x15010]  }
0x265: {  	v21 =	vld [tilespmem:s15+$0x15020]  }
0x266: {  	v28 =	vld [tilespmem:s15+$0x15030]  }
0x267: {  	v36 =	vimm.f32 $0.0e+00;
	v34 =	vimm.f32 $0.0e+00;
	v24 =	vld [tilespmem:s15+$0x15060];
	v11 =	vmul.f32 $1.442695020e+00, v25  }
0x268: {  	v35 =	vimm.f32 $0.0e+00;
	v29 =	vimm.f32 $0.0e+00;
	s14 =	simm.s32 $0x80;
	v27 =	vld [tilespmem:s15+$0x15070];
	v12 =	vmul.f32 $1.442695020e+00, v23  }
0x269: {  	v26 =	vimm.s32 $0x0;
	v22 =	vld [tilespmem:s14+$0x15000];
	v17 =	vmul.f32 $1.442695020e+00, v30;
	(erf) = vpow2.f32 v11  }
0x26a: {  	v16 =	vadd.s32 v0, v14;
	v18 =	vmul.f32 $1.442695020e+00, v59;
	(erf) = vpow2.f32 v12  }
0x26b: {  	v15 =	vadd.s32 v3, v14;
	v20 =	vmul.f32 $1.442695020e+00, v21;
	(erf) = vpow2.f32 v17  }
0x26c: {  	v19 =	vadd.s32 v4, v14;
	v31 =	vmul.f32 $1.442695020e+00, v28;
	(erf) = vpow2.f32 v18  }
0x26d: {  	v10 =	vadd.s32 v5, v14;
	v60 =	vmul.f32 $1.442695020e+00, v24;
	v61 =	vmul.f32 $1.442695020e+00, v27;
	v17 =	vld [tilespmem:s14+$0x15040]  }
0x26e: {  	v13 =	vadd.s32 v6, v14;
	v39 =	vmul.f32 $1.442695020e+00, v22;
	v18 =	vld [tilespmem:s14+$0x15050];
	(erf) = vpow2.f32 v20  }
0x26f: {  	vm5 =	veq.s32 v26, v13;
	vm7 =	veq.s32 v26, v19;
	(erf) = vpow2.f32 v31  }
0x270: {  	vm6 =	veq.s32 v26, v10;
	vm8 =	veq.s32 v26, v16;
	v20 =	vld [tilespmem:s14+$0x15010];
	(erf) = vpow2.f32 v60  }
0x271: {  	v33 =	vld [tilespmem:s14+$0x15020];
	vm9 =	veq.s32 v26, v15;
	v30 =	vsel vm8, v30, v29;
	(erf) = vpow2.f32 v61  }
0x272: {  	v11 =	vadd.s32 v7, v14;
	v40 =	vsel vm9, v59, v30;
	v30 =	vld [tilespmem:s14+$0x15030];
	v62 =	vmul.f32 $1.442695020e+00, v17;
	v31 =	vpop (erf)  }
0x273: {  	v12 =	vadd.s32 v8, v14;
	v14 =	vadd.s32 v9, v14;
	v63 =	vmul.f32 $1.442695020e+00, v18;
	v32 =	vpop (erf)  }
0x274: {  	vm4 =	veq.s32 v26, v11;
	vm3 =	veq.s32 v26, v12;
	(erf) = vpow2.f32 v62;
	v37 =	vpop (erf)  }
0x275: {  	s13 =	sor.u32 $0x60, s5;
	s15 =	simm.s32 $0x400;
	vm2 =	veq.s32 v26, v14;
	v41 =	vmul.f32 $1.442695020e+00, v20;
	(erf) = vpow2.f32 v63;
	v38 =	vpop (erf)  }
.LBB2_15:
0x276: {  	p1 =	sne.s32 s15, $0x7E00;
	v42 =	vmul.f32 $1.442695020e+00, v33;
	(erf) = vpow2.f32 v39;
	v43 =	vsel vm7, v21, v40;
	v21 =	vmovc v33  }
0x277: {  	v33 =	vmul.f32 $1.442695020e+00, v30;
	v40 =	vld [tilespmem:s14+$0x15060];
	(erf) = vpow2.f32 v41;
	v43 =	vsel vm6, v28, v43;
	v39 =	vpop (erf)  }
0x278: {  	v29 =	vadd.f32 v37, v29;
	v36 =	vadd.f32 v38, v36;
	v41 =	vld [tilespmem:s14+$0x15070];
	v37 =	vsel vm5, v25, v43;
	v28 =	vpop (erf)  }
0x279: {  	v34 =	vadd.f32 v39, v34;
	v38 =	vadd.f32 v28, v35;
	v23 =	vsel vm4, v23, v37;
	v25 =	vpop (erf)  }
0x27a: {  	s14 =	sshra.s32 s15, $0x2;
	v29 =	vadd.f32 v31, v29;
	v36 =	vadd.f32 v32, v36;
	v31 =	vsel vm3, v24, v23;
	v24 =	vpop (erf)  }
0x27b: {  	v34 =	vadd.f32 v25, v34;
	v25 =	vmovc v17;
	v35 =	vadd.f32 v24, v38;
	v43 =	vsel vm2, v27, v31;
	v17 =	vld [tilespmem:s14+$0x15040]  }
0x27c: {  	v28 =	vmovc v30;
	v27 =	vmul.f32 $1.442695020e+00, v40;
	(erf) = vpow2.f32 v42;
	v24 =	vmovc v40;
	v23 =	vmov v18;
	v18 =	vld [tilespmem:s14+$0x15050]  }
0x27d: {  	v26 =	vadd.s32 $0x80, v26;
	v40 =	vld [tilespmem:s14+$0x15000];
	v30 =	vmul.f32 $1.442695020e+00, v41;
	(erf) = vpow2.f32 v33;
	v31 =	vpop (erf)  }
0x27e: {  	vm3 =	veq.s32 v26, v12;
	vm2 =	veq.s32 v26, v14;
	v42 =	vld [tilespmem:s14+$0x15010];
	v32 =	vpop (erf);
	(erf) = vpow2.f32 v27  }
.Ltmp6:
0x27f: {  	vm5 =	veq.s32 v26, v13;
	vm4 =	veq.s32 v26, v11;
	v33 =	vld [tilespmem:s14+$0x15020];
	v37 =	vpop (erf);
	(erf) = vpow2.f32 v30;
	(pc) =	sbr.rel @p1 .LBB2_15-.Ltmp6, $4  }
0x280: {  	vm7 =	veq.s32 v26, v19;
	vm6 =	veq.s32 v26, v10;
	v30 =	vld [tilespmem:s14+$0x15030];
	v44 =	vmul.f32 $1.442695020e+00, v17;
	v38 =	vpop (erf)  }
0x281: {  	vm8 =	veq.s32 v26, v16;
	vm9 =	veq.s32 v26, v15;
	v27 =	vmovc v41;
	v45 =	vmul.f32 $1.442695020e+00, v18  }
0x282: {  	v43 =	vsel vm8, v22, v43;
	v39 =	vmul.f32 $1.442695020e+00, v40;
	(erf) = vpow2.f32 v44;
	v22 =	vmovc v40  }
0x283: {  	s15 =	sadd.s32 $0x200, s15;
	v40 =	vsel vm9, v20, v43;
	v41 =	vmul.f32 $1.442695020e+00, v42;
	(erf) = vpow2.f32 v45;
	v20 =	vmovc v42  }
0x284: {  	v42 =	vld [tilespmem:s14+$0x15060]  }
0x285: {  	v43 =	vld [tilespmem:s14+$0x15070]  }
0x286: {  	(erf) = vpow2.f32 v39  }
0x287: {  	v44 =	vmul.f32 $1.442695020e+00, v33;
	(erf) = vpow2.f32 v41  }
0x288: {  	v50 =	vmul.f32 $1.442695020e+00, v30  }
0x289: {  	v21 =	vsel vm7, v21, v40;
	v52 =	vpop (erf);
	(erf) = vpow2.f32 v44;
	v51 =	vmul.f32 $1.442695020e+00, v42  }
0x28a: {  	v21 =	vsel vm6, v28, v21;
	v53 =	vpop (erf);
	(erf) = vpow2.f32 v50;
	v45 =	vmul.f32 $1.442695020e+00, v43  }
0x28b: {  	v28 =	vadd.f32 v37, v29;
	v29 =	vadd.f32 v38, v36;
	v54 =	vpop (erf);
	(erf) = vpow2.f32 v51  }
0x28c: {  	v55 =	vpop (erf);
	(erf) = vpow2.f32 v45  }
0x28d: {  	v21 =	vsel vm5, v25, v21;
	v25 =	vadd.f32 v52, v34;
	v56 =	vpop (erf)  }
0x28e: {  	v57 =	vadd.f32 v53, v35;
	v21 =	vsel vm4, v23, v21;
	v23 =	vadd.f32 v31, v28;
	v58 =	vpop (erf)  }
0x28f: {  	v28 =	vadd.f32 v32, v29;
	v21 =	vsel vm3, v24, v21;
	v24 =	vadd.f32 v54, v25;
	v29 =	vpop (erf)  }
0x290: {  	v25 =	vadd.s32 $0x80, v26;
	v31 =	vadd.f32 v55, v57;
	v21 =	vsel vm2, v27, v21;
	v26 =	vpop (erf)  }
0x291: {  	vm3 =	veq.s32 v25, v16;
	v16 =	vadd.f32 v29, v23;
	v23 =	vadd.f32 v26, v28  }
0x292: {  	vm2 =	veq.s32 v25, v19;
	vm4 =	veq.s32 v25, v15;
	v21 =	vsel vm3, v22, v21;
	v19 =	vpop (erf)  }
0x293: {  	vm3 =	veq.s32 v25, v13;
	v20 =	vsel vm4, v20, v21;
	v26 =	vpop (erf)  }
0x294: {  	vm4 =	veq.s32 v25, v10;
	v15 =	vadd.f32 v19, v24;
	v19 =	vadd.f32 v26, v31;
	v24 =	vpop (erf)  }
0x295: {  	v10 =	vsel vm2, v33, v20;
	v16 =	vadd.f32 v56, v16;
	v22 =	vadd.f32 v58, v23;
	v23 =	vpop (erf)  }
0x296: {  	v10 =	vsel vm4, v30, v10;
	v15 =	vadd.f32 v24, v15;
	v19 =	vadd.f32 v23, v19  }
0x297: {  	vm2 =	veq.s32 v25, v11;
	v10 =	vsel vm3, v17, v10;
	vm3 =	veq.s32 v25, v12  }
0x298: {  	v10 =	vsel vm2, v18, v10;
	v13 =	vadd.f32 v22, v16;
	v15 =	vadd.f32 v19, v15  }
0x299: {  	vm2 =	veq.s32 v25, v14;
	v10 =	vsel vm3, v42, v10  }
0x29a: {  	v10 =	vsel vm2, v43, v10;
	v11 =	vadd.f32 v15, v13  }
0x29b: {  	[tilespmem:s13+$0x1A000] =	vst v10  }
0x29c: {  	s14 =	sadd.s32 s11, s16;
	[tilespmem:s13+$0x19000] =	vst v11  }
0x29d: {  	[hbm4b:s14+s22] =	stream.strided.scatter [tilespmem:s21], [sflag:$0xF], $0x2000, s23, s22, $0x38;
	[tilespmem:$0x1B000] =	vst v63  }
0x29e: {  	_ =	swait.ge [sflag:s30], $0x2000  }
0x29f: {  	[sflag:s30] =	ssyncset.done $0x0  }
0x2a0: {  	[sflag:s30] =	ssyncadd.s32 $0xFFFFE000  }
0x2a1: {  	v10 =	vld.msk @!p0 [tilespmem:s12+$0x580], $0x1;
	_ =	sdelay $0x4  }
0x2a2: {  	v11 =	vshll.u32 @!p0 v10, $0x6  }
0x2a3: {  	v10 =	vand.u32 @!p0 $0x7, v10;
	v11 =	vand.u32 @!p0 $0xFFFFFE00, v11  }
0x2a4: {  	v12 =	vlaneseq.u32 @!p0;
	v10 =	vor.u32 @!p0 v10, v11;
	v11 =	vimm.s32 @!p0 $0x0  }
0x2a5: {  	v10 =	vperm.xlane @!p0 v10, v11;
	v11 =	vmul.u32 @!p0 $0x8, v12;
	_ =	sdelay $0x1  }
0x2a6: {  	v10 =	vadd.s32 @!p0 v11, v10;
	_ =	sdelay $0x3  }
0x2a7: {  	s13 =	simm.s32 @!p0 $0xF000;
	s12 =	simm.s32 @!p0 $0x0  }
0x2a8: {  	[tilespmem:s13], [sflag:$0x4] =	stream.indirect_vreg.gather @!p0 [hbm4b:s2+s12], $0x80, v10, vm1, $0xb8;
	[tilespmem:$0x1B000] =	vst v63  }
0x2a9: {  	s13 =	simm.s32 @!p0 $0xF800  }
0x2aa: {  	[tilespmem:s13], [sflag:$0x4] =	stream.indirect_vreg.gather @!p0 [hbm4b:s8+s12], $0x80, v10, vm1, $0xb8;
	[tilespmem:$0x1B000] =	vst v63  }
0x2ab: {  	s13 =	simm.s32 @!p0 $0x10000  }
0x2ac: {  	[tilespmem:s13], [sflag:$0x4] =	stream.indirect_vreg.gather @!p0 [hbm4b:s9+s12], $0x80, v10, vm1, $0xb8;
	[tilespmem:$0x1B000] =	vst v63  }
0x2ad: {  	s13 =	simm.s32 @!p0 $0x10800  }
0x2ae: {  	[tilespmem:s13], [sflag:$0x4] =	stream.indirect_vreg.gather @!p0 [hbm4b:s10+s12], $0x80, v10, vm1, $0xb8;
	[tilespmem:$0x1B000] =	vst v63  }
0x2af: {  	_ =	swait.ge [sflag:s24], $0x2000  }
0x2b0: {  	[sflag:s24] =	ssyncset.done $0x0  }
0x2b1: {  	[sflag:s24] =	ssyncadd.s32 $0xFFFFE000  }
0x2b2: {  	s15 =	simm.s32 $0x0;
	v14 =	vld [tilespmem:s5+$0x8070]  }
0x2b3: {  	v25 =	vld [tilespmem:s15+$0x17040]  }
0x2b4: {  	v23 =	vld [tilespmem:s15+$0x17050]  }
0x2b5: {  	v30 =	vld [tilespmem:s15+$0x17000]  }
0x2b6: {  	v59 =	vld [tilespmem:s15+$0x17010]  }
0x2b7: {  	v21 =	vld [tilespmem:s15+$0x17020]  }
0x2b8: {  	v28 =	vld [tilespmem:s15+$0x17030]  }
0x2b9: {  	v36 =	vimm.f32 $0.0e+00;
	v34 =	vimm.f32 $0.0e+00;
	v24 =	vld [tilespmem:s15+$0x17060];
	v11 =	vmul.f32 $1.442695020e+00, v25  }
0x2ba: {  	v35 =	vimm.f32 $0.0e+00;
	v29 =	vimm.f32 $0.0e+00;
	s12 =	simm.s32 $0x80;
	v27 =	vld [tilespmem:s15+$0x17070];
	v12 =	vmul.f32 $1.442695020e+00, v23  }
0x2bb: {  	v26 =	vimm.s32 $0x0;
	v22 =	vld [tilespmem:s12+$0x17000];
	v17 =	vmul.f32 $1.442695020e+00, v30;
	(erf) = vpow2.f32 v11  }
0x2bc: {  	v16 =	vadd.s32 v0, v14;
	v18 =	vmul.f32 $1.442695020e+00, v59;
	(erf) = vpow2.f32 v12  }
0x2bd: {  	v15 =	vadd.s32 v3, v14;
	v20 =	vmul.f32 $1.442695020e+00, v21;
	(erf) = vpow2.f32 v17  }
0x2be: {  	v19 =	vadd.s32 v4, v14;
	v31 =	vmul.f32 $1.442695020e+00, v28;
	(erf) = vpow2.f32 v18  }
0x2bf: {  	v10 =	vadd.s32 v5, v14;
	v60 =	vmul.f32 $1.442695020e+00, v24;
	v61 =	vmul.f32 $1.442695020e+00, v27;
	v17 =	vld [tilespmem:s12+$0x17040]  }
0x2c0: {  	v13 =	vadd.s32 v6, v14;
	v39 =	vmul.f32 $1.442695020e+00, v22;
	v18 =	vld [tilespmem:s12+$0x17050];
	(erf) = vpow2.f32 v20  }
0x2c1: {  	vm4 =	veq.s32 v26, v13;
	vm6 =	veq.s32 v26, v19;
	(erf) = vpow2.f32 v31  }
0x2c2: {  	vm5 =	veq.s32 v26, v10;
	vm7 =	veq.s32 v26, v16;
	v20 =	vld [tilespmem:s12+$0x17010];
	(erf) = vpow2.f32 v60  }
0x2c3: {  	v33 =	vld [tilespmem:s12+$0x17020];
	vm8 =	veq.s32 v26, v15;
	v30 =	vsel vm7, v30, v29;
	(erf) = vpow2.f32 v61  }
0x2c4: {  	v11 =	vadd.s32 v7, v14;
	v40 =	vsel vm8, v59, v30;
	v30 =	vld [tilespmem:s12+$0x17030];
	v62 =	vmul.f32 $1.442695020e+00, v17;
	v31 =	vpop (erf)  }
0x2c5: {  	v12 =	vadd.s32 v8, v14;
	v14 =	vadd.s32 v9, v14;
	v63 =	vmul.f32 $1.442695020e+00, v18;
	v32 =	vpop (erf)  }
0x2c6: {  	vm3 =	veq.s32 v26, v11;
	vm2 =	veq.s32 v26, v12;
	(erf) = vpow2.f32 v62;
	v37 =	vpop (erf)  }
0x2c7: {  	s13 =	simm.s32 $0x400;
	s5 =	sor.u32 $0x70, s5;
	vm1 =	veq.s32 v26, v14;
	v41 =	vmul.f32 $1.442695020e+00, v20;
	(erf) = vpow2.f32 v63;
	v38 =	vpop (erf)  }
.LBB2_17:
0x2c8: {  	p0 =	sne.s32 s13, $0x7E00;
	v42 =	vmul.f32 $1.442695020e+00, v33;
	(erf) = vpow2.f32 v39;
	v43 =	vsel vm6, v21, v40;
	v21 =	vmovc v33  }
0x2c9: {  	v33 =	vmul.f32 $1.442695020e+00, v30;
	v40 =	vld [tilespmem:s12+$0x17060];
	(erf) = vpow2.f32 v41;
	v43 =	vsel vm5, v28, v43;
	v39 =	vpop (erf)  }
0x2ca: {  	v29 =	vadd.f32 v37, v29;
	v36 =	vadd.f32 v38, v36;
	v41 =	vld [tilespmem:s12+$0x17070];
	v37 =	vsel vm4, v25, v43;
	v28 =	vpop (erf)  }
0x2cb: {  	v34 =	vadd.f32 v39, v34;
	v38 =	vadd.f32 v28, v35;
	v23 =	vsel vm3, v23, v37;
	v25 =	vpop (erf)  }
0x2cc: {  	s12 =	sshra.s32 s13, $0x2;
	v29 =	vadd.f32 v31, v29;
	v36 =	vadd.f32 v32, v36;
	v31 =	vsel vm2, v24, v23;
	v24 =	vpop (erf)  }
0x2cd: {  	v34 =	vadd.f32 v25, v34;
	v25 =	vmovc v17;
	v35 =	vadd.f32 v24, v38;
	v43 =	vsel vm1, v27, v31;
	v17 =	vld [tilespmem:s12+$0x17040]  }
0x2ce: {  	v28 =	vmovc v30;
	v27 =	vmul.f32 $1.442695020e+00, v40;
	(erf) = vpow2.f32 v42;
	v24 =	vmovc v40;
	v23 =	vmov v18;
	v18 =	vld [tilespmem:s12+$0x17050]  }
0x2cf: {  	v26 =	vadd.s32 $0x80, v26;
	v40 =	vld [tilespmem:s12+$0x17000];
	v30 =	vmul.f32 $1.442695020e+00, v41;
	(erf) = vpow2.f32 v33;
	v31 =	vpop (erf)  }
0x2d0: {  	vm2 =	veq.s32 v26, v12;
	vm1 =	veq.s32 v26, v14;
	v42 =	vld [tilespmem:s12+$0x17010];
	v32 =	vpop (erf);
	(erf) = vpow2.f32 v27  }
.Ltmp7:
0x2d1: {  	vm4 =	veq.s32 v26, v13;
	vm3 =	veq.s32 v26, v11;
	v33 =	vld [tilespmem:s12+$0x17020];
	v37 =	vpop (erf);
	(erf) = vpow2.f32 v30;
	(pc) =	sbr.rel @p0 .LBB2_17-.Ltmp7, $4  }
0x2d2: {  	vm6 =	veq.s32 v26, v19;
	vm5 =	veq.s32 v26, v10;
	v30 =	vld [tilespmem:s12+$0x17030];
	v44 =	vmul.f32 $1.442695020e+00, v17;
	v38 =	vpop (erf)  }
0x2d3: {  	vm7 =	veq.s32 v26, v16;
	vm8 =	veq.s32 v26, v15;
	v27 =	vmovc v41;
	v45 =	vmul.f32 $1.442695020e+00, v18  }
0x2d4: {  	v43 =	vsel vm7, v22, v43;
	v39 =	vmul.f32 $1.442695020e+00, v40;
	(erf) = vpow2.f32 v44;
	v22 =	vmovc v40  }
0x2d5: {  	s13 =	sadd.s32 $0x200, s13;
	v40 =	vsel vm8, v20, v43;
	v41 =	vmul.f32 $1.442695020e+00, v42;
	(erf) = vpow2.f32 v45;
	v20 =	vmovc v42  }
0x2d6: {  	v42 =	vld [tilespmem:s12+$0x17060]  }
0x2d7: {  	v43 =	vld [tilespmem:s12+$0x17070];
	_ =	sdelay $0x1  }
0x2d8: {  	v44 =	vmul.f32 $1.442695020e+00, v33;
	(erf) = vpow2.f32 v39  }
0x2d9: {  	v55 =	vmul.f32 $1.442695020e+00, v30;
	(erf) = vpow2.f32 v41  }
0x2da: {  	(erf) = vpow2.f32 v44;
	v56 =	vmul.f32 $1.442695020e+00, v42  }
0x2db: {  	v57 =	vpop (erf);
	(erf) = vpow2.f32 v55;
	v45 =	vmul.f32 $1.442695020e+00, v43  }
0x2dc: {  	v58 =	vpop (erf);
	(erf) = vpow2.f32 v56  }
0x2dd: {  	v21 =	vsel vm6, v21, v40;
	v61 =	vadd.f32 v37, v29;
	v59 =	vpop (erf);
	(erf) = vpow2.f32 v45  }
0x2de: {  	v62 =	vadd.f32 v38, v36;
	v51 =	vadd.s32 $0x80, v26;
	v21 =	vsel vm5, v28, v21;
	v60 =	vpop (erf)  }
0x2df: {  	v21 =	vsel vm4, v25, v21;
	v40 =	vadd.f32 v57, v34;
	v47 =	vadd.f32 v31, v61;
	v63 =	vpop (erf)  }
0x2e0: {  	v48 =	vadd.f32 v32, v62;
	v44 =	vadd.f32 v58, v35;
	v21 =	vsel vm3, v23, v21;
	v46 =	vpop (erf)  }
0x2e1: {  	vm3 =	veq.s32 v51, v15;
	v21 =	vsel vm2, v24, v21;
	v50 =	vadd.f32 v59, v40;
	v49 =	vpop (erf)  }
0x2e2: {  	vm2 =	veq.s32 v51, v16;
	v53 =	vadd.f32 v60, v44;
	v21 =	vsel vm1, v27, v21;
	v52 =	vpop (erf)  }
0x2e3: {  	vm1 =	veq.s32 v51, v19;
	v21 =	vsel vm2, v22, v21;
	vm2 =	veq.s32 v51, v13;
	v54 =	vpop (erf)  }
0x2e4: {  	v20 =	vsel vm3, v20, v21;
	v55 =	vadd.f32 v49, v47;
	v56 =	vadd.f32 v52, v48;
	v57 =	vpop (erf)  }
0x2e5: {  	vm3 =	veq.s32 v51, v10;
	v58 =	vadd.f32 v54, v50;
	v59 =	vadd.f32 v57, v53;
	v60 =	vpop (erf)  }
0x2e6: {  	v10 =	vsel vm1, v33, v20;
	v16 =	vadd.f32 v63, v55;
	v61 =	vadd.f32 v46, v56;
	v62 =	vpop (erf)  }
0x2e7: {  	v10 =	vsel vm3, v30, v10;
	v15 =	vadd.f32 v60, v58;
	v19 =	vadd.f32 v62, v59  }
0x2e8: {  	s31 =	sadd.s32 $0x1, s31;
	vm1 =	veq.s32 v51, v11;
	v10 =	vsel vm2, v17, v10;
	vm2 =	veq.s32 v51, v12  }
0x2e9: {  	p0 =	sne.s32 s31, $0x20;
	v10 =	vsel vm1, v18, v10;
	v63 =	vadd.f32 v61, v16;
	v15 =	vadd.f32 v19, v15  }
.Ltmp8:
0x2ea: {  	vm1 =	veq.s32 v51, v14;
	v10 =	vsel vm2, v42, v10;
	(pc) =	sbr.rel @p0 .LBB2_2-.Ltmp8, $4  }
0x2eb: {  	v10 =	vsel vm1, v43, v10;
	v11 =	vadd.f32 v15, v63  }
0x2ec: {  	[tilespmem:s5+$0x1A000] =	vst v10  }
0x2ed: {  	s15 =	sadd.s32 s11, s17;
	[tilespmem:s5+$0x19000] =	vst v11  }
0x2ee: {  	[hbm4b:s15+s22] =	stream.strided.scatter [tilespmem:s0], [sflag:$0x10], $0x2000, s23, s22, $0x38;
	[tilespmem:$0x1B000] =	vst v63  }
0x2ef: {  	s5 =	simm.s32 $0xD  }
0x2f0: {  	_ =	swait.ge [sflag:s5], $0x2000  }
0x2f1: {  	[sflag:s5] =	ssyncset.done $0x0  }
0x2f2: {  	s15 =	simm.s32 $0xE;
	[sflag:s5] =	ssyncadd.s32 $0xFFFFE000  }
0x2f3: {  	_ =	swait.ge [sflag:s15], $0x2000  }
0x2f4: {  	[sflag:s15] =	ssyncset.done $0x0  }
0x2f5: {  	s31 =	simm.s32 $0xF;
	[sflag:s15] =	ssyncadd.s32 $0xFFFFE000  }
0x2f6: {  	_ =	swait.ge [sflag:s31], $0x2000  }
0x2f7: {  	[sflag:s31] =	ssyncset.done $0x0  }
0x2f8: {  	s11 =	simm.s32 $0x10;
	[sflag:s31] =	ssyncadd.s32 $0xFFFFE000  }
0x2f9: {  	_ =	swait.ge [sflag:s11], $0x2000  }
0x2fa: {  	[sflag:s11] =	ssyncset.done $0x0  }
0x2fb: {  	s12 =	rddreg [dreg:$0xc];
	[sflag:s11] =	ssyncadd.s32 $0xFFFFE000;
	s11 =	simm.s32 $0x19000  }
0x2fc: {  	[hbm4b:s12+s22] =	stream.strided.scatter [tilespmem:s11], [sflag:$0x11], $0x1000, s23, s22, $0x38;
	[tilespmem:$0x1B000] =	vst v63  }
0x2fd: {  	s12 =	simm.s32 $0x11  }
0x2fe: {  	_ =	swait.ge [sflag:s12], $0x1000  }
0x2ff: {  	[sflag:s12] =	ssyncset.done $0x0  }
0x300: {  	s14 =	simm.s32 $0x1A000;
	s13 =	rddreg [dreg:$0xd];
	[sflag:s12] =	ssyncadd.s32 $0xFFFFF000  }
0x301: {  	[hbm4b:s13+s22] =	stream.strided.scatter [tilespmem:s14], [sflag:$0x11], $0x1000, s23, s22, $0x38;
	[tilespmem:$0x1B000] =	vst v63  }
0x302: {  	_ =	swait.ge [sflag:s12], $0x1000  }
0x303: {  	s15 =	rddreg [dreg:$0xf]  }
0x304: {  	s31 =	rddreg [dreg:$0xe];
	s11 =	sadd.s32 $0x1, s15  }
0x305: {  	p0 =	sne.s32 s11, s31  }
.Ltmp9:
0x306: {  	_ = 	snop;
	(pc) =	sbr.rel @p0 .LBB2_1-.Ltmp9, $3  }
0x307: {  	_ =	sdelay $0x1  }
0x308: {  	[sflag:s12] =	ssyncset.done $0x0  }
0x309: {  	[sflag:s12] =	ssyncadd.s32 $0xFFFFF000  }
0x30a: {  	_ =	sfence.sel $0x180000  }
0x30b: {  	[bflag:$0x0] =	sbarrier.arrive $0xFFFF  }
0x30c: {  	_ =	strace $0x90000047  }
0x30d: {  	s0 =	stileid.u32;
	[bflag:$0x2] =	sbarrier.arrive $0xFFFF  }
0x30e: {  	p0 =	sne.s32 s0, $0x0;
	s0 =	rddreg [dreg:$0x3]  }
0x30f: {  	s0 =	sadd.s32 @!p0 $0x100000, s0  }
0x310: {  	[sflag:s0] =	ssyncadd.tile.s32 @!p0 $0x1;
	_ =	shalt  }
.Lfunc_end2:
_tile_overlayer_lowered:
.L_overlay_start_2:
0x311: {  	(tag) =	ssettag $0x2  }
0x312: {  	s0 =	rddreg [dreg:$0x0];
	s2 =	stileid.u32  }
0x313: {  	s1 =	rddreg [dreg:$0x1];
	p0 =	sne.s32 s2, $0x0  }
0x314: {  	s3 =	rddreg [dreg:$0x2];
	[bflag:$0x3] =	sbarrier.arrive $0xFFFF;
	s2 =	simm.s32 @!p0 $0x1C11  }
0x315: {  	[timem:s3], [sflag:s2] =	dma.local @!p0 [hbm:s0], s1  }
0x316: {  	s0 =	simm.s32 @!p0 $0x11  }
0x317: {  	_ =	swait.ge @!p0 [sflag:s0], s1  }
0x318: {  	s1 =	ssub.s32 @!p0 $0x0, s1;
	[sflag:s0] =	ssyncset.done @!p0 $0x0  }
0x319: {  	[sflag:s0] =	ssyncadd.s32 @!p0 s1  }
0x31a: {  	[bflag:$0x3] =	sbarrier.arrive $0xFFFF  }
0x31b: {  	_ =	shalt  }

</sc_bundles>
